<compile_context>
chip_gen: v7x
topology: tpu7x:2x2x1
jax: 0.10.2.dev20260603
libtpu: 0.0.44.dev20260713+nightly
codegen_flags: <defaults>
</compile_context>

<pallas_src>
import functools

import jax
import jax.numpy as jnp
from jax import lax
from jax.experimental import pallas as pl
from jax.experimental.pallas import tpu as pltpu
from jax.experimental.pallas import tpu_sc as plsc

_N, _C, _H, _W = 32, 384, 56, 56
_L = 16
_CT = _C // 128
_GROUPS = _N * _H * (_W // 8)
_GROW = _CT * 8 * 128


def _gather_base():
    perm = jax.random.permutation(jax.random.key(42), _C).astype(jnp.int32)
    return (perm // 128) * 1024 + perm % 128


_NC, _NS = 2, 16
_NW = _NC * _NS
_GPW = _GROUPS // _NW
_GCH = 8
_NCHUNK = _GPW // _GCH
_CHW = _GCH * _GROW
_KB = _C // _L

_mesh = plsc.VectorSubcoreMesh(core_axis_name="c", subcore_axis_name="s")


@functools.partial(
    pl.kernel,
    mesh=_mesh,
    out_type=jax.ShapeDtypeStruct((_GROUPS * _GROW,), jnp.float32),
    compiler_params=pltpu.CompilerParams(
        use_tc_tiling_on_sc=False, needs_layout_passes=False),
    scratch_types=[
        pltpu.VMEM((_C,), jnp.int32),
        pltpu.VMEM((_CHW,), jnp.float32),
        pltpu.VMEM((_CHW,), jnp.float32),
        pltpu.VMEM((_CHW,), jnp.float32),
        pltpu.VMEM((_CHW,), jnp.float32),
        pltpu.SemaphoreType.DMA,
        pltpu.SemaphoreType.DMA,
        pltpu.SemaphoreType.DMA,
        pltpu.SemaphoreType.DMA,
    ],
)
def _shuffle_groups(x_hbm, idx_hbm, out_hbm,
                    idx_v, in0, in1, ou0, ou1, g0, g1, s0, s1):
    ins, ous, gsems, ssems = (in0, in1), (ou0, ou1), (g0, g1), (s0, s1)
    wid = lax.axis_index("s") * _NC + lax.axis_index("c")
    base = wid * _GPW * _GROW
    pltpu.sync_copy(idx_hbm, idx_v)

    def g_copy(v, b):
        return pltpu.make_async_copy(
            x_hbm.at[pl.ds(base + v * _CHW, _CHW)], ins[b], gsems[b])

    def s_copy(v, b):
        return pltpu.make_async_copy(
            ous[b], out_hbm.at[pl.ds(base + v * _CHW, _CHW)], ssems[b])

    ivs = [idx_v[pl.ds(k * _L, _L)] for k in range(_KB)]

    def permute(b):
        @plsc.parallel_loop(0, _GCH * 8, unroll=8)
        def _sweep(q):
            off = (q // 8) * _GROW + (q % 8) * 128
            for k in range(_KB):
                ct, m = divmod(k, 8)
                dst0 = ct * 1024 + m * _L
                g = plsc.load_gather(ins[b], [ivs[k] + off])
                ous[b][pl.ds(dst0 + off, _L)] = g

    g_copy(0, 0).start()

    @pl.loop(0, _NCHUNK, step=2)
    def _(i):
        for b in range(2):
            v = i + b

            @pl.when(v < _NCHUNK)
            def _chunk():
                g_copy(v, b).wait()

                @pl.when(v + 1 < _NCHUNK)
                def _prefetch():
                    g_copy(v + 1, 1 - b).start()

                @pl.when(v >= 2)
                def _drain_prev():
                    s_copy(v - 2, b).wait()
                permute(b)
                s_copy(v, b).start()

    s_copy(_NCHUNK - 2, (_NCHUNK - 2) % 2).wait()
    s_copy(_NCHUNK - 1, (_NCHUNK - 1) % 2).wait()


def kernel(input):
    xp = jnp.transpose(input, (0, 2, 3, 1))
    xp = xp.reshape(_GROUPS, 8, _CT, 128)
    xp = jnp.transpose(xp, (0, 2, 1, 3)).reshape(_GROUPS * _GROW)
    out = _shuffle_groups(xp, _gather_base())
    out = out.reshape(_GROUPS, _CT, 8, 128)
    out = jnp.transpose(out, (0, 2, 1, 3)).reshape(_N, _H, _W, _C)
    return jnp.transpose(out, (0, 3, 1, 2))

# --- scband reference (transcript-rebuilt; emitter-appended) ---
"""Pipeline reference for scband-shuffle-block-63402307224350 (READ-ONLY COPY).

The authoritative reference and input builder live on the scoring server;
editing this copy changes nothing except your own understanding.
"""

import jax, jax.numpy as jnp
import numpy as np

def setup_inputs(seed: int = 0) -> dict:
    key = jax.random.key(seed)
    x = jax.random.normal(key, (32, 384, 56, 56), dtype=jnp.float32)
    return {"input": x}

def reference(input):
    # ShuffleBlock: randomly permute channel dimension.
    # torch.randperm is replaced by a fixed-seed jax permutation for determinism.
    C = input.shape[1]
    shuffled_channel = jax.random.permutation(jax.random.key(42), C)
    output = jnp.take(input, shuffled_channel, axis=1)
    return output

if __name__ == "__main__":
    import jax
    _d = setup_inputs()
    print(jax.jit(kernel)(*tuple(_d.values())))

</pallas_src>

<mosaic_0001>
#map = affine_map<(d0, d1) -> (0)>
module attributes {stable_mosaic.version = 14 : i64} {
  func.func @_shuffle_groups(%arg0: i32, %arg1: i32, %arg2: memref<38535168xf32, #tpu.memory_space<hbm>>, %arg3: memref<384xi32, #tpu.memory_space<hbm>>, %arg4: memref<38535168xf32, #tpu.memory_space<hbm>>, %arg5: memref<384xi32, #tpu.memory_space<vmem>>, %arg6: memref<24576xf32, #tpu.memory_space<vmem>>, %arg7: memref<24576xf32, #tpu.memory_space<vmem>>, %arg8: memref<24576xf32, #tpu.memory_space<vmem>>, %arg9: memref<24576xf32, #tpu.memory_space<vmem>>, %arg10: memref<!tpu.dma_semaphore, #tpu.memory_space<semaphore_mem>>, %arg11: memref<!tpu.dma_semaphore, #tpu.memory_space<semaphore_mem>>, %arg12: memref<!tpu.dma_semaphore, #tpu.memory_space<semaphore_mem>>, %arg13: memref<!tpu.dma_semaphore, #tpu.memory_space<semaphore_mem>>) attributes {dimension_semantics = [#tpu.dimension_semantics<core_parallel>, #tpu.dimension_semantics<subcore_parallel>], iteration_bounds = array<i64: 2, 16>, scalar_prefetch = 0 : i64, scratch_operands = 9 : i64, tpu.core_type = #tpu.core_type<sc_vector_subcore>, window_params = [{transform_indices = #map}, {transform_indices = #map}, {transform_indices = #map}]} {
    %mul3A = arith.constant 2 : i32
    %mul3A_0 = arith.muli %arg1, %mul3A : i32
    %add3A = arith.addi %mul3A_0, %arg0 : i32
    %mul3A_1 = arith.constant 392 : i32
    %mul3A_2 = arith.muli %add3A, %mul3A_1 : i32
    %mul3A_3 = arith.constant 3072 : i32
    %mul3A_4 = arith.muli %mul3A_2, %mul3A_3 : i32
    "tpu.region"() ({
      %run_scoped3A = tpu.sem_alloc : memref<!tpu.dma_semaphore, #tpu.memory_space<semaphore_mem>>
      tpu.enqueue_dma source(%arg3 : memref<384xi32, #tpu.memory_space<hbm>>) target(%arg5 : memref<384xi32, #tpu.memory_space<vmem>>) target_semaphore(%run_scoped3A : memref<!tpu.dma_semaphore, #tpu.memory_space<semaphore_mem>>)
      tpu.wait_dma2 semaphore(%run_scoped3A : memref<!tpu.dma_semaphore, #tpu.memory_space<semaphore_mem>>) src(%arg3 : memref<384xi32, #tpu.memory_space<hbm>>) dst(%arg5 : memref<384xi32, #tpu.memory_space<vmem>>)
      tpu.yield
    }) : () -> ()
    %get3A = arith.constant 0 : index
    %get3A_5 = tpu.vector_load %arg5[%get3A] {strides = array<i32>} : memref<384xi32, #tpu.memory_space<vmem>>, vector<16xi32>,
    %get3A_6 = arith.constant 16 : index
    %get3A_7 = tpu.vector_load %arg5[%get3A_6] {strides = array<i32>} : memref<384xi32, #tpu.memory_space<vmem>>, vector<16xi32>,
    %get3A_8 = arith.constant 32 : index
    %get3A_9 = tpu.vector_load %arg5[%get3A_8] {strides = array<i32>} : memref<384xi32, #tpu.memory_space<vmem>>, vector<16xi32>,
    %get3A_10 = arith.constant 48 : index
    %get3A_11 = tpu.vector_load %arg5[%get3A_10] {strides = array<i32>} : memref<384xi32, #tpu.memory_space<vmem>>, vector<16xi32>,
    %get3A_12 = arith.constant 64 : index
    %get3A_13 = tpu.vector_load %arg5[%get3A_12] {strides = array<i32>} : memref<384xi32, #tpu.memory_space<vmem>>, vector<16xi32>,
    %get3A_14 = arith.constant 80 : index
    %get3A_15 = tpu.vector_load %arg5[%get3A_14] {strides = array<i32>} : memref<384xi32, #tpu.memory_space<vmem>>, vector<16xi32>,
    %get3A_16 = arith.constant 96 : index
    %get3A_17 = tpu.vector_load %arg5[%get3A_16] {strides = array<i32>} : memref<384xi32, #tpu.memory_space<vmem>>, vector<16xi32>,
    %get3A_18 = arith.constant 112 : index
    %get3A_19 = tpu.vector_load %arg5[%get3A_18] {strides = array<i32>} : memref<384xi32, #tpu.memory_space<vmem>>, vector<16xi32>,
    %get3A_20 = arith.constant 128 : index
    %get3A_21 = tpu.vector_load %arg5[%get3A_20] {strides = array<i32>} : memref<384xi32, #tpu.memory_space<vmem>>, vector<16xi32>,
    %get3A_22 = arith.constant 144 : index
    %get3A_23 = tpu.vector_load %arg5[%get3A_22] {strides = array<i32>} : memref<384xi32, #tpu.memory_space<vmem>>, vector<16xi32>,
    %get3A_24 = arith.constant 160 : index
    %get3A_25 = tpu.vector_load %arg5[%get3A_24] {strides = array<i32>} : memref<384xi32, #tpu.memory_space<vmem>>, vector<16xi32>,
    %get3A_26 = arith.constant 176 : index
    %get3A_27 = tpu.vector_load %arg5[%get3A_26] {strides = array<i32>} : memref<384xi32, #tpu.memory_space<vmem>>, vector<16xi32>,
    %get3A_28 = arith.constant 192 : index
    %get3A_29 = tpu.vector_load %arg5[%get3A_28] {strides = array<i32>} : memref<384xi32, #tpu.memory_space<vmem>>, vector<16xi32>,
    %get3A_30 = arith.constant 208 : index
    %get3A_31 = tpu.vector_load %arg5[%get3A_30] {strides = array<i32>} : memref<384xi32, #tpu.memory_space<vmem>>, vector<16xi32>,
    %get3A_32 = arith.constant 224 : index
    %get3A_33 = tpu.vector_load %arg5[%get3A_32] {strides = array<i32>} : memref<384xi32, #tpu.memory_space<vmem>>, vector<16xi32>,
    %get3A_34 = arith.constant 240 : index
    %get3A_35 = tpu.vector_load %arg5[%get3A_34] {strides = array<i32>} : memref<384xi32, #tpu.memory_space<vmem>>, vector<16xi32>,
    %get3A_36 = arith.constant 256 : index
    %get3A_37 = tpu.vector_load %arg5[%get3A_36] {strides = array<i32>} : memref<384xi32, #tpu.memory_space<vmem>>, vector<16xi32>,
    %get3A_38 = arith.constant 272 : index
    %get3A_39 = tpu.vector_load %arg5[%get3A_38] {strides = array<i32>} : memref<384xi32, #tpu.memory_space<vmem>>, vector<16xi32>,
    %get3A_40 = arith.constant 288 : index
    %get3A_41 = tpu.vector_load %arg5[%get3A_40] {strides = array<i32>} : memref<384xi32, #tpu.memory_space<vmem>>, vector<16xi32>,
    %get3A_42 = arith.constant 304 : index
    %get3A_43 = tpu.vector_load %arg5[%get3A_42] {strides = array<i32>} : memref<384xi32, #tpu.memory_space<vmem>>, vector<16xi32>,
    %get3A_44 = arith.constant 320 : index
    %get3A_45 = tpu.vector_load %arg5[%get3A_44] {strides = array<i32>} : memref<384xi32, #tpu.memory_space<vmem>>, vector<16xi32>,
    %get3A_46 = arith.constant 336 : index
    %get3A_47 = tpu.vector_load %arg5[%get3A_46] {strides = array<i32>} : memref<384xi32, #tpu.memory_space<vmem>>, vector<16xi32>,
    %get3A_48 = arith.constant 352 : index
    %get3A_49 = tpu.vector_load %arg5[%get3A_48] {strides = array<i32>} : memref<384xi32, #tpu.memory_space<vmem>>, vector<16xi32>,
    %get3A_50 = arith.constant 368 : index
    %get3A_51 = tpu.vector_load %arg5[%get3A_50] {strides = array<i32>} : memref<384xi32, #tpu.memory_space<vmem>>, vector<16xi32>,
    %add3A_52 = arith.constant 0 : i32
    %add3A_53 = arith.addi %mul3A_4, %add3A_52 : i32
    %dma_start3A = tpu.memref_slice %arg2[%add3A_53] : memref<38535168xf32, #tpu.memory_space<hbm>> -> memref<24576xf32, #tpu.memory_space<hbm>>
    %dma_start3A_54 = tpu.memref_slice %arg2[%add3A_53] : memref<38535168xf32, #tpu.memory_space<hbm>> -> memref<24576xf32, #tpu.memory_space<hbm>>
    tpu.enqueue_dma source(%dma_start3A_54 : memref<24576xf32, #tpu.memory_space<hbm>>) target(%arg6 : memref<24576xf32, #tpu.memory_space<vmem>>) target_semaphore(%arg10 : memref<!tpu.dma_semaphore, #tpu.memory_space<semaphore_mem>>)
    %scan3A = arith.constant 0 : i32
    %scan3A_55 = arith.constant 25 : i32
    %scan3A_56 = arith.addi %scan3A, %scan3A_55 : i32
    %scan3A_57 = arith.constant 1 : i32
    scf.for %scan3A_66 = %scan3A to %scan3A_56 step %scan3A_57  : i32 {
      %mul3A_67 = arith.constant 2 : i32
      %mul3A_68 = arith.muli %scan3A_66, %mul3A_67 : i32
      %add3A_69 = arith.constant 0 : i32
      %add3A_70 = arith.addi %add3A_69, %mul3A_68 : i32
      %add3A_71 = arith.constant 0 : i32
      %add3A_72 = arith.addi %add3A_70, %add3A_71 : i32
      %lt3A = arith.constant 49 : i32
      %lt3A_73 = arith.cmpi slt, %add3A_72, %lt3A : i32
      %convert_element_type3A = arith.extui %lt3A_73 : i1 to i32
      %cond3A = arith.constant 0 : i32
      %cond3A_74 = arith.cmpi ne, %convert_element_type3A, %cond3A : i32
      scf.if %cond3A_74 {
        %mul3A_82 = arith.constant 24576 : i32
        %mul3A_83 = arith.muli %add3A_72, %mul3A_82 : i32
        %add3A_84 = arith.addi %mul3A_4, %mul3A_83 : i32
        %dma_wait3A_85 = tpu.memref_slice %arg2[%add3A_84] : memref<38535168xf32, #tpu.memory_space<hbm>> -> memref<24576xf32, #tpu.memory_space<hbm>>
        %dma_wait3A_86 = tpu.memref_slice %arg2[%add3A_84] : memref<38535168xf32, #tpu.memory_space<hbm>> -> memref<24576xf32, #tpu.memory_space<hbm>>
        tpu.wait_dma2 semaphore(%arg10 : memref<!tpu.dma_semaphore, #tpu.memory_space<semaphore_mem>>) src(%dma_wait3A_86 : memref<24576xf32, #tpu.memory_space<hbm>>) dst(%arg6 : memref<24576xf32, #tpu.memory_space<vmem>>)
        %add3A_87 = arith.constant 1 : i32
        %add3A_88 = arith.addi %add3A_72, %add3A_87 : i32
        %lt3A_89 = arith.constant 49 : i32
        %lt3A_90 = arith.cmpi slt, %add3A_88, %lt3A_89 : i32
        %convert_element_type3A_91 = arith.extui %lt3A_90 : i1 to i32
        %cond3A_92 = arith.constant 0 : i32
        %cond3A_93 = arith.cmpi ne, %convert_element_type3A_91, %cond3A_92 : i32
        scf.if %cond3A_93 {
          %add3A_105 = arith.constant 1 : i32
          %add3A_106 = arith.addi %add3A_72, %add3A_105 : i32
          %mul3A_107 = arith.constant 24576 : i32
          %mul3A_108 = arith.muli %add3A_106, %mul3A_107 : i32
          %add3A_109 = arith.addi %mul3A_4, %mul3A_108 : i32
          %dma_start3A_110 = tpu.memref_slice %arg2[%add3A_109] : memref<38535168xf32, #tpu.memory_space<hbm>> -> memref<24576xf32, #tpu.memory_space<hbm>>
          %dma_start3A_111 = tpu.memref_slice %arg2[%add3A_109] : memref<38535168xf32, #tpu.memory_space<hbm>> -> memref<24576xf32, #tpu.memory_space<hbm>>
          tpu.enqueue_dma source(%dma_start3A_111 : memref<24576xf32, #tpu.memory_space<hbm>>) target(%arg7 : memref<24576xf32, #tpu.memory_space<vmem>>) target_semaphore(%arg11 : memref<!tpu.dma_semaphore, #tpu.memory_space<semaphore_mem>>)
        } else {
        }
        %ge3A = arith.constant 2 : i32
        %ge3A_94 = arith.cmpi sge, %add3A_72, %ge3A : i32
        %convert_element_type3A_95 = arith.extui %ge3A_94 : i1 to i32
        %cond3A_96 = arith.constant 0 : i32
        %cond3A_97 = arith.cmpi ne, %convert_element_type3A_95, %cond3A_96 : i32
        scf.if %cond3A_97 {
          %sub3A = arith.constant 2 : i32
          %sub3A_105 = arith.subi %add3A_72, %sub3A : i32
          %mul3A_106 = arith.constant 24576 : i32
          %mul3A_107 = arith.muli %sub3A_105, %mul3A_106 : i32
          %add3A_108 = arith.addi %mul3A_4, %mul3A_107 : i32
          %dma_wait3A_109 = tpu.memref_slice %arg4[%add3A_108] : memref<38535168xf32, #tpu.memory_space<hbm>> -> memref<24576xf32, #tpu.memory_space<hbm>>
          %dma_wait3A_110 = tpu.memref_slice %arg4[%add3A_108] : memref<38535168xf32, #tpu.memory_space<hbm>> -> memref<24576xf32, #tpu.memory_space<hbm>>
          tpu.wait_dma2 semaphore(%arg12 : memref<!tpu.dma_semaphore, #tpu.memory_space<semaphore_mem>>) src(%arg8 : memref<24576xf32, #tpu.memory_space<vmem>>) dst(%dma_wait3A_110 : memref<24576xf32, #tpu.memory_space<hbm>>)
        } else {
        }
        %parallel_loop3A = arith.constant 0 : i32
        %parallel_loop3A_98 = arith.constant 64 : i32
        %parallel_loop3A_99 = arith.constant 1 : i32
        scf.for %parallel_loop3A_105 = %parallel_loop3A to %parallel_loop3A_98 step %parallel_loop3A_99  : i32 {
          %parallel_loop3A_106 = arith.constant 8 : i32
          %parallel_loop3A_107 = arith.divsi %parallel_loop3A_105, %parallel_loop3A_106 : i32
          %parallel_loop3A_108 = arith.constant 0 : i32
          %parallel_loop3A_109 = arith.cmpi sgt, %parallel_loop3A_105, %parallel_loop3A_108 : i32
          %parallel_loop3A_110 = arith.extui %parallel_loop3A_109 : i1 to i32
          %parallel_loop3A_111 = arith.constant 0 : i32
          %parallel_loop3A_112 = arith.cmpi slt, %parallel_loop3A_105, %parallel_loop3A_111 : i32
          %parallel_loop3A_113 = arith.extui %parallel_loop3A_112 : i1 to i32
          %parallel_loop3A_114 = arith.subi %parallel_loop3A_110, %parallel_loop3A_113 : i32
          %parallel_loop3A_115 = arith.constant 0 : i32
          %parallel_loop3A_116 = arith.cmpi sgt, %parallel_loop3A_106, %parallel_loop3A_115 : i32
          %parallel_loop3A_117 = arith.extui %parallel_loop3A_116 : i1 to i32
          %parallel_loop3A_118 = arith.constant 0 : i32
          %parallel_loop3A_119 = arith.cmpi slt, %parallel_loop3A_106, %parallel_loop3A_118 : i32
          %parallel_loop3A_120 = arith.extui %parallel_loop3A_119 : i1 to i32
          %parallel_loop3A_121 = arith.subi %parallel_loop3A_117, %parallel_loop3A_120 : i32
          %parallel_loop3A_122 = arith.cmpi ne, %parallel_loop3A_114, %parallel_loop3A_121 : i32
          %parallel_loop3A_123 = arith.remsi %parallel_loop3A_105, %parallel_loop3A_106 : i32
          %parallel_loop3A_124 = arith.constant 0 : i32
          %parallel_loop3A_125 = arith.cmpi ne, %parallel_loop3A_123, %parallel_loop3A_124 : i32
          %parallel_loop3A_126 = arith.andi %parallel_loop3A_122, %parallel_loop3A_125 : i1
          %parallel_loop3A_127 = arith.constant 1 : i32
          %parallel_loop3A_128 = arith.subi %parallel_loop3A_107, %parallel_loop3A_127 : i32
          %parallel_loop3A_129 = arith.select %parallel_loop3A_126, %parallel_loop3A_128, %parallel_loop3A_107 : i32
          %parallel_loop3A_130 = arith.constant 3072 : i32
          %parallel_loop3A_131 = arith.muli %parallel_loop3A_129, %parallel_loop3A_130 : i32
          %parallel_loop3A_132 = arith.constant 8 : i32
          %parallel_loop3A_133 = arith.constant 0 : i32
          %parallel_loop3A_134 = arith.cmpi eq, %parallel_loop3A_132, %parallel_loop3A_133 : i32
          %parallel_loop3A_135 = arith.constant 1 : i32
          %parallel_loop3A_136 = arith.select %parallel_loop3A_134, %parallel_loop3A_135, %parallel_loop3A_132 : i32
          %parallel_loop3A_137 = arith.remsi %parallel_loop3A_105, %parallel_loop3A_136 : i32
          %parallel_loop3A_138 = arith.constant 0 : i32
          %parallel_loop3A_139 = arith.cmpi ne, %parallel_loop3A_137, %parallel_loop3A_138 : i32
          %parallel_loop3A_140 = arith.constant 0 : i32
          %parallel_loop3A_141 = arith.cmpi slt, %parallel_loop3A_137, %parallel_loop3A_140 : i32
          %parallel_loop3A_142 = arith.constant 0 : i32
          %parallel_loop3A_143 = arith.cmpi slt, %parallel_loop3A_136, %parallel_loop3A_142 : i32
          %parallel_loop3A_144 = arith.xori %parallel_loop3A_141, %parallel_loop3A_143 : i1
          %parallel_loop3A_145 = arith.andi %parallel_loop3A_144, %parallel_loop3A_139 : i1
          %parallel_loop3A_146 = arith.addi %parallel_loop3A_137, %parallel_loop3A_136 : i32
          %parallel_loop3A_147 = arith.select %parallel_loop3A_145, %parallel_loop3A_146, %parallel_loop3A_137 : i32
          %parallel_loop3A_148 = arith.constant 128 : i32
          %parallel_loop3A_149 = arith.muli %parallel_loop3A_147, %parallel_loop3A_148 : i32
          %parallel_loop3A_150 = arith.addi %parallel_loop3A_131, %parallel_loop3A_149 : i32
          %parallel_loop3A_151 = vector.broadcast %parallel_loop3A_150 : i32 to vector<16xi32>
          %parallel_loop3A_152 = arith.addi %get3A_5, %parallel_loop3A_151 : vector<16xi32>
          %parallel_loop3A_153 = tpu.vector_load_idx %arg6[%parallel_loop3A_152] : memref<24576xf32, #tpu.memory_space<vmem>>[vector<16xi32>], vector<16xf32>,
          %parallel_loop3A_154 = arith.constant 0 : i32
          %parallel_loop3A_155 = arith.addi %parallel_loop3A_154, %parallel_loop3A_150 : i32
          %parallel_loop3A_156 = arith.index_cast %parallel_loop3A_155 : i32 to index
          %parallel_loop3A_157 = tpu.vector_load %arg8[%parallel_loop3A_156] {strides = array<i32>} : memref<24576xf32, #tpu.memory_space<vmem>>, vector<16xf32>,
          tpu.vector_store %arg8[%parallel_loop3A_156], %parallel_loop3A_153 {strides = array<i32>} : memref<24576xf32, #tpu.memory_space<vmem>>, vector<16xf32>,
          %parallel_loop3A_158 = vector.broadcast %parallel_loop3A_150 : i32 to vector<16xi32>
          %parallel_loop3A_159 = arith.addi %get3A_7, %parallel_loop3A_158 : vector<16xi32>
          %parallel_loop3A_160 = tpu.vector_load_idx %arg6[%parallel_loop3A_159] : memref<24576xf32, #tpu.memory_space<vmem>>[vector<16xi32>], vector<16xf32>,
          %parallel_loop3A_161 = arith.constant 16 : i32
          %parallel_loop3A_162 = arith.addi %parallel_loop3A_161, %parallel_loop3A_150 : i32
          %parallel_loop3A_163 = arith.index_cast %parallel_loop3A_162 : i32 to index
          %parallel_loop3A_164 = tpu.vector_load %arg8[%parallel_loop3A_163] {strides = array<i32>} : memref<24576xf32, #tpu.memory_space<vmem>>, vector<16xf32>,
          tpu.vector_store %arg8[%parallel_loop3A_163], %parallel_loop3A_160 {strides = array<i32>} : memref<24576xf32, #tpu.memory_space<vmem>>, vector<16xf32>,
          %parallel_loop3A_165 = vector.broadcast %parallel_loop3A_150 : i32 to vector<16xi32>
          %parallel_loop3A_166 = arith.addi %get3A_9, %parallel_loop3A_165 : vector<16xi32>
          %parallel_loop3A_167 = tpu.vector_load_idx %arg6[%parallel_loop3A_166] : memref<24576xf32, #tpu.memory_space<vmem>>[vector<16xi32>], vector<16xf32>,
          %parallel_loop3A_168 = arith.constant 32 : i32
          %parallel_loop3A_169 = arith.addi %parallel_loop3A_168, %parallel_loop3A_150 : i32
          %parallel_loop3A_170 = arith.index_cast %parallel_loop3A_169 : i32 to index
          %parallel_loop3A_171 = tpu.vector_load %arg8[%parallel_loop3A_170] {strides = array<i32>} : memref<24576xf32, #tpu.memory_space<vmem>>, vector<16xf32>,
          tpu.vector_store %arg8[%parallel_loop3A_170], %parallel_loop3A_167 {strides = array<i32>} : memref<24576xf32, #tpu.memory_space<vmem>>, vector<16xf32>,
          %parallel_loop3A_172 = vector.broadcast %parallel_loop3A_150 : i32 to vector<16xi32>
          %parallel_loop3A_173 = arith.addi %get3A_11, %parallel_loop3A_172 : vector<16xi32>
          %parallel_loop3A_174 = tpu.vector_load_idx %arg6[%parallel_loop3A_173] : memref<24576xf32, #tpu.memory_space<vmem>>[vector<16xi32>], vector<16xf32>,
          %parallel_loop3A_175 = arith.constant 48 : i32
          %parallel_loop3A_176 = arith.addi %parallel_loop3A_175, %parallel_loop3A_150 : i32
          %parallel_loop3A_177 = arith.index_cast %parallel_loop3A_176 : i32 to index
          %parallel_loop3A_178 = tpu.vector_load %arg8[%parallel_loop3A_177] {strides = array<i32>} : memref<24576xf32, #tpu.memory_space<vmem>>, vector<16xf32>,
          tpu.vector_store %arg8[%parallel_loop3A_177], %parallel_loop3A_174 {strides = array<i32>} : memref<24576xf32, #tpu.memory_space<vmem>>, vector<16xf32>,
          %parallel_loop3A_179 = vector.broadcast %parallel_loop3A_150 : i32 to vector<16xi32>
          %parallel_loop3A_180 = arith.addi %get3A_13, %parallel_loop3A_179 : vector<16xi32>
          %parallel_loop3A_181 = tpu.vector_load_idx %arg6[%parallel_loop3A_180] : memref<24576xf32, #tpu.memory_space<vmem>>[vector<16xi32>], vector<16xf32>,
          %parallel_loop3A_182 = arith.constant 64 : i32
          %parallel_loop3A_183 = arith.addi %parallel_loop3A_182, %parallel_loop3A_150 : i32
          %parallel_loop3A_184 = arith.index_cast %parallel_loop3A_183 : i32 to index
          %parallel_loop3A_185 = tpu.vector_load %arg8[%parallel_loop3A_184] {strides = array<i32>} : memref<24576xf32, #tpu.memory_space<vmem>>, vector<16xf32>,
          tpu.vector_store %arg8[%parallel_loop3A_184], %parallel_loop3A_181 {strides = array<i32>} : memref<24576xf32, #tpu.memory_space<vmem>>, vector<16xf32>,
          %parallel_loop3A_186 = vector.broadcast %parallel_loop3A_150 : i32 to vector<16xi32>
          %parallel_loop3A_187 = arith.addi %get3A_15, %parallel_loop3A_186 : vector<16xi32>
          %parallel_loop3A_188 = tpu.vector_load_idx %arg6[%parallel_loop3A_187] : memref<24576xf32, #tpu.memory_space<vmem>>[vector<16xi32>], vector<16xf32>,
          %parallel_loop3A_189 = arith.constant 80 : i32
          %parallel_loop3A_190 = arith.addi %parallel_loop3A_189, %parallel_loop3A_150 : i32
          %parallel_loop3A_191 = arith.index_cast %parallel_loop3A_190 : i32 to index
          %parallel_loop3A_192 = tpu.vector_load %arg8[%parallel_loop3A_191] {strides = array<i32>} : memref<24576xf32, #tpu.memory_space<vmem>>, vector<16xf32>,
          tpu.vector_store %arg8[%parallel_loop3A_191], %parallel_loop3A_188 {strides = array<i32>} : memref<24576xf32, #tpu.memory_space<vmem>>, vector<16xf32>,
          %parallel_loop3A_193 = vector.broadcast %parallel_loop3A_150 : i32 to vector<16xi32>
          %parallel_loop3A_194 = arith.addi %get3A_17, %parallel_loop3A_193 : vector<16xi32>
          %parallel_loop3A_195 = tpu.vector_load_idx %arg6[%parallel_loop3A_194] : memref<24576xf32, #tpu.memory_space<vmem>>[vector<16xi32>], vector<16xf32>,
          %parallel_loop3A_196 = arith.constant 96 : i32
          %parallel_loop3A_197 = arith.addi %parallel_loop3A_196, %parallel_loop3A_150 : i32
          %parallel_loop3A_198 = arith.index_cast %parallel_loop3A_197 : i32 to index
          %parallel_loop3A_199 = tpu.vector_load %arg8[%parallel_loop3A_198] {strides = array<i32>} : memref<24576xf32, #tpu.memory_space<vmem>>, vector<16xf32>,
          tpu.vector_store %arg8[%parallel_loop3A_198], %parallel_loop3A_195 {strides = array<i32>} : memref<24576xf32, #tpu.memory_space<vmem>>, vector<16xf32>,
          %parallel_loop3A_200 = vector.broadcast %parallel_loop3A_150 : i32 to vector<16xi32>
          %parallel_loop3A_201 = arith.addi %get3A_19, %parallel_loop3A_200 : vector<16xi32>
          %parallel_loop3A_202 = tpu.vector_load_idx %arg6[%parallel_loop3A_201] : memref<24576xf32, #tpu.memory_space<vmem>>[vector<16xi32>], vector<16xf32>,
          %parallel_loop3A_203 = arith.constant 112 : i32
          %parallel_loop3A_204 = arith.addi %parallel_loop3A_203, %parallel_loop3A_150 : i32
          %parallel_loop3A_205 = arith.index_cast %parallel_loop3A_204 : i32 to index
          %parallel_loop3A_206 = tpu.vector_load %arg8[%parallel_loop3A_205] {strides = array<i32>} : memref<24576xf32, #tpu.memory_space<vmem>>, vector<16xf32>,
          tpu.vector_store %arg8[%parallel_loop3A_205], %parallel_loop3A_202 {strides = array<i32>} : memref<24576xf32, #tpu.memory_space<vmem>>, vector<16xf32>,
          %parallel_loop3A_207 = vector.broadcast %parallel_loop3A_150 : i32 to vector<16xi32>
          %parallel_loop3A_208 = arith.addi %get3A_21, %parallel_loop3A_207 : vector<16xi32>
          %parallel_loop3A_209 = tpu.vector_load_idx %arg6[%parallel_loop3A_208] : memref<24576xf32, #tpu.memory_space<vmem>>[vector<16xi32>], vector<16xf32>,
          %parallel_loop3A_210 = arith.constant 1024 : i32
          %parallel_loop3A_211 = arith.addi %parallel_loop3A_210, %parallel_loop3A_150 : i32
          %parallel_loop3A_212 = arith.index_cast %parallel_loop3A_211 : i32 to index
          %parallel_loop3A_213 = tpu.vector_load %arg8[%parallel_loop3A_212] {strides = array<i32>} : memref<24576xf32, #tpu.memory_space<vmem>>, vector<16xf32>,
          tpu.vector_store %arg8[%parallel_loop3A_212], %parallel_loop3A_209 {strides = array<i32>} : memref<24576xf32, #tpu.memory_space<vmem>>, vector<16xf32>,
          %parallel_loop3A_214 = vector.broadcast %parallel_loop3A_150 : i32 to vector<16xi32>
          %parallel_loop3A_215 = arith.addi %get3A_23, %parallel_loop3A_214 : vector<16xi32>
          %parallel_loop3A_216 = tpu.vector_load_idx %arg6[%parallel_loop3A_215] : memref<24576xf32, #tpu.memory_space<vmem>>[vector<16xi32>], vector<16xf32>,
          %parallel_loop3A_217 = arith.constant 1040 : i32
          %parallel_loop3A_218 = arith.addi %parallel_loop3A_217, %parallel_loop3A_150 : i32
          %parallel_loop3A_219 = arith.index_cast %parallel_loop3A_218 : i32 to index
          %parallel_loop3A_220 = tpu.vector_load %arg8[%parallel_loop3A_219] {strides = array<i32>} : memref<24576xf32, #tpu.memory_space<vmem>>, vector<16xf32>,
          tpu.vector_store %arg8[%parallel_loop3A_219], %parallel_loop3A_216 {strides = array<i32>} : memref<24576xf32, #tpu.memory_space<vmem>>, vector<16xf32>,
          %parallel_loop3A_221 = vector.broadcast %parallel_loop3A_150 : i32 to vector<16xi32>
          %parallel_loop3A_222 = arith.addi %get3A_25, %parallel_loop3A_221 : vector<16xi32>
          %parallel_loop3A_223 = tpu.vector_load_idx %arg6[%parallel_loop3A_222] : memref<24576xf32, #tpu.memory_space<vmem>>[vector<16xi32>], vector<16xf32>,
          %parallel_loop3A_224 = arith.constant 1056 : i32
          %parallel_loop3A_225 = arith.addi %parallel_loop3A_224, %parallel_loop3A_150 : i32
          %parallel_loop3A_226 = arith.index_cast %parallel_loop3A_225 : i32 to index
          %parallel_loop3A_227 = tpu.vector_load %arg8[%parallel_loop3A_226] {strides = array<i32>} : memref<24576xf32, #tpu.memory_space<vmem>>, vector<16xf32>,
          tpu.vector_store %arg8[%parallel_loop3A_226], %parallel_loop3A_223 {strides = array<i32>} : memref<24576xf32, #tpu.memory_space<vmem>>, vector<16xf32>,
          %parallel_loop3A_228 = vector.broadcast %parallel_loop3A_150 : i32 to vector<16xi32>
          %parallel_loop3A_229 = arith.addi %get3A_27, %parallel_loop3A_228 : vector<16xi32>
          %parallel_loop3A_230 = tpu.vector_load_idx %arg6[%parallel_loop3A_229] : memref<24576xf32, #tpu.memory_space<vmem>>[vector<16xi32>], vector<16xf32>,
          %parallel_loop3A_231 = arith.constant 1072 : i32
          %parallel_loop3A_232 = arith.addi %parallel_loop3A_231, %parallel_loop3A_150 : i32
          %parallel_loop3A_233 = arith.index_cast %parallel_loop3A_232 : i32 to index
          %parallel_loop3A_234 = tpu.vector_load %arg8[%parallel_loop3A_233] {strides = array<i32>} : memref<24576xf32, #tpu.memory_space<vmem>>, vector<16xf32>,
          tpu.vector_store %arg8[%parallel_loop3A_233], %parallel_loop3A_230 {strides = array<i32>} : memref<24576xf32, #tpu.memory_space<vmem>>, vector<16xf32>,
          %parallel_loop3A_235 = vector.broadcast %parallel_loop3A_150 : i32 to vector<16xi32>
          %parallel_loop3A_236 = arith.addi %get3A_29, %parallel_loop3A_235 : vector<16xi32>
          %parallel_loop3A_237 = tpu.vector_load_idx %arg6[%parallel_loop3A_236] : memref<24576xf32, #tpu.memory_space<vmem>>[vector<16xi32>], vector<16xf32>,
          %parallel_loop3A_238 = arith.constant 1088 : i32
          %parallel_loop3A_239 = arith.addi %parallel_loop3A_238, %parallel_loop3A_150 : i32
          %parallel_loop3A_240 = arith.index_cast %parallel_loop3A_239 : i32 to index
          %parallel_loop3A_241 = tpu.vector_load %arg8[%parallel_loop3A_240] {strides = array<i32>} : memref<24576xf32, #tpu.memory_space<vmem>>, vector<16xf32>,
          tpu.vector_store %arg8[%parallel_loop3A_240], %parallel_loop3A_237 {strides = array<i32>} : memref<24576xf32, #tpu.memory_space<vmem>>, vector<16xf32>,
          %parallel_loop3A_242 = vector.broadcast %parallel_loop3A_150 : i32 to vector<16xi32>
          %parallel_loop3A_243 = arith.addi %get3A_31, %parallel_loop3A_242 : vector<16xi32>
          %parallel_loop3A_244 = tpu.vector_load_idx %arg6[%parallel_loop3A_243] : memref<24576xf32, #tpu.memory_space<vmem>>[vector<16xi32>], vector<16xf32>,
          %parallel_loop3A_245 = arith.constant 1104 : i32
          %parallel_loop3A_246 = arith.addi %parallel_loop3A_245, %parallel_loop3A_150 : i32
          %parallel_loop3A_247 = arith.index_cast %parallel_loop3A_246 : i32 to index
          %parallel_loop3A_248 = tpu.vector_load %arg8[%parallel_loop3A_247] {strides = array<i32>} : memref<24576xf32, #tpu.memory_space<vmem>>, vector<16xf32>,
          tpu.vector_store %arg8[%parallel_loop3A_247], %parallel_loop3A_244 {strides = array<i32>} : memref<24576xf32, #tpu.memory_space<vmem>>, vector<16xf32>,
          %parallel_loop3A_249 = vector.broadcast %parallel_loop3A_150 : i32 to vector<16xi32>
          %parallel_loop3A_250 = arith.addi %get3A_33, %parallel_loop3A_249 : vector<16xi32>
          %parallel_loop3A_251 = tpu.vector_load_idx %arg6[%parallel_loop3A_250] : memref<24576xf32, #tpu.memory_space<vmem>>[vector<16xi32>], vector<16xf32>,
          %parallel_loop3A_252 = arith.constant 1120 : i32
          %parallel_loop3A_253 = arith.addi %parallel_loop3A_252, %parallel_loop3A_150 : i32
          %parallel_loop3A_254 = arith.index_cast %parallel_loop3A_253 : i32 to index
          %parallel_loop3A_255 = tpu.vector_load %arg8[%parallel_loop3A_254] {strides = array<i32>} : memref<24576xf32, #tpu.memory_space<vmem>>, vector<16xf32>,
          tpu.vector_store %arg8[%parallel_loop3A_254], %parallel_loop3A_251 {strides = array<i32>} : memref<24576xf32, #tpu.memory_space<vmem>>, vector<16xf32>,
          %parallel_loop3A_256 = vector.broadcast %parallel_loop3A_150 : i32 to vector<16xi32>
          %parallel_loop3A_257 = arith.addi %get3A_35, %parallel_loop3A_256 : vector<16xi32>
          %parallel_loop3A_258 = tpu.vector_load_idx %arg6[%parallel_loop3A_257] : memref<24576xf32, #tpu.memory_space<vmem>>[vector<16xi32>], vector<16xf32>,
          %parallel_loop3A_259 = arith.constant 1136 : i32
          %parallel_loop3A_260 = arith.addi %parallel_loop3A_259, %parallel_loop3A_150 : i32
          %parallel_loop3A_261 = arith.index_cast %parallel_loop3A_260 : i32 to index
          %parallel_loop3A_262 = tpu.vector_load %arg8[%parallel_loop3A_261] {strides = array<i32>} : memref<24576xf32, #tpu.memory_space<vmem>>, vector<16xf32>,
          tpu.vector_store %arg8[%parallel_loop3A_261], %parallel_loop3A_258 {strides = array<i32>} : memref<24576xf32, #tpu.memory_space<vmem>>, vector<16xf32>,
          %parallel_loop3A_263 = vector.broadcast %parallel_loop3A_150 : i32 to vector<16xi32>
          %parallel_loop3A_264 = arith.addi %get3A_37, %parallel_loop3A_263 : vector<16xi32>
          %parallel_loop3A_265 = tpu.vector_load_idx %arg6[%parallel_loop3A_264] : memref<24576xf32, #tpu.memory_space<vmem>>[vector<16xi32>], vector<16xf32>,
          %parallel_loop3A_266 = arith.constant 2048 : i32
          %parallel_loop3A_267 = arith.addi %parallel_loop3A_266, %parallel_loop3A_150 : i32
          %parallel_loop3A_268 = arith.index_cast %parallel_loop3A_267 : i32 to index
          %parallel_loop3A_269 = tpu.vector_load %arg8[%parallel_loop3A_268] {strides = array<i32>} : memref<24576xf32, #tpu.memory_space<vmem>>, vector<16xf32>,
          tpu.vector_store %arg8[%parallel_loop3A_268], %parallel_loop3A_265 {strides = array<i32>} : memref<24576xf32, #tpu.memory_space<vmem>>, vector<16xf32>,
          %parallel_loop3A_270 = vector.broadcast %parallel_loop3A_150 : i32 to vector<16xi32>
          %parallel_loop3A_271 = arith.addi %get3A_39, %parallel_loop3A_270 : vector<16xi32>
          %parallel_loop3A_272 = tpu.vector_load_idx %arg6[%parallel_loop3A_271] : memref<24576xf32, #tpu.memory_space<vmem>>[vector<16xi32>], vector<16xf32>,
          %parallel_loop3A_273 = arith.constant 2064 : i32
          %parallel_loop3A_274 = arith.addi %parallel_loop3A_273, %parallel_loop3A_150 : i32
          %parallel_loop3A_275 = arith.index_cast %parallel_loop3A_274 : i32 to index
          %parallel_loop3A_276 = tpu.vector_load %arg8[%parallel_loop3A_275] {strides = array<i32>} : memref<24576xf32, #tpu.memory_space<vmem>>, vector<16xf32>,
          tpu.vector_store %arg8[%parallel_loop3A_275], %parallel_loop3A_272 {strides = array<i32>} : memref<24576xf32, #tpu.memory_space<vmem>>, vector<16xf32>,
          %parallel_loop3A_277 = vector.broadcast %parallel_loop3A_150 : i32 to vector<16xi32>
          %parallel_loop3A_278 = arith.addi %get3A_41, %parallel_loop3A_277 : vector<16xi32>
          %parallel_loop3A_279 = tpu.vector_load_idx %arg6[%parallel_loop3A_278] : memref<24576xf32, #tpu.memory_space<vmem>>[vector<16xi32>], vector<16xf32>,
          %parallel_loop3A_280 = arith.constant 2080 : i32
          %parallel_loop3A_281 = arith.addi %parallel_loop3A_280, %parallel_loop3A_150 : i32
          %parallel_loop3A_282 = arith.index_cast %parallel_loop3A_281 : i32 to index
          %parallel_loop3A_283 = tpu.vector_load %arg8[%parallel_loop3A_282] {strides = array<i32>} : memref<24576xf32, #tpu.memory_space<vmem>>, vector<16xf32>,
          tpu.vector_store %arg8[%parallel_loop3A_282], %parallel_loop3A_279 {strides = array<i32>} : memref<24576xf32, #tpu.memory_space<vmem>>, vector<16xf32>,
          %parallel_loop3A_284 = vector.broadcast %parallel_loop3A_150 : i32 to vector<16xi32>
          %parallel_loop3A_285 = arith.addi %get3A_43, %parallel_loop3A_284 : vector<16xi32>
          %parallel_loop3A_286 = tpu.vector_load_idx %arg6[%parallel_loop3A_285] : memref<24576xf32, #tpu.memory_space<vmem>>[vector<16xi32>], vector<16xf32>,
          %parallel_loop3A_287 = arith.constant 2096 : i32
          %parallel_loop3A_288 = arith.addi %parallel_loop3A_287, %parallel_loop3A_150 : i32
          %parallel_loop3A_289 = arith.index_cast %parallel_loop3A_288 : i32 to index
          %parallel_loop3A_290 = tpu.vector_load %arg8[%parallel_loop3A_289] {strides = array<i32>} : memref<24576xf32, #tpu.memory_space<vmem>>, vector<16xf32>,
          tpu.vector_store %arg8[%parallel_loop3A_289], %parallel_loop3A_286 {strides = array<i32>} : memref<24576xf32, #tpu.memory_space<vmem>>, vector<16xf32>,
          %parallel_loop3A_291 = vector.broadcast %parallel_loop3A_150 : i32 to vector<16xi32>
          %parallel_loop3A_292 = arith.addi %get3A_45, %parallel_loop3A_291 : vector<16xi32>
          %parallel_loop3A_293 = tpu.vector_load_idx %arg6[%parallel_loop3A_292] : memref<24576xf32, #tpu.memory_space<vmem>>[vector<16xi32>], vector<16xf32>,
          %parallel_loop3A_294 = arith.constant 2112 : i32
          %parallel_loop3A_295 = arith.addi %parallel_loop3A_294, %parallel_loop3A_150 : i32
          %parallel_loop3A_296 = arith.index_cast %parallel_loop3A_295 : i32 to index
          %parallel_loop3A_297 = tpu.vector_load %arg8[%parallel_loop3A_296] {strides = array<i32>} : memref<24576xf32, #tpu.memory_space<vmem>>, vector<16xf32>,
          tpu.vector_store %arg8[%parallel_loop3A_296], %parallel_loop3A_293 {strides = array<i32>} : memref<24576xf32, #tpu.memory_space<vmem>>, vector<16xf32>,
          %parallel_loop3A_298 = vector.broadcast %parallel_loop3A_150 : i32 to vector<16xi32>
          %parallel_loop3A_299 = arith.addi %get3A_47, %parallel_loop3A_298 : vector<16xi32>
          %parallel_loop3A_300 = tpu.vector_load_idx %arg6[%parallel_loop3A_299] : memref<24576xf32, #tpu.memory_space<vmem>>[vector<16xi32>], vector<16xf32>,
          %parallel_loop3A_301 = arith.constant 2128 : i32
          %parallel_loop3A_302 = arith.addi %parallel_loop3A_301, %parallel_loop3A_150 : i32
          %parallel_loop3A_303 = arith.index_cast %parallel_loop3A_302 : i32 to index
          %parallel_loop3A_304 = tpu.vector_load %arg8[%parallel_loop3A_303] {strides = array<i32>} : memref<24576xf32, #tpu.memory_space<vmem>>, vector<16xf32>,
          tpu.vector_store %arg8[%parallel_loop3A_303], %parallel_loop3A_300 {strides = array<i32>} : memref<24576xf32, #tpu.memory_space<vmem>>, vector<16xf32>,
          %parallel_loop3A_305 = vector.broadcast %parallel_loop3A_150 : i32 to vector<16xi32>
          %parallel_loop3A_306 = arith.addi %get3A_49, %parallel_loop3A_305 : vector<16xi32>
          %parallel_loop3A_307 = tpu.vector_load_idx %arg6[%parallel_loop3A_306] : memref<24576xf32, #tpu.memory_space<vmem>>[vector<16xi32>], vector<16xf32>,
          %parallel_loop3A_308 = arith.constant 2144 : i32
          %parallel_loop3A_309 = arith.addi %parallel_loop3A_308, %parallel_loop3A_150 : i32
          %parallel_loop3A_310 = arith.index_cast %parallel_loop3A_309 : i32 to index
          %parallel_loop3A_311 = tpu.vector_load %arg8[%parallel_loop3A_310] {strides = array<i32>} : memref<24576xf32, #tpu.memory_space<vmem>>, vector<16xf32>,
          tpu.vector_store %arg8[%parallel_loop3A_310], %parallel_loop3A_307 {strides = array<i32>} : memref<24576xf32, #tpu.memory_space<vmem>>, vector<16xf32>,
          %parallel_loop3A_312 = vector.broadcast %parallel_loop3A_150 : i32 to vector<16xi32>
          %parallel_loop3A_313 = arith.addi %get3A_51, %parallel_loop3A_312 : vector<16xi32>
          %parallel_loop3A_314 = tpu.vector_load_idx %arg6[%parallel_loop3A_313] : memref<24576xf32, #tpu.memory_space<vmem>>[vector<16xi32>], vector<16xf32>,
          %parallel_loop3A_315 = arith.constant 2160 : i32
          %parallel_loop3A_316 = arith.addi %parallel_loop3A_315, %parallel_loop3A_150 : i32
          %parallel_loop3A_317 = arith.index_cast %parallel_loop3A_316 : i32 to index
          %parallel_loop3A_318 = tpu.vector_load %arg8[%parallel_loop3A_317] {strides = array<i32>} : memref<24576xf32, #tpu.memory_space<vmem>>, vector<16xf32>,
          tpu.vector_store %arg8[%parallel_loop3A_317], %parallel_loop3A_314 {strides = array<i32>} : memref<24576xf32, #tpu.memory_space<vmem>>, vector<16xf32>,
        } {sc.loop_unroll_factor = 8 : i64, sc.parallel_access}
        %mul3A_100 = arith.constant 24576 : i32
        %mul3A_101 = arith.muli %add3A_72, %mul3A_100 : i32
        %add3A_102 = arith.addi %mul3A_4, %mul3A_101 : i32
        %dma_start3A_103 = tpu.memref_slice %arg4[%add3A_102] : memref<38535168xf32, #tpu.memory_space<hbm>> -> memref<24576xf32, #tpu.memory_space<hbm>>
        %dma_start3A_104 = tpu.memref_slice %arg4[%add3A_102] : memref<38535168xf32, #tpu.memory_space<hbm>> -> memref<24576xf32, #tpu.memory_space<hbm>>
        tpu.enqueue_dma source(%arg8 : memref<24576xf32, #tpu.memory_space<vmem>>) target(%dma_start3A_104 : memref<24576xf32, #tpu.memory_space<hbm>>) target_semaphore(%arg12 : memref<!tpu.dma_semaphore, #tpu.memory_space<semaphore_mem>>)
      } else {
      }
      %add3A_75 = arith.constant 1 : i32
      %add3A_76 = arith.addi %add3A_70, %add3A_75 : i32
      %lt3A_77 = arith.constant 49 : i32
      %lt3A_78 = arith.cmpi slt, %add3A_76, %lt3A_77 : i32
      %convert_element_type3A_79 = arith.extui %lt3A_78 : i1 to i32
      %cond3A_80 = arith.constant 0 : i32
      %cond3A_81 = arith.cmpi ne, %convert_element_type3A_79, %cond3A_80 : i32
      scf.if %cond3A_81 {
        %mul3A_82 = arith.constant 24576 : i32
        %mul3A_83 = arith.muli %add3A_76, %mul3A_82 : i32
        %add3A_84 = arith.addi %mul3A_4, %mul3A_83 : i32
        %dma_wait3A_85 = tpu.memref_slice %arg2[%add3A_84] : memref<38535168xf32, #tpu.memory_space<hbm>> -> memref<24576xf32, #tpu.memory_space<hbm>>
        %dma_wait3A_86 = tpu.memref_slice %arg2[%add3A_84] : memref<38535168xf32, #tpu.memory_space<hbm>> -> memref<24576xf32, #tpu.memory_space<hbm>>
        tpu.wait_dma2 semaphore(%arg11 : memref<!tpu.dma_semaphore, #tpu.memory_space<semaphore_mem>>) src(%dma_wait3A_86 : memref<24576xf32, #tpu.memory_space<hbm>>) dst(%arg7 : memref<24576xf32, #tpu.memory_space<vmem>>)
        %add3A_87 = arith.constant 1 : i32
        %add3A_88 = arith.addi %add3A_76, %add3A_87 : i32
        %lt3A_89 = arith.constant 49 : i32
        %lt3A_90 = arith.cmpi slt, %add3A_88, %lt3A_89 : i32
        %convert_element_type3A_91 = arith.extui %lt3A_90 : i1 to i32
        %cond3A_92 = arith.constant 0 : i32
        %cond3A_93 = arith.cmpi ne, %convert_element_type3A_91, %cond3A_92 : i32
        scf.if %cond3A_93 {
          %add3A_105 = arith.constant 1 : i32
          %add3A_106 = arith.addi %add3A_76, %add3A_105 : i32
          %mul3A_107 = arith.constant 24576 : i32
          %mul3A_108 = arith.muli %add3A_106, %mul3A_107 : i32
          %add3A_109 = arith.addi %mul3A_4, %mul3A_108 : i32
          %dma_start3A_110 = tpu.memref_slice %arg2[%add3A_109] : memref<38535168xf32, #tpu.memory_space<hbm>> -> memref<24576xf32, #tpu.memory_space<hbm>>
          %dma_start3A_111 = tpu.memref_slice %arg2[%add3A_109] : memref<38535168xf32, #tpu.memory_space<hbm>> -> memref<24576xf32, #tpu.memory_space<hbm>>
          tpu.enqueue_dma source(%dma_start3A_111 : memref<24576xf32, #tpu.memory_space<hbm>>) target(%arg6 : memref<24576xf32, #tpu.memory_space<vmem>>) target_semaphore(%arg10 : memref<!tpu.dma_semaphore, #tpu.memory_space<semaphore_mem>>)
        } else {
        }
        %ge3A = arith.constant 2 : i32
        %ge3A_94 = arith.cmpi sge, %add3A_76, %ge3A : i32
        %convert_element_type3A_95 = arith.extui %ge3A_94 : i1 to i32
        %cond3A_96 = arith.constant 0 : i32
        %cond3A_97 = arith.cmpi ne, %convert_element_type3A_95, %cond3A_96 : i32
        scf.if %cond3A_97 {
          %sub3A = arith.constant 2 : i32
          %sub3A_105 = arith.subi %add3A_76, %sub3A : i32
          %mul3A_106 = arith.constant 24576 : i32
          %mul3A_107 = arith.muli %sub3A_105, %mul3A_106 : i32
          %add3A_108 = arith.addi %mul3A_4, %mul3A_107 : i32
          %dma_wait3A_109 = tpu.memref_slice %arg4[%add3A_108] : memref<38535168xf32, #tpu.memory_space<hbm>> -> memref<24576xf32, #tpu.memory_space<hbm>>
          %dma_wait3A_110 = tpu.memref_slice %arg4[%add3A_108] : memref<38535168xf32, #tpu.memory_space<hbm>> -> memref<24576xf32, #tpu.memory_space<hbm>>
          tpu.wait_dma2 semaphore(%arg13 : memref<!tpu.dma_semaphore, #tpu.memory_space<semaphore_mem>>) src(%arg9 : memref<24576xf32, #tpu.memory_space<vmem>>) dst(%dma_wait3A_110 : memref<24576xf32, #tpu.memory_space<hbm>>)
        } else {
        }
        %parallel_loop3A = arith.constant 0 : i32
        %parallel_loop3A_98 = arith.constant 64 : i32
        %parallel_loop3A_99 = arith.constant 1 : i32
        scf.for %parallel_loop3A_105 = %parallel_loop3A to %parallel_loop3A_98 step %parallel_loop3A_99  : i32 {
          %parallel_loop3A_106 = arith.constant 8 : i32
          %parallel_loop3A_107 = arith.divsi %parallel_loop3A_105, %parallel_loop3A_106 : i32
          %parallel_loop3A_108 = arith.constant 0 : i32
          %parallel_loop3A_109 = arith.cmpi sgt, %parallel_loop3A_105, %parallel_loop3A_108 : i32
          %parallel_loop3A_110 = arith.extui %parallel_loop3A_109 : i1 to i32
          %parallel_loop3A_111 = arith.constant 0 : i32
          %parallel_loop3A_112 = arith.cmpi slt, %parallel_loop3A_105, %parallel_loop3A_111 : i32
          %parallel_loop3A_113 = arith.extui %parallel_loop3A_112 : i1 to i32
          %parallel_loop3A_114 = arith.subi %parallel_loop3A_110, %parallel_loop3A_113 : i32
          %parallel_loop3A_115 = arith.constant 0 : i32
          %parallel_loop3A_116 = arith.cmpi sgt, %parallel_loop3A_106, %parallel_loop3A_115 : i32
          %parallel_loop3A_117 = arith.extui %parallel_loop3A_116 : i1 to i32
          %parallel_loop3A_118 = arith.constant 0 : i32
          %parallel_loop3A_119 = arith.cmpi slt, %parallel_loop3A_106, %parallel_loop3A_118 : i32
          %parallel_loop3A_120 = arith.extui %parallel_loop3A_119 : i1 to i32
          %parallel_loop3A_121 = arith.subi %parallel_loop3A_117, %parallel_loop3A_120 : i32
          %parallel_loop3A_122 = arith.cmpi ne, %parallel_loop3A_114, %parallel_loop3A_121 : i32
          %parallel_loop3A_123 = arith.remsi %parallel_loop3A_105, %parallel_loop3A_106 : i32
          %parallel_loop3A_124 = arith.constant 0 : i32
          %parallel_loop3A_125 = arith.cmpi ne, %parallel_loop3A_123, %parallel_loop3A_124 : i32
          %parallel_loop3A_126 = arith.andi %parallel_loop3A_122, %parallel_loop3A_125 : i1
          %parallel_loop3A_127 = arith.constant 1 : i32
          %parallel_loop3A_128 = arith.subi %parallel_loop3A_107, %parallel_loop3A_127 : i32
          %parallel_loop3A_129 = arith.select %parallel_loop3A_126, %parallel_loop3A_128, %parallel_loop3A_107 : i32
          %parallel_loop3A_130 = arith.constant 3072 : i32
          %parallel_loop3A_131 = arith.muli %parallel_loop3A_129, %parallel_loop3A_130 : i32
          %parallel_loop3A_132 = arith.constant 8 : i32
          %parallel_loop3A_133 = arith.constant 0 : i32
          %parallel_loop3A_134 = arith.cmpi eq, %parallel_loop3A_132, %parallel_loop3A_133 : i32
          %parallel_loop3A_135 = arith.constant 1 : i32
          %parallel_loop3A_136 = arith.select %parallel_loop3A_134, %parallel_loop3A_135, %parallel_loop3A_132 : i32
          %parallel_loop3A_137 = arith.remsi %parallel_loop3A_105, %parallel_loop3A_136 : i32
          %parallel_loop3A_138 = arith.constant 0 : i32
          %parallel_loop3A_139 = arith.cmpi ne, %parallel_loop3A_137, %parallel_loop3A_138 : i32
          %parallel_loop3A_140 = arith.constant 0 : i32
          %parallel_loop3A_141 = arith.cmpi slt, %parallel_loop3A_137, %parallel_loop3A_140 : i32
          %parallel_loop3A_142 = arith.constant 0 : i32
          %parallel_loop3A_143 = arith.cmpi slt, %parallel_loop3A_136, %parallel_loop3A_142 : i32
          %parallel_loop3A_144 = arith.xori %parallel_loop3A_141, %parallel_loop3A_143 : i1
          %parallel_loop3A_145 = arith.andi %parallel_loop3A_144, %parallel_loop3A_139 : i1
          %parallel_loop3A_146 = arith.addi %parallel_loop3A_137, %parallel_loop3A_136 : i32
          %parallel_loop3A_147 = arith.select %parallel_loop3A_145, %parallel_loop3A_146, %parallel_loop3A_137 : i32
          %parallel_loop3A_148 = arith.constant 128 : i32
          %parallel_loop3A_149 = arith.muli %parallel_loop3A_147, %parallel_loop3A_148 : i32
          %parallel_loop3A_150 = arith.addi %parallel_loop3A_131, %parallel_loop3A_149 : i32
          %parallel_loop3A_151 = vector.broadcast %parallel_loop3A_150 : i32 to vector<16xi32>
          %parallel_loop3A_152 = arith.addi %get3A_5, %parallel_loop3A_151 : vector<16xi32>
          %parallel_loop3A_153 = tpu.vector_load_idx %arg7[%parallel_loop3A_152] : memref<24576xf32, #tpu.memory_space<vmem>>[vector<16xi32>], vector<16xf32>,
          %parallel_loop3A_154 = arith.constant 0 : i32
          %parallel_loop3A_155 = arith.addi %parallel_loop3A_154, %parallel_loop3A_150 : i32
          %parallel_loop3A_156 = arith.index_cast %parallel_loop3A_155 : i32 to index
          %parallel_loop3A_157 = tpu.vector_load %arg9[%parallel_loop3A_156] {strides = array<i32>} : memref<24576xf32, #tpu.memory_space<vmem>>, vector<16xf32>,
          tpu.vector_store %arg9[%parallel_loop3A_156], %parallel_loop3A_153 {strides = array<i32>} : memref<24576xf32, #tpu.memory_space<vmem>>, vector<16xf32>,
          %parallel_loop3A_158 = vector.broadcast %parallel_loop3A_150 : i32 to vector<16xi32>
          %parallel_loop3A_159 = arith.addi %get3A_7, %parallel_loop3A_158 : vector<16xi32>
          %parallel_loop3A_160 = tpu.vector_load_idx %arg7[%parallel_loop3A_159] : memref<24576xf32, #tpu.memory_space<vmem>>[vector<16xi32>], vector<16xf32>,
          %parallel_loop3A_161 = arith.constant 16 : i32
          %parallel_loop3A_162 = arith.addi %parallel_loop3A_161, %parallel_loop3A_150 : i32
          %parallel_loop3A_163 = arith.index_cast %parallel_loop3A_162 : i32 to index
          %parallel_loop3A_164 = tpu.vector_load %arg9[%parallel_loop3A_163] {strides = array<i32>} : memref<24576xf32, #tpu.memory_space<vmem>>, vector<16xf32>,
          tpu.vector_store %arg9[%parallel_loop3A_163], %parallel_loop3A_160 {strides = array<i32>} : memref<24576xf32, #tpu.memory_space<vmem>>, vector<16xf32>,
          %parallel_loop3A_165 = vector.broadcast %parallel_loop3A_150 : i32 to vector<16xi32>
          %parallel_loop3A_166 = arith.addi %get3A_9, %parallel_loop3A_165 : vector<16xi32>
          %parallel_loop3A_167 = tpu.vector_load_idx %arg7[%parallel_loop3A_166] : memref<24576xf32, #tpu.memory_space<vmem>>[vector<16xi32>], vector<16xf32>,
          %parallel_loop3A_168 = arith.constant 32 : i32
          %parallel_loop3A_169 = arith.addi %parallel_loop3A_168, %parallel_loop3A_150 : i32
          %parallel_loop3A_170 = arith.index_cast %parallel_loop3A_169 : i32 to index
          %parallel_loop3A_171 = tpu.vector_load %arg9[%parallel_loop3A_170] {strides = array<i32>} : memref<24576xf32, #tpu.memory_space<vmem>>, vector<16xf32>,
          tpu.vector_store %arg9[%parallel_loop3A_170], %parallel_loop3A_167 {strides = array<i32>} : memref<24576xf32, #tpu.memory_space<vmem>>, vector<16xf32>,
          %parallel_loop3A_172 = vector.broadcast %parallel_loop3A_150 : i32 to vector<16xi32>
          %parallel_loop3A_173 = arith.addi %get3A_11, %parallel_loop3A_172 : vector<16xi32>
          %parallel_loop3A_174 = tpu.vector_load_idx %arg7[%parallel_loop3A_173] : memref<24576xf32, #tpu.memory_space<vmem>>[vector<16xi32>], vector<16xf32>,
          %parallel_loop3A_175 = arith.constant 48 : i32
          %parallel_loop3A_176 = arith.addi %parallel_loop3A_175, %parallel_loop3A_150 : i32
          %parallel_loop3A_177 = arith.index_cast %parallel_loop3A_176 : i32 to index
          %parallel_loop3A_178 = tpu.vector_load %arg9[%parallel_loop3A_177] {strides = array<i32>} : memref<24576xf32, #tpu.memory_space<vmem>>, vector<16xf32>,
          tpu.vector_store %arg9[%parallel_loop3A_177], %parallel_loop3A_174 {strides = array<i32>} : memref<24576xf32, #tpu.memory_space<vmem>>, vector<16xf32>,
          %parallel_loop3A_179 = vector.broadcast %parallel_loop3A_150 : i32 to vector<16xi32>
          %parallel_loop3A_180 = arith.addi %get3A_13, %parallel_loop3A_179 : vector<16xi32>
          %parallel_loop3A_181 = tpu.vector_load_idx %arg7[%parallel_loop3A_180] : memref<24576xf32, #tpu.memory_space<vmem>>[vector<16xi32>], vector<16xf32>,
          %parallel_loop3A_182 = arith.constant 64 : i32
          %parallel_loop3A_183 = arith.addi %parallel_loop3A_182, %parallel_loop3A_150 : i32
          %parallel_loop3A_184 = arith.index_cast %parallel_loop3A_183 : i32 to index
          %parallel_loop3A_185 = tpu.vector_load %arg9[%parallel_loop3A_184] {strides = array<i32>} : memref<24576xf32, #tpu.memory_space<vmem>>, vector<16xf32>,
          tpu.vector_store %arg9[%parallel_loop3A_184], %parallel_loop3A_181 {strides = array<i32>} : memref<24576xf32, #tpu.memory_space<vmem>>, vector<16xf32>,
          %parallel_loop3A_186 = vector.broadcast %parallel_loop3A_150 : i32 to vector<16xi32>
          %parallel_loop3A_187 = arith.addi %get3A_15, %parallel_loop3A_186 : vector<16xi32>
          %parallel_loop3A_188 = tpu.vector_load_idx %arg7[%parallel_loop3A_187] : memref<24576xf32, #tpu.memory_space<vmem>>[vector<16xi32>], vector<16xf32>,
          %parallel_loop3A_189 = arith.constant 80 : i32
          %parallel_loop3A_190 = arith.addi %parallel_loop3A_189, %parallel_loop3A_150 : i32
          %parallel_loop3A_191 = arith.index_cast %parallel_loop3A_190 : i32 to index
          %parallel_loop3A_192 = tpu.vector_load %arg9[%parallel_loop3A_191] {strides = array<i32>} : memref<24576xf32, #tpu.memory_space<vmem>>, vector<16xf32>,
          tpu.vector_store %arg9[%parallel_loop3A_191], %parallel_loop3A_188 {strides = array<i32>} : memref<24576xf32, #tpu.memory_space<vmem>>, vector<16xf32>,
          %parallel_loop3A_193 = vector.broadcast %parallel_loop3A_150 : i32 to vector<16xi32>
          %parallel_loop3A_194 = arith.addi %get3A_17, %parallel_loop3A_193 : vector<16xi32>
          %parallel_loop3A_195 = tpu.vector_load_idx %arg7[%parallel_loop3A_194] : memref<24576xf32, #tpu.memory_space<vmem>>[vector<16xi32>], vector<16xf32>,
          %parallel_loop3A_196 = arith.constant 96 : i32
          %parallel_loop3A_197 = arith.addi %parallel_loop3A_196, %parallel_loop3A_150 : i32
          %parallel_loop3A_198 = arith.index_cast %parallel_loop3A_197 : i32 to index
          %parallel_loop3A_199 = tpu.vector_load %arg9[%parallel_loop3A_198] {strides = array<i32>} : memref<24576xf32, #tpu.memory_space<vmem>>, vector<16xf32>,
          tpu.vector_store %arg9[%parallel_loop3A_198], %parallel_loop3A_195 {strides = array<i32>} : memref<24576xf32, #tpu.memory_space<vmem>>, vector<16xf32>,
          %parallel_loop3A_200 = vector.broadcast %parallel_loop3A_150 : i32 to vector<16xi32>
          %parallel_loop3A_201 = arith.addi %get3A_19, %parallel_loop3A_200 : vector<16xi32>
          %parallel_loop3A_202 = tpu.vector_load_idx %arg7[%parallel_loop3A_201] : memref<24576xf32, #tpu.memory_space<vmem>>[vector<16xi32>], vector<16xf32>,
          %parallel_loop3A_203 = arith.constant 112 : i32
          %parallel_loop3A_204 = arith.addi %parallel_loop3A_203, %parallel_loop3A_150 : i32
          %parallel_loop3A_205 = arith.index_cast %parallel_loop3A_204 : i32 to index
          %parallel_loop3A_206 = tpu.vector_load %arg9[%parallel_loop3A_205] {strides = array<i32>} : memref<24576xf32, #tpu.memory_space<vmem>>, vector<16xf32>,
          tpu.vector_store %arg9[%parallel_loop3A_205], %parallel_loop3A_202 {strides = array<i32>} : memref<24576xf32, #tpu.memory_space<vmem>>, vector<16xf32>,
          %parallel_loop3A_207 = vector.broadcast %parallel_loop3A_150 : i32 to vector<16xi32>
          %parallel_loop3A_208 = arith.addi %get3A_21, %parallel_loop3A_207 : vector<16xi32>
          %parallel_loop3A_209 = tpu.vector_load_idx %arg7[%parallel_loop3A_208] : memref<24576xf32, #tpu.memory_space<vmem>>[vector<16xi32>], vector<16xf32>,
          %parallel_loop3A_210 = arith.constant 1024 : i32
          %parallel_loop3A_211 = arith.addi %parallel_loop3A_210, %parallel_loop3A_150 : i32
          %parallel_loop3A_212 = arith.index_cast %parallel_loop3A_211 : i32 to index
          %parallel_loop3A_213 = tpu.vector_load %arg9[%parallel_loop3A_212] {strides = array<i32>} : memref<24576xf32, #tpu.memory_space<vmem>>, vector<16xf32>,
          tpu.vector_store %arg9[%parallel_loop3A_212], %parallel_loop3A_209 {strides = array<i32>} : memref<24576xf32, #tpu.memory_space<vmem>>, vector<16xf32>,
          %parallel_loop3A_214 = vector.broadcast %parallel_loop3A_150 : i32 to vector<16xi32>
          %parallel_loop3A_215 = arith.addi %get3A_23, %parallel_loop3A_214 : vector<16xi32>
          %parallel_loop3A_216 = tpu.vector_load_idx %arg7[%parallel_loop3A_215] : memref<24576xf32, #tpu.memory_space<vmem>>[vector<16xi32>], vector<16xf32>,
          %parallel_loop3A_217 = arith.constant 1040 : i32
          %parallel_loop3A_218 = arith.addi %parallel_loop3A_217, %parallel_loop3A_150 : i32
          %parallel_loop3A_219 = arith.index_cast %parallel_loop3A_218 : i32 to index
          %parallel_loop3A_220 = tpu.vector_load %arg9[%parallel_loop3A_219] {strides = array<i32>} : memref<24576xf32, #tpu.memory_space<vmem>>, vector<16xf32>,
          tpu.vector_store %arg9[%parallel_loop3A_219], %parallel_loop3A_216 {strides = array<i32>} : memref<24576xf32, #tpu.memory_space<vmem>>, vector<16xf32>,
          %parallel_loop3A_221 = vector.broadcast %parallel_loop3A_150 : i32 to vector<16xi32>
          %parallel_loop3A_222 = arith.addi %get3A_25, %parallel_loop3A_221 : vector<16xi32>
          %parallel_loop3A_223 = tpu.vector_load_idx %arg7[%parallel_loop3A_222] : memref<24576xf32, #tpu.memory_space<vmem>>[vector<16xi32>], vector<16xf32>,
          %parallel_loop3A_224 = arith.constant 1056 : i32
          %parallel_loop3A_225 = arith.addi %parallel_loop3A_224, %parallel_loop3A_150 : i32
          %parallel_loop3A_226 = arith.index_cast %parallel_loop3A_225 : i32 to index
          %parallel_loop3A_227 = tpu.vector_load %arg9[%parallel_loop3A_226] {strides = array<i32>} : memref<24576xf32, #tpu.memory_space<vmem>>, vector<16xf32>,
          tpu.vector_store %arg9[%parallel_loop3A_226], %parallel_loop3A_223 {strides = array<i32>} : memref<24576xf32, #tpu.memory_space<vmem>>, vector<16xf32>,
          %parallel_loop3A_228 = vector.broadcast %parallel_loop3A_150 : i32 to vector<16xi32>
          %parallel_loop3A_229 = arith.addi %get3A_27, %parallel_loop3A_228 : vector<16xi32>
          %parallel_loop3A_230 = tpu.vector_load_idx %arg7[%parallel_loop3A_229] : memref<24576xf32, #tpu.memory_space<vmem>>[vector<16xi32>], vector<16xf32>,
          %parallel_loop3A_231 = arith.constant 1072 : i32
          %parallel_loop3A_232 = arith.addi %parallel_loop3A_231, %parallel_loop3A_150 : i32
          %parallel_loop3A_233 = arith.index_cast %parallel_loop3A_232 : i32 to index
          %parallel_loop3A_234 = tpu.vector_load %arg9[%parallel_loop3A_233] {strides = array<i32>} : memref<24576xf32, #tpu.memory_space<vmem>>, vector<16xf32>,
          tpu.vector_store %arg9[%parallel_loop3A_233], %parallel_loop3A_230 {strides = array<i32>} : memref<24576xf32, #tpu.memory_space<vmem>>, vector<16xf32>,
          %parallel_loop3A_235 = vector.broadcast %parallel_loop3A_150 : i32 to vector<16xi32>
          %parallel_loop3A_236 = arith.addi %get3A_29, %parallel_loop3A_235 : vector<16xi32>
          %parallel_loop3A_237 = tpu.vector_load_idx %arg7[%parallel_loop3A_236] : memref<24576xf32, #tpu.memory_space<vmem>>[vector<16xi32>], vector<16xf32>,
          %parallel_loop3A_238 = arith.constant 1088 : i32
          %parallel_loop3A_239 = arith.addi %parallel_loop3A_238, %parallel_loop3A_150 : i32
          %parallel_loop3A_240 = arith.index_cast %parallel_loop3A_239 : i32 to index
          %parallel_loop3A_241 = tpu.vector_load %arg9[%parallel_loop3A_240] {strides = array<i32>} : memref<24576xf32, #tpu.memory_space<vmem>>, vector<16xf32>,
          tpu.vector_store %arg9[%parallel_loop3A_240], %parallel_loop3A_237 {strides = array<i32>} : memref<24576xf32, #tpu.memory_space<vmem>>, vector<16xf32>,
          %parallel_loop3A_242 = vector.broadcast %parallel_loop3A_150 : i32 to vector<16xi32>
          %parallel_loop3A_243 = arith.addi %get3A_31, %parallel_loop3A_242 : vector<16xi32>
          %parallel_loop3A_244 = tpu.vector_load_idx %arg7[%parallel_loop3A_243] : memref<24576xf32, #tpu.memory_space<vmem>>[vector<16xi32>], vector<16xf32>,
          %parallel_loop3A_245 = arith.constant 1104 : i32
          %parallel_loop3A_246 = arith.addi %parallel_loop3A_245, %parallel_loop3A_150 : i32
          %parallel_loop3A_247 = arith.index_cast %parallel_loop3A_246 : i32 to index
          %parallel_loop3A_248 = tpu.vector_load %arg9[%parallel_loop3A_247] {strides = array<i32>} : memref<24576xf32, #tpu.memory_space<vmem>>, vector<16xf32>,
          tpu.vector_store %arg9[%parallel_loop3A_247], %parallel_loop3A_244 {strides = array<i32>} : memref<24576xf32, #tpu.memory_space<vmem>>, vector<16xf32>,
          %parallel_loop3A_249 = vector.broadcast %parallel_loop3A_150 : i32 to vector<16xi32>
          %parallel_loop3A_250 = arith.addi %get3A_33, %parallel_loop3A_249 : vector<16xi32>
          %parallel_loop3A_251 = tpu.vector_load_idx %arg7[%parallel_loop3A_250] : memref<24576xf32, #tpu.memory_space<vmem>>[vector<16xi32>], vector<16xf32>,
          %parallel_loop3A_252 = arith.constant 1120 : i32
          %parallel_loop3A_253 = arith.addi %parallel_loop3A_252, %parallel_loop3A_150 : i32
          %parallel_loop3A_254 = arith.index_cast %parallel_loop3A_253 : i32 to index
          %parallel_loop3A_255 = tpu.vector_load %arg9[%parallel_loop3A_254] {strides = array<i32>} : memref<24576xf32, #tpu.memory_space<vmem>>, vector<16xf32>,
          tpu.vector_store %arg9[%parallel_loop3A_254], %parallel_loop3A_251 {strides = array<i32>} : memref<24576xf32, #tpu.memory_space<vmem>>, vector<16xf32>,
          %parallel_loop3A_256 = vector.broadcast %parallel_loop3A_150 : i32 to vector<16xi32>
          %parallel_loop3A_257 = arith.addi %get3A_35, %parallel_loop3A_256 : vector<16xi32>
          %parallel_loop3A_258 = tpu.vector_load_idx %arg7[%parallel_loop3A_257] : memref<24576xf32, #tpu.memory_space<vmem>>[vector<16xi32>], vector<16xf32>,
          %parallel_loop3A_259 = arith.constant 1136 : i32
          %parallel_loop3A_260 = arith.addi %parallel_loop3A_259, %parallel_loop3A_150 : i32
          %parallel_loop3A_261 = arith.index_cast %parallel_loop3A_260 : i32 to index
          %parallel_loop3A_262 = tpu.vector_load %arg9[%parallel_loop3A_261] {strides = array<i32>} : memref<24576xf32, #tpu.memory_space<vmem>>, vector<16xf32>,
          tpu.vector_store %arg9[%parallel_loop3A_261], %parallel_loop3A_258 {strides = array<i32>} : memref<24576xf32, #tpu.memory_space<vmem>>, vector<16xf32>,
          %parallel_loop3A_263 = vector.broadcast %parallel_loop3A_150 : i32 to vector<16xi32>
          %parallel_loop3A_264 = arith.addi %get3A_37, %parallel_loop3A_263 : vector<16xi32>
          %parallel_loop3A_265 = tpu.vector_load_idx %arg7[%parallel_loop3A_264] : memref<24576xf32, #tpu.memory_space<vmem>>[vector<16xi32>], vector<16xf32>,
          %parallel_loop3A_266 = arith.constant 2048 : i32
          %parallel_loop3A_267 = arith.addi %parallel_loop3A_266, %parallel_loop3A_150 : i32
          %parallel_loop3A_268 = arith.index_cast %parallel_loop3A_267 : i32 to index
          %parallel_loop3A_269 = tpu.vector_load %arg9[%parallel_loop3A_268] {strides = array<i32>} : memref<24576xf32, #tpu.memory_space<vmem>>, vector<16xf32>,
          tpu.vector_store %arg9[%parallel_loop3A_268], %parallel_loop3A_265 {strides = array<i32>} : memref<24576xf32, #tpu.memory_space<vmem>>, vector<16xf32>,
          %parallel_loop3A_270 = vector.broadcast %parallel_loop3A_150 : i32 to vector<16xi32>
          %parallel_loop3A_271 = arith.addi %get3A_39, %parallel_loop3A_270 : vector<16xi32>
          %parallel_loop3A_272 = tpu.vector_load_idx %arg7[%parallel_loop3A_271] : memref<24576xf32, #tpu.memory_space<vmem>>[vector<16xi32>], vector<16xf32>,
          %parallel_loop3A_273 = arith.constant 2064 : i32
          %parallel_loop3A_274 = arith.addi %parallel_loop3A_273, %parallel_loop3A_150 : i32
          %parallel_loop3A_275 = arith.index_cast %parallel_loop3A_274 : i32 to index
          %parallel_loop3A_276 = tpu.vector_load %arg9[%parallel_loop3A_275] {strides = array<i32>} : memref<24576xf32, #tpu.memory_space<vmem>>, vector<16xf32>,
          tpu.vector_store %arg9[%parallel_loop3A_275], %parallel_loop3A_272 {strides = array<i32>} : memref<24576xf32, #tpu.memory_space<vmem>>, vector<16xf32>,
          %parallel_loop3A_277 = vector.broadcast %parallel_loop3A_150 : i32 to vector<16xi32>
          %parallel_loop3A_278 = arith.addi %get3A_41, %parallel_loop3A_277 : vector<16xi32>
          %parallel_loop3A_279 = tpu.vector_load_idx %arg7[%parallel_loop3A_278] : memref<24576xf32, #tpu.memory_space<vmem>>[vector<16xi32>], vector<16xf32>,
          %parallel_loop3A_280 = arith.constant 2080 : i32
          %parallel_loop3A_281 = arith.addi %parallel_loop3A_280, %parallel_loop3A_150 : i32
          %parallel_loop3A_282 = arith.index_cast %parallel_loop3A_281 : i32 to index
          %parallel_loop3A_283 = tpu.vector_load %arg9[%parallel_loop3A_282] {strides = array<i32>} : memref<24576xf32, #tpu.memory_space<vmem>>, vector<16xf32>,
          tpu.vector_store %arg9[%parallel_loop3A_282], %parallel_loop3A_279 {strides = array<i32>} : memref<24576xf32, #tpu.memory_space<vmem>>, vector<16xf32>,
          %parallel_loop3A_284 = vector.broadcast %parallel_loop3A_150 : i32 to vector<16xi32>
          %parallel_loop3A_285 = arith.addi %get3A_43, %parallel_loop3A_284 : vector<16xi32>
          %parallel_loop3A_286 = tpu.vector_load_idx %arg7[%parallel_loop3A_285] : memref<24576xf32, #tpu.memory_space<vmem>>[vector<16xi32>], vector<16xf32>,
          %parallel_loop3A_287 = arith.constant 2096 : i32
          %parallel_loop3A_288 = arith.addi %parallel_loop3A_287, %parallel_loop3A_150 : i32
          %parallel_loop3A_289 = arith.index_cast %parallel_loop3A_288 : i32 to index
          %parallel_loop3A_290 = tpu.vector_load %arg9[%parallel_loop3A_289] {strides = array<i32>} : memref<24576xf32, #tpu.memory_space<vmem>>, vector<16xf32>,
          tpu.vector_store %arg9[%parallel_loop3A_289], %parallel_loop3A_286 {strides = array<i32>} : memref<24576xf32, #tpu.memory_space<vmem>>, vector<16xf32>,
          %parallel_loop3A_291 = vector.broadcast %parallel_loop3A_150 : i32 to vector<16xi32>
          %parallel_loop3A_292 = arith.addi %get3A_45, %parallel_loop3A_291 : vector<16xi32>
          %parallel_loop3A_293 = tpu.vector_load_idx %arg7[%parallel_loop3A_292] : memref<24576xf32, #tpu.memory_space<vmem>>[vector<16xi32>], vector<16xf32>,
          %parallel_loop3A_294 = arith.constant 2112 : i32
          %parallel_loop3A_295 = arith.addi %parallel_loop3A_294, %parallel_loop3A_150 : i32
          %parallel_loop3A_296 = arith.index_cast %parallel_loop3A_295 : i32 to index
          %parallel_loop3A_297 = tpu.vector_load %arg9[%parallel_loop3A_296] {strides = array<i32>} : memref<24576xf32, #tpu.memory_space<vmem>>, vector<16xf32>,
          tpu.vector_store %arg9[%parallel_loop3A_296], %parallel_loop3A_293 {strides = array<i32>} : memref<24576xf32, #tpu.memory_space<vmem>>, vector<16xf32>,
          %parallel_loop3A_298 = vector.broadcast %parallel_loop3A_150 : i32 to vector<16xi32>
          %parallel_loop3A_299 = arith.addi %get3A_47, %parallel_loop3A_298 : vector<16xi32>
          %parallel_loop3A_300 = tpu.vector_load_idx %arg7[%parallel_loop3A_299] : memref<24576xf32, #tpu.memory_space<vmem>>[vector<16xi32>], vector<16xf32>,
          %parallel_loop3A_301 = arith.constant 2128 : i32
          %parallel_loop3A_302 = arith.addi %parallel_loop3A_301, %parallel_loop3A_150 : i32
          %parallel_loop3A_303 = arith.index_cast %parallel_loop3A_302 : i32 to index
          %parallel_loop3A_304 = tpu.vector_load %arg9[%parallel_loop3A_303] {strides = array<i32>} : memref<24576xf32, #tpu.memory_space<vmem>>, vector<16xf32>,
          tpu.vector_store %arg9[%parallel_loop3A_303], %parallel_loop3A_300 {strides = array<i32>} : memref<24576xf32, #tpu.memory_space<vmem>>, vector<16xf32>,
          %parallel_loop3A_305 = vector.broadcast %parallel_loop3A_150 : i32 to vector<16xi32>
          %parallel_loop3A_306 = arith.addi %get3A_49, %parallel_loop3A_305 : vector<16xi32>
          %parallel_loop3A_307 = tpu.vector_load_idx %arg7[%parallel_loop3A_306] : memref<24576xf32, #tpu.memory_space<vmem>>[vector<16xi32>], vector<16xf32>,
          %parallel_loop3A_308 = arith.constant 2144 : i32
          %parallel_loop3A_309 = arith.addi %parallel_loop3A_308, %parallel_loop3A_150 : i32
          %parallel_loop3A_310 = arith.index_cast %parallel_loop3A_309 : i32 to index
          %parallel_loop3A_311 = tpu.vector_load %arg9[%parallel_loop3A_310] {strides = array<i32>} : memref<24576xf32, #tpu.memory_space<vmem>>, vector<16xf32>,
          tpu.vector_store %arg9[%parallel_loop3A_310], %parallel_loop3A_307 {strides = array<i32>} : memref<24576xf32, #tpu.memory_space<vmem>>, vector<16xf32>,
          %parallel_loop3A_312 = vector.broadcast %parallel_loop3A_150 : i32 to vector<16xi32>
          %parallel_loop3A_313 = arith.addi %get3A_51, %parallel_loop3A_312 : vector<16xi32>
          %parallel_loop3A_314 = tpu.vector_load_idx %arg7[%parallel_loop3A_313] : memref<24576xf32, #tpu.memory_space<vmem>>[vector<16xi32>], vector<16xf32>,
          %parallel_loop3A_315 = arith.constant 2160 : i32
          %parallel_loop3A_316 = arith.addi %parallel_loop3A_315, %parallel_loop3A_150 : i32
          %parallel_loop3A_317 = arith.index_cast %parallel_loop3A_316 : i32 to index
          %parallel_loop3A_318 = tpu.vector_load %arg9[%parallel_loop3A_317] {strides = array<i32>} : memref<24576xf32, #tpu.memory_space<vmem>>, vector<16xf32>,
          tpu.vector_store %arg9[%parallel_loop3A_317], %parallel_loop3A_314 {strides = array<i32>} : memref<24576xf32, #tpu.memory_space<vmem>>, vector<16xf32>,
        } {sc.loop_unroll_factor = 8 : i64, sc.parallel_access}
        %mul3A_100 = arith.constant 24576 : i32
        %mul3A_101 = arith.muli %add3A_76, %mul3A_100 : i32
        %add3A_102 = arith.addi %mul3A_4, %mul3A_101 : i32
        %dma_start3A_103 = tpu.memref_slice %arg4[%add3A_102] : memref<38535168xf32, #tpu.memory_space<hbm>> -> memref<24576xf32, #tpu.memory_space<hbm>>
        %dma_start3A_104 = tpu.memref_slice %arg4[%add3A_102] : memref<38535168xf32, #tpu.memory_space<hbm>> -> memref<24576xf32, #tpu.memory_space<hbm>>
        tpu.enqueue_dma source(%arg9 : memref<24576xf32, #tpu.memory_space<vmem>>) target(%dma_start3A_104 : memref<24576xf32, #tpu.memory_space<hbm>>) target_semaphore(%arg13 : memref<!tpu.dma_semaphore, #tpu.memory_space<semaphore_mem>>)
      } else {
      }
    }
    %scan3A_58 = arith.constant 25 : i32
    %add3A_59 = arith.constant 1155072 : i32
    %add3A_60 = arith.addi %mul3A_4, %add3A_59 : i32
    %dma_wait3A = tpu.memref_slice %arg4[%add3A_60] : memref<38535168xf32, #tpu.memory_space<hbm>> -> memref<24576xf32, #tpu.memory_space<hbm>>
    %dma_wait3A_61 = tpu.memref_slice %arg4[%add3A_60] : memref<38535168xf32, #tpu.memory_space<hbm>> -> memref<24576xf32, #tpu.memory_space<hbm>>
    tpu.wait_dma2 semaphore(%arg13 : memref<!tpu.dma_semaphore, #tpu.memory_space<semaphore_mem>>) src(%arg9 : memref<24576xf32, #tpu.memory_space<vmem>>) dst(%dma_wait3A_61 : memref<24576xf32, #tpu.memory_space<hbm>>)
    %add3A_62 = arith.constant 1179648 : i32
    %add3A_63 = arith.addi %mul3A_4, %add3A_62 : i32
    %dma_wait3A_64 = tpu.memref_slice %arg4[%add3A_63] : memref<38535168xf32, #tpu.memory_space<hbm>> -> memref<24576xf32, #tpu.memory_space<hbm>>
    %dma_wait3A_65 = tpu.memref_slice %arg4[%add3A_63] : memref<38535168xf32, #tpu.memory_space<hbm>> -> memref<24576xf32, #tpu.memory_space<hbm>>
    tpu.wait_dma2 semaphore(%arg12 : memref<!tpu.dma_semaphore, #tpu.memory_space<semaphore_mem>>) src(%arg8 : memref<24576xf32, #tpu.memory_space<vmem>>) dst(%dma_wait3A_65 : memref<24576xf32, #tpu.memory_space<hbm>>)
    return
  }
}

</mosaic_0001>

<sc_bundles>
// kernel: kernel.3.cloned.1.call-start
scs
__scs_entry_jumppad:
0x0: {  	(pc) =	sbr.rel $0x88, $3  }
0x1: {  	(tag) =	ssettag $0x0;
	lr =	simm.s32 $0x1  }
0x2: {  	[smem:$0x3FA0] =	sst lr;
	_ =	strace $0xD0000000  }
0x3: {  	_ = 	snop  }
0x4: {  	_ = 	snop  }
0x5: {  	_ = 	snop  }
0x6: {  	_ = 	snop  }
0x7: {  	_ = 	snop  }
__scs_overlays_trampoline_lowered:
0x8: {  	[smem:$0x3FAF] =	sst s0  }
0x9: {  	[smem:$0x3FB0] =	sst s1  }
0xa: {  	[smem:$0x3FB1] =	sst s2  }
0xb: {  	[smem:$0x3FB2] =	sst s3  }
0xc: {  	[smem:$0x3FB3] =	sst s4  }
0xd: {  	[smem:$0x3FB4] =	sst s5  }
0xe: {  	[smem:$0x3FB5] =	sst s6  }
0xf: {  	[smem:$0x3FB6] =	sst s7  }
0x10: {  	[smem:$0x3FB7] =	sst s8  }
0x11: {  	[smem:$0x3FB8] =	sst s9;
	s0 =	simm.s32 @!p0 $0x0  }
0x12: {  	s1 =	sld [smem:$0x3F9E];
	s0 =	simm.s32 @p0 $0x1  }
0x13: {  	[smem:$0x3FB9] =	sst s0;
	s0 =	simm.s32 @!p1 $0x0  }
0x14: {  	s2 =	sld [smem:$0x3F9D];
	s0 =	simm.s32 @p1 $0x1  }
0x15: {  	[smem:$0x3FBA] =	sst s0;
	s0 =	simm.s32 @!p2 $0x0  }
0x16: {  	s3 =	sld [smem:$0x3FDB];
	s0 =	simm.s32 @p2 $0x1  }
0x17: {  	s4 =	simm.s32 $0x1BF5;
	[smem:$0x3FBC] =	sst s0  }
0x18: {  	s0 =	sld [smem:$0x3F9F];
	_ =	swait.ge [sflag:s4], $0x0  }
0x19: {  	s7 =	sld [smem:$0x3FA0]  }
0x1a: {  	s8 =	sadd.s32 $0xFFFFE003, lr  }
0x1b: {  	s9 =	sadd.s32 $0xFFFFFEF7, lr;
	s5 =	simm.s32 $0xFFFFFFFF;
	p2 =	slt.u32 s8, $0xFFFFF086  }
0x1c: {  	p1 =	slt.u32 s9, $0xF7A;
	s5 =	simm.s32 @!p2 $0x0  }
0x1d: {  	s5 =	simm.s32 @p1 $0x1;
	p0 =	seq.s32 s7, s2  }
0x1e: {  	s7 =	smul.u32 @!p0 $0xF7A, s2;
	p2 =	seq.s32 @!p0 s5, $0x0  }
0x1f: {  	s9 =	smul.u32 $0xF7A, s1;
	s8 =	simm.s32 @!p0 $0x1BF5;
	p2 =	por !p2, p0  }
0x20: {  	[sflag:s8] =	ssyncset.s32 @!p0 $0xFFFFF086;
	s6 =	sadd.s32 @!p0 s3, s7;
	s7 =	simm.s32 @!p0 $0x108  }
0x21: {  	s3 =	sadd.s32 s3, s9;
	s6 =	sadd.s32 @!p0 $0x88, s6;
	s7 =	simm.s32 @p2 $0x1082  }
0x22: {  	[simem:s7], [sflag:s8] =	dma.local @!p0 [hbm:s6], $0xF7A  }
0x23: {  	s9 =	sor.u32 $0xD0000000, s2;
	s6 =	simm.s32 $0x108;
	_ =	swait.ge @!p0 [sflag:s8], $0x0  }
0x24: {  	s3 =	sadd.s32 $0x88, s3;
	s6 =	simm.s32 @!p1 $0x1082;
	[sflag:s4] =	ssyncset.s32 $0xFFFFF086  }
0x25: {  	[simem:s6], [sflag:s4] =	dma.local [hbm:s3], $0xF7A  }
0x26: {  	[smem:$0x3FA0] =	sst s1;
	(tag) =	ssettag s2;
	_ =	strace s9  }
0x27: {  	s1 =	sld [smem:$0x3FB0]  }
0x28: {  	s2 =	sld [smem:$0x3FB1]  }
0x29: {  	s4 =	sld [smem:$0x3FB3]  }
0x2a: {  	p0 =	seq.s32 s5, $0x0;
	s5 =	sld [smem:$0x3FB4]  }
0x2b: {  	s6 =	sld [smem:$0x3FB5]  }
0x2c: {  	s7 =	sld [smem:$0x3FB6]  }
0x2d: {  	s3 =	simm.s32 $0x108;
	s8 =	sld [smem:$0x3FB7]  }
0x2e: {  	s3 =	simm.s32 @!p0 $0x1082;
	s9 =	sld [smem:$0x3FB8]  }
0x2f: {  	lr =	sadd.s32 s0, s3;
	s0 =	sld [smem:$0x3FAF]  }
0x30: {  	s3 =	sld [smem:$0x3FB2]  }
0x31: {  	[smem:$0x3FBB] =	sst s10  }
0x32: {  	s10 =	sld [smem:$0x3FB9];
	_ =	sdelay $0x3  }
0x33: {  	p0 =	seq.s32 s10, $0x1;
	s10 =	sld [smem:$0x3FBB];
	_ =	sdelay $0x3  }
0x34: {  	[smem:$0x3FBB] =	sst s10  }
0x35: {  	s10 =	sld [smem:$0x3FBA];
	_ =	sdelay $0x3  }
0x36: {  	p1 =	seq.s32 s10, $0x1;
	s10 =	sld [smem:$0x3FBB];
	_ =	sdelay $0x3  }
0x37: {  	[smem:$0x3FBB] =	sst s10  }
0x38: {  	s10 =	sld [smem:$0x3FBC]  }
0x39: {  	_ = 	snop;
	(pc) =	sbr.ind lr, $3  }
0x3a: {  	_ = 	snop  }
0x3b: {  	_ = 	snop  }
0x3c: {  	p2 =	seq.s32 s10, $0x1;
	s10 =	sld [smem:$0x3FBB]  }
0x3d: {  	_ =	shalt  }
0x3e: {  	_ =	shalt  }
0x3f: {  	_ =	shalt  }
0x40: {  	_ =	shalt  }
0x41: {  	_ =	shalt  }
0x42: {  	_ =	shalt  }
0x43: {  	_ =	shalt  }
0x44: {  	_ =	shalt  }
0x45: {  	_ =	shalt  }
0x46: {  	_ =	shalt  }
0x47: {  	_ =	shalt  }
0x48: {  	_ =	shalt  }
0x49: {  	_ =	shalt  }
0x4a: {  	_ =	shalt  }
0x4b: {  	_ =	shalt  }
0x4c: {  	_ =	shalt  }
0x4d: {  	_ =	shalt  }
0x4e: {  	_ =	shalt  }
0x4f: {  	_ =	shalt  }
0x50: {  	_ =	shalt  }
0x51: {  	_ =	shalt  }
0x52: {  	_ =	shalt  }
0x53: {  	_ =	shalt  }
0x54: {  	_ =	shalt  }
0x55: {  	_ =	shalt  }
0x56: {  	_ =	shalt  }
0x57: {  	_ =	shalt  }
0x58: {  	_ =	shalt  }
0x59: {  	_ =	shalt  }
0x5a: {  	_ =	shalt  }
0x5b: {  	_ =	shalt  }
0x5c: {  	_ =	shalt  }
0x5d: {  	_ =	shalt  }
0x5e: {  	_ =	shalt  }
0x5f: {  	_ =	shalt  }
0x60: {  	_ =	shalt  }
0x61: {  	_ =	shalt  }
0x62: {  	_ =	shalt  }
0x63: {  	_ =	shalt  }
0x64: {  	_ =	shalt  }
0x65: {  	_ =	shalt  }
0x66: {  	_ =	shalt  }
0x67: {  	_ =	shalt  }
0x68: {  	_ =	shalt  }
0x69: {  	_ =	shalt  }
0x6a: {  	_ =	shalt  }
0x6b: {  	_ =	shalt  }
0x6c: {  	_ =	shalt  }
0x6d: {  	_ =	shalt  }
0x6e: {  	_ =	shalt  }
0x6f: {  	_ =	shalt  }
0x70: {  	_ =	shalt  }
0x71: {  	_ =	shalt  }
0x72: {  	_ =	shalt  }
0x73: {  	_ =	shalt  }
0x74: {  	_ =	shalt  }
0x75: {  	_ =	shalt  }
0x76: {  	_ =	shalt  }
0x77: {  	_ =	shalt  }
0x78: {  	_ =	shalt  }
0x79: {  	_ =	shalt  }
0x7a: {  	_ =	shalt  }
0x7b: {  	_ =	shalt  }
0x7c: {  	_ =	shalt  }
0x7d: {  	_ =	shalt  }
0x7e: {  	_ =	shalt  }
0x7f: {  	_ =	shalt  }
0x80: {  	_ =	shalt  }
0x81: {  	_ =	shalt  }
0x82: {  	_ =	shalt  }
0x83: {  	_ =	shalt  }
0x84: {  	_ =	shalt  }
0x85: {  	_ =	shalt  }
0x86: {  	_ =	shalt  }
0x87: {  	_ =	shalt  }
.Lfunc_end0:
.L_simem_size_0:
called_computation_lowered:
.L_overlay_start_0:
0x88: {  	s2 =	sld [smem:$0x3FD9]  }
0x89: {  	s3 =	sld [smem:$0x3FFE];
	_ =	sdelay $0x1  }
0x8a: {  	s1 =	srdreg.scid  }
0x8b: {  	s0 =	sand.u32 $0x1, s1  }
0x8c: {  	s17 =	sshll.u32 s0, $0xA;
	s2 =	sadd.s32 s3, s2  }
0x8d: {  	s2 =	sadd.s32 s2, s17  }
0x8e: {  	[smem:$0x3FC7] =	sst s2  }
0x8f: {  	_ = 	snop  }
0x90: {  	s2 =	sld [smem:$0x3FC9]  }
0x91: {  	s18 =	sld [smem:$0x3FD0];
	(tm) =	ssettm $0x1  }
0x92: {  	s4 =	sld [smem:$0x3FFB];
	_ =	sdelay $0x3  }
0x93: {  	_ =	strace s4  }
0x94: {  	s4 =	sld [smem:$0x3FFC];
	_ =	sdelay $0x3  }
0x95: {  	_ =	strace s4  }
0x96: {  	s4 =	sld [smem:$0x3FFD];
	_ =	sdelay $0x3  }
0x97: {  	_ =	strace s4  }
0x98: {  	_ =	strace $0x8FFFFFFF  }
0x99: {  	s19 =	sld [smem:$0x3FDB];
	_ =	sdelay $0x1  }
0x9a: {  	s5 =	simm.s32 $_scs_section_size  }
0x9b: {  	s6 =	simm.s32 $_size__tile_overlayer_lowered;
	s7 =	simm.s32 $_tile_overlayer_lowered  }
0x9c: {  	s22 =	simm.s32 $0x1BFF;
	s21 =	sshll.u32 s7, $0x1;
	s4 =	sadd.s32 s5, s19  }
0x9d: {  	s8 =	simm.s32 $0x0;
	s20 =	sshll.u32 s6, $0x1;
	s6 =	sadd.s32 s21, s4  }
0x9e: {  	[timem:s8], [sflag:s22] =	dma.local [hbm:s6], s20  }
0x9f: {  	_ =	swait.ge [sflag:s22], s20  }
0xa0: {  	s5 =	ssub.s32 $0x0, s20;
	[sflag:s22] =	ssyncset.done $0x0  }
0xa1: {  	[sflag:s22] =	ssyncadd.s32 s5;
	_ =	sdelay $0x1  }
0xa2: {  	s23 =	simm.s32 $0x1B8B  }
0xa3: {  	_ =	swait.ge [sflag:s23], $0x1  }
0xa4: {  	[sflag:s23] =	ssyncset.done $0x0  }
0xa5: {  	s25 =	simm.s32 $0x1B8E;
	s24 =	sld [smem:$0x3FFE];
	[sflag:s23] =	ssyncadd.s32 $0xFFFFFFFF  }
0xa6: {  	s26 =	simm.s32 $execute0_lowered;
	[smem:$0x3FD2] =	sst s25  }
0xa7: {  	s6 =	sshll.u32 s26, $0x1;
	_ =	strace $0x80000046;
	[dreg:$0x1] =	wrdreg $0xFFFFFFFF  }
0xa8: {  	s28 =	simm.s32 $_size_execute0_lowered;
	s4 =	sadd.s32 s4, s6;
	[dreg:$0x0] =	wrdreg $0x0  }
0xa9: {  	s6 =	sshll.u32 s28, $0x1;
	[dreg:$0x2] =	wrdreg s4  }
0xaa: {  	[dreg:$0x3] =	wrdreg s6  }
0xab: {  	[dreg:$0x4] =	wrdreg $0xC0  }
0xac: {  	_ =	task [dreg:s8], $0x5FFFF  }
0xad: {  	[dreg:$0x1] =	wrdreg $0xFFFFFFFF  }
0xae: {  	[dreg:$0x0] =	wrdreg $0x60  }
0xaf: {  	[dreg:$0x2] =	wrdreg s2  }
0xb0: {  	[dreg:$0x3] =	wrdreg s24  }
0xb1: {  	[dreg:$0x4] =	wrdreg s18  }
0xb2: {  	[dreg:$0x5] =	wrdreg $0x9  }
0xb3: {  	_ =	task.clear_ibuf [dreg:s8], $0x6FFFF;
	_ =	strace $0x90000046  }
0xb4: {  	s29 =	simm.s32 $0x9;
	_ =	strace $0x80000048  }
0xb5: {  	_ =	swait.ge [sflag:s29], $0x1  }
0xb6: {  	[sflag:s29] =	ssyncadd.s32 $0xFFFFFFFF  }
0xb7: {  	_ =	strace $0x90000048  }
0xb8: {  	_ =	sfence  }
0xb9: {  	s30 =	sld [smem:$0x0];
	_ =	sdelay $0x2  }
0xba: {  	s31 =	sshll.u32 s1, $0xD;
	s1 =	sshrl.u32 s1, $0x2  }
0xbb: {  	s3 =	sand.u32 $0x4000, s31;
	s1 =	sadd.s32 s1, s30  }
0xbc: {  	s0 =	sor.u32 s3, s0;
	s1 =	sshll.u32 s1, $0x11  }
0xbd: {  	s0 =	sor.u32 s1, s0  }
0xbe: {  	s0 =	sadd.s32 $0x8F2B, s0  }
0xbf: {  	[sflag:s0] =	ssyncadd.remote.s32 $0x1  }
0xc0: {  	_ =	sfence.sel $0xFFFF  }
0xc1: {  	[dreg:$0x0] =	wrdreg $0xFFFFFFFF;
	(pc) =	sbr.abs _section_cstart, $3  }
0xc2: {  	[dreg:$0x1] =	wrdreg $0xFFFFFFFF  }
0xc3: {  	_ =	task.clear_ibuf [dreg:s8], $0x2FFFF;
	_ =	strace $0x9FFFFFFF  }
0xc4: {  	(tm) =	ssettm $0x7FFFFFFF  }
0xc5: {  	_ =	shalt  }
tec
execute0_lowered:
.L_overlay_start_1:
0x0: {  	(tag) =	ssettag $0x1  }
0x1: {  	s0 =	srdreg.scid;
	s1 =	rddreg [dreg:$0x0]  }
0x2: {  	s2 =	stileid.u32;
	s4 =	rddreg [dreg:$0x2];
	s6 =	simm.s32 $0x0  }
0x3: {  	s10 =	simm.s32 $0x5;
	s11 =	simm.s32 $0x180;
	s12 =	simm.s32 $0x1  }
0x4: {  	s13 =	simm.s32 $0xC180;
	s14 =	simm.s32 $0x2;
	s15 =	simm.s32 $0x6180  }
0x5: {  	s16 =	simm.s32 $0x12180;
	s0 =	sand.u32 $0x1, s0;
	s2 =	sshll.u32 s2, $0x1  }
.Ltmp0:
0x6: {  	s17 =	simm.s32 $0x4;
	s2 =	sor.u32 s0, s2;
	(pc) =	sbr.rel .LBB2_1-.Ltmp0, $4  }
0x7: {  	s18 =	simm.s32 $0x3;
	s0 =	ssub.s32 $0x2, s0;
	s5 =	smul.u32 $0x126000, s2  }
0x8: {  	s19 =	simm.s32 $0x0;
	[smem:$0x7FF] =	sst s6;
	s31 =	sshrl.u32 s0, $0x1  }
0x9: {  	_ =	strace $0x80000047;
	s0 =	ssub.s32 s0, s31;
	s3 =	sshrl.u32 s5, $0x3  }
0xa: {  	s8 =	sadd.s32 $0xC000, s5;
	s9 =	smax.u32 s0, $0x1;
	s7 =	sadd.s32 s1, s3  }
.LBB2_9:
0xb: {  	s19 =	sadd.s32 $0x1, s19  }
0xc: {  	_ =	swait.ge [sflag:s17], $0x6000;
	p0 =	sne.s32 s19, s9  }
.Ltmp1:
0xd: {  	[sflag:s17] =	ssyncset.done $0x0;
	(pc) =	sbr.rel @!p0 .LBB2_10-.Ltmp1, $4  }
0xe: {  	[sflag:s17] =	ssyncadd.s32 $0xFFFFA000  }
0xf: {  	_ =	swait.ge [sflag:s18], $0x6000  }
0x10: {  	[sflag:s18] =	ssyncset.done $0x0  }
0x11: {  	[sflag:s18] =	ssyncadd.s32 $0xFFFFA000  }
.LBB2_1:
0x12: {  	s0 =	rddreg [dreg:$0x1]  }
0x13: {  	[tilespmem:s6], [sflag:$0x5] =	stream.linear.gather [hbm4b:s0+s6], $0x180, $0x38;
	[tilespmem:$0x18180] =	vst v63  }
0x14: {  	_ =	swait.ge [sflag:s10], $0x180  }
0x15: {  	[sflag:s10] =	ssyncset.done $0x0  }
0x16: {  	[sflag:s10] =	ssyncadd.s32 $0xFFFFFE80  }
0x17: {  	v15 =	vld [tilespmem:$0x0]  }
0x18: {  	v17 =	vld [tilespmem:$0x10]  }
0x19: {  	v21 =	vld [tilespmem:$0x20]  }
0x1a: {  	v28 =	vld [tilespmem:$0x30]  }
0x1b: {  	v19 =	vld [tilespmem:$0x40]  }
0x1c: {  	v60 =	vld [tilespmem:$0x50]  }
0x1d: {  	v20 =	vld [tilespmem:$0x60]  }
0x1e: {  	v52 =	vld [tilespmem:$0x70]  }
0x1f: {  	v51 =	vld [tilespmem:$0x80]  }
0x20: {  	v46 =	vld [tilespmem:$0x90]  }
0x21: {  	v22 =	vld [tilespmem:$0xA0]  }
0x22: {  	v23 =	vld [tilespmem:$0xB0]  }
0x23: {  	v24 =	vld [tilespmem:$0xC0]  }
0x24: {  	v25 =	vld [tilespmem:$0xD0]  }
0x25: {  	v31 =	vld [tilespmem:$0xE0]  }
0x26: {  	v62 =	vld [tilespmem:$0xF0]  }
0x27: {  	v61 =	vld [tilespmem:$0x100]  }
0x28: {  	v56 =	vld [tilespmem:$0x110]  }
0x29: {  	v55 =	vld [tilespmem:$0x120]  }
0x2a: {  	v11 =	vld [tilespmem:$0x130]  }
0x2b: {  	v12 =	vld [tilespmem:$0x140]  }
0x2c: {  	v13 =	vld [tilespmem:$0x150]  }
0x2d: {  	v29 =	vld [tilespmem:$0x160]  }
0x2e: {  	v41 =	vld [tilespmem:$0x170];
	[tilespmem:s11], [sflag:$0x1] =	stream.linear.gather [hbm4b:s7+s6], $0x6000, $0x38  }
0x2f: {  	[tilespmem:$0x1FE80] =	vst v15  }
0x30: {  	[tilespmem:$0x1FE90] =	vst v17  }
0x31: {  	[tilespmem:$0x1FEA0] =	vst v21  }
0x32: {  	[tilespmem:$0x1FEB0] =	vst v28  }
0x33: {  	[tilespmem:$0x1FEC0] =	vst v19  }
0x34: {  	[tilespmem:$0x1FED0] =	vst v60  }
0x35: {  	[tilespmem:$0x1FEE0] =	vst v20  }
0x36: {  	[tilespmem:$0x1FEF0] =	vst v52  }
0x37: {  	[tilespmem:$0x1FF00] =	vst v51  }
0x38: {  	[tilespmem:$0x1FF10] =	vst v46  }
0x39: {  	[tilespmem:$0x1FF20] =	vst v22  }
0x3a: {  	[tilespmem:$0x1FF30] =	vst v23  }
0x3b: {  	[tilespmem:$0x1FF40] =	vst v24  }
0x3c: {  	[tilespmem:$0x1FF50] =	vst v25  }
0x3d: {  	[tilespmem:$0x1FF60] =	vst v31  }
0x3e: {  	[tilespmem:$0x1FF70] =	vst v62  }
0x3f: {  	[tilespmem:$0x1FF80] =	vst v61  }
0x40: {  	[tilespmem:$0x1FF90] =	vst v56  }
0x41: {  	[tilespmem:$0x1FFA0] =	vst v55  }
.Ltmp2:
0x42: {  	[tilespmem:$0x1FFB0] =	vst v29;
	(pc) =	sbr.rel .LBB2_2-.Ltmp2, $4  }
0x43: {  	[tilespmem:$0x1FFC0] =	vst v41  }
0x44: {  	[tilespmem:$0x1FFD0] =	vst v11  }
0x45: {  	[tilespmem:$0x1FFE0] =	vst v12  }
0x46: {  	s20 =	simm.s32 $0x0;
	[tilespmem:$0x1FFF0] =	vst v13  }
.LBB2_8:
0x47: {  	v19 =	vld [tilespmem:$0x1FEC0]  }
0x48: {  	v20 =	vld [tilespmem:$0x1FEE0]  }
0x49: {  	v52 =	vld [tilespmem:$0x1FEF0]  }
0x4a: {  	v51 =	vld [tilespmem:$0x1FF00]  }
0x4b: {  	v46 =	vld [tilespmem:$0x1FF10]  }
0x4c: {  	v22 =	vld [tilespmem:$0x1FF20]  }
0x4d: {  	v23 =	vld [tilespmem:$0x1FF30]  }
0x4e: {  	s20 =	sadd.s32 $0x1, s20;
	v24 =	vld [tilespmem:$0x1FF40]  }
0x4f: {  	v25 =	vld [tilespmem:$0x1FF50];
	p0 =	sne.s32 s20, $0x19  }
.Ltmp3:
0x50: {  	v31 =	vld [tilespmem:$0x1FF60];
	(pc) =	sbr.rel @!p0 .LBB2_9-.Ltmp3, $4  }
0x51: {  	v62 =	vld [tilespmem:$0x1FF70]  }
0x52: {  	v55 =	vld [tilespmem:$0x1FFA0]  }
0x53: {  	v29 =	vld [tilespmem:$0x1FFB0]  }
0x54: {  	v41 =	vld [tilespmem:$0x1FFC0]  }
.LBB2_2:
0x55: {  	s21 =	sshllo.u32 s20, $0x1  }
0x56: {  	p1 =	sgt.u32 s21, $0x30  }
0x57: {  	s0 =	smul.u32 @!p1 $0x6000, s21  }
0x58: {  	_ =	swait.ge [sflag:s12], $0x6000;
	s2 =	simm.s32 $0x0;
	p0 =	seq.s32 s20, $0x0  }
0x59: {  	[sflag:s12] =	ssyncset.done $0x0;
	s22 =	smul.u32 $0xC00, s2;
	s0 =	sadd.s32 @!p1 s5, s0  }
0x5a: {  	[sflag:s12] =	ssyncadd.s32 $0xFFFFA000;
	s3 =	simm.s32 @!p1 $0x0;
	s0 =	sshrl.u32 @!p1 s0, $0x3  }
0x5b: {  	s23 =	simm.s32 @!p1 $0x6180;
	s30 =	sor.u32 $0x380, s22;
	s0 =	sadd.s32 @!p1 s1, s0  }
0x5c: {  	v0 =	vadd.s32 s22, v15;
	[tilespmem:s23], [sflag:$0x2] =	stream.linear.gather @!p1 [hbm4b:s0+s3], $0x6000, $0x38;
	[tilespmem:$0x18180] =	vst v63  }
0x5d: {  	s31 =	sor.u32 $0x80, s22;
	v1 =	vadd.s32 s30, v15;
	s0 =	simm.s32 @!p0 $0x3  }
0x5e: {  	s24 =	sor.u32 $0x100, s22;
	v2 =	vadd.s32 s31, v15;
	_ =	swait.ge @!p0 [sflag:s0], $0x6000  }
0x5f: {  	s29 =	sor.u32 $0x180, s22;
	v3 =	vadd.s32 s24, v15;
	[sflag:s0] =	ssyncset.done @!p0 $0x0  }
0x60: {  	s28 =	sor.u32 $0x200, s22;
	v4 =	vadd.s32 s29, v15;
	[sflag:s0] =	ssyncadd.s32 @!p0 $0xFFFFA000  }
0x61: {  	s25 =	sor.u32 $0x280, s22;
	v5 =	vadd.s32 s28, v15;
	v0 =	vld.idx.msk [tilespmem:v0+s11+$0x0], $0xffff  }
0x62: {  	s26 =	sor.u32 $0x300, s22;
	v6 =	vadd.s32 s25, v15;
	v1 =	vld.idx.msk [tilespmem:v1+s11+$0x0], $0xffff  }
0x63: {  	v7 =	vadd.s32 s26, v15;
	v2 =	vld.idx.msk [tilespmem:v2+s11+$0x0], $0xffff  }
0x64: {  	v8 =	vadd.s32 s30, v17;
	v3 =	vld.idx.msk [tilespmem:v3+s11+$0x0], $0xffff  }
0x65: {  	v9 =	vadd.s32 s31, v17;
	v4 =	vld.idx.msk [tilespmem:v4+s11+$0x0], $0xffff  }
0x66: {  	v10 =	vadd.s32 s24, v17;
	v5 =	vld.idx.msk [tilespmem:v5+s11+$0x0], $0xffff;
	[tilespmem:s22+$0xC180] =	vst v0  }
0x67: {  	v6 =	vld.idx.msk [tilespmem:v6+s11+$0x0], $0xffff;
	v0 =	vadd.s32 s29, v17;
	[tilespmem:s22+$0xC500] =	vst v1  }
0x68: {  	v7 =	vld.idx.msk [tilespmem:v7+s11+$0x0], $0xffff;
	v1 =	vadd.s32 s28, v17;
	[tilespmem:s22+$0xC200] =	vst v2  }
0x69: {  	v2 =	vadd.s32 s25, v17;
	[tilespmem:s22+$0xC280] =	vst v3;
	v8 =	vld.idx.msk [tilespmem:v8+s11+$0x0], $0xffff  }
0x6a: {  	v3 =	vadd.s32 s26, v17;
	[tilespmem:s22+$0xC300] =	vst v4;
	v9 =	vld.idx.msk [tilespmem:v9+s11+$0x0], $0xffff  }
0x6b: {  	[tilespmem:s22+$0xC380] =	vst v5;
	v5 =	vadd.s32 s22, v17;
	v10 =	vld.idx.msk [tilespmem:v10+s11+$0x0], $0xffff  }
0x6c: {  	v4 =	vadd.s32 s30, v21;
	[tilespmem:s22+$0xC400] =	vst v6;
	v0 =	vld.idx.msk [tilespmem:v0+s11+$0x0], $0xffff  }
0x6d: {  	v6 =	vadd.s32 s31, v21;
	[tilespmem:s22+$0xC480] =	vst v7;
	v1 =	vld.idx.msk [tilespmem:v1+s11+$0x0], $0xffff  }
0x6e: {  	v7 =	vadd.s32 s24, v21;
	v2 =	vld.idx.msk [tilespmem:v2+s11+$0x0], $0xffff;
	[tilespmem:s22+$0xC510] =	vst v8  }
0x6f: {  	v58 =	vadd.s32 s29, v21;
	v3 =	vld.idx.msk [tilespmem:v3+s11+$0x0], $0xffff;
	[tilespmem:s22+$0xC210] =	vst v9  }
0x70: {  	v59 =	vadd.s32 s28, v21;
	v5 =	vld.idx.msk [tilespmem:v5+s11+$0x0], $0xffff;
	[tilespmem:s22+$0xC290] =	vst v10  }
0x71: {  	v63 =	vadd.s32 s25, v21;
	v4 =	vld.idx.msk [tilespmem:v4+s11+$0x0], $0xffff;
	[tilespmem:s22+$0xC310] =	vst v0  }
0x72: {  	v6 =	vld.idx.msk [tilespmem:v6+s11+$0x0], $0xffff;
	v0 =	vadd.s32 s30, v28;
	[tilespmem:s22+$0xC390] =	vst v1  }
0x73: {  	v7 =	vld.idx.msk [tilespmem:v7+s11+$0x0], $0xffff;
	v1 =	vadd.s32 s26, v21;
	[tilespmem:s22+$0xC410] =	vst v2  }
0x74: {  	v2 =	vadd.s32 s22, v21;
	[tilespmem:s22+$0xC490] =	vst v3;
	v8 =	vld.idx.msk [tilespmem:v58+s11+$0x0], $0xffff  }
0x75: {  	v3 =	vadd.s32 s31, v28;
	[tilespmem:s22+$0xC190] =	vst v5;
	v9 =	vld.idx.msk [tilespmem:v59+s11+$0x0], $0xffff  }
0x76: {  	v10 =	vld.idx.msk [tilespmem:v63+s11+$0x0], $0xffff;
	[tilespmem:s22+$0xC520] =	vst v4;
	v4 =	vadd.s32 s24, v28  }
0x77: {  	v5 =	vadd.s32 s29, v28;
	[tilespmem:s22+$0xC220] =	vst v6;
	v0 =	vld.idx.msk [tilespmem:v0+s11+$0x0], $0xffff  }
0x78: {  	v6 =	vadd.s32 s28, v28;
	[tilespmem:s22+$0xC2A0] =	vst v7;
	v1 =	vld.idx.msk [tilespmem:v1+s11+$0x0], $0xffff  }
0x79: {  	v32 =	vadd.s32 s25, v28;
	v2 =	vld.idx.msk [tilespmem:v2+s11+$0x0], $0xffff;
	[tilespmem:s22+$0xC320] =	vst v8  }
0x7a: {  	v7 =	vadd.s32 s30, v19;
	v3 =	vld.idx.msk [tilespmem:v3+s11+$0x0], $0xffff;
	[tilespmem:s22+$0xC3A0] =	vst v9  }
0x7b: {  	v33 =	vadd.s32 s26, v28;
	[tilespmem:s22+$0xC420] =	vst v10;
	v4 =	vld.idx.msk [tilespmem:v4+s11+$0x0], $0xffff  }
0x7c: {  	v34 =	vadd.s32 s22, v28;
	v5 =	vld.idx.msk [tilespmem:v5+s11+$0x0], $0xffff;
	[tilespmem:s22+$0xC530] =	vst v0  }
0x7d: {  	v6 =	vld.idx.msk [tilespmem:v6+s11+$0x0], $0xffff;
	v0 =	vadd.s32 s31, v19;
	[tilespmem:s22+$0xC4A0] =	vst v1  }
0x7e: {  	v8 =	vld.idx.msk [tilespmem:v32+s11+$0x0], $0xffff;
	v1 =	vadd.s32 s24, v19;
	[tilespmem:s22+$0xC1A0] =	vst v2  }
0x7f: {  	v2 =	vadd.s32 s29, v19;
	[tilespmem:s22+$0xC230] =	vst v3;
	v7 =	vld.idx.msk [tilespmem:v7+s11+$0x0], $0xffff  }
0x80: {  	v35 =	vadd.s32 s30, v60;
	v3 =	vld.idx.msk [tilespmem:v33+s11+$0x0], $0xffff;
	[tilespmem:s22+$0xC2B0] =	vst v4  }
0x81: {  	v10 =	vld.idx.msk [tilespmem:v34+s11+$0x0], $0xffff;
	v4 =	vadd.s32 s28, v19;
	[tilespmem:s22+$0xC330] =	vst v5  }
0x82: {  	[tilespmem:s22+$0xC3B0] =	vst v6;
	v6 =	vadd.s32 s26, v19;
	v0 =	vld.idx.msk [tilespmem:v0+s11+$0x0], $0xffff  }
0x83: {  	v5 =	vadd.s32 s25, v19;
	[tilespmem:s22+$0xC430] =	vst v8;
	v1 =	vld.idx.msk [tilespmem:v1+s11+$0x0], $0xffff  }
0x84: {  	v2 =	vld.idx.msk [tilespmem:v2+s11+$0x0], $0xffff;
	[tilespmem:s22+$0xC540] =	vst v7;
	v7 =	vadd.s32 s22, v19  }
0x85: {  	v36 =	vadd.s32 s31, v60;
	[tilespmem:s22+$0xC4B0] =	vst v3;
	v9 =	vld.idx.msk [tilespmem:v35+s11+$0x0], $0xffff  }
0x86: {  	v3 =	vadd.s32 s24, v60;
	[tilespmem:s22+$0xC1B0] =	vst v10;
	v4 =	vld.idx.msk [tilespmem:v4+s11+$0x0], $0xffff  }
0x87: {  	v37 =	vadd.s32 s30, v20;
	v6 =	vld.idx.msk [tilespmem:v6+s11+$0x0], $0xffff;
	[tilespmem:s22+$0xC240] =	vst v0  }
0x88: {  	v38 =	vadd.s32 s26, v60;
	v5 =	vld.idx.msk [tilespmem:v5+s11+$0x0], $0xffff;
	[tilespmem:s22+$0xC2C0] =	vst v1  }
0x89: {  	v0 =	vadd.s32 s29, v60;
	[tilespmem:s22+$0xC340] =	vst v2;
	v7 =	vld.idx.msk [tilespmem:v7+s11+$0x0], $0xffff  }
0x8a: {  	v1 =	vadd.s32 s28, v60;
	v8 =	vld.idx.msk [tilespmem:v36+s11+$0x0], $0xffff;
	[tilespmem:s22+$0xC550] =	vst v9  }
0x8b: {  	v2 =	vadd.s32 s25, v60;
	v3 =	vld.idx.msk [tilespmem:v3+s11+$0x0], $0xffff;
	[tilespmem:s22+$0xC3C0] =	vst v4  }
0x8c: {  	v4 =	vadd.s32 s22, v60;
	[tilespmem:s22+$0xC4C0] =	vst v6;
	v10 =	vld.idx.msk [tilespmem:v37+s11+$0x0], $0xffff  }
0x8d: {  	[tilespmem:s22+$0xC440] =	vst v5;
	v5 =	vadd.s32 s31, v20;
	v9 =	vld.idx.msk [tilespmem:v38+s11+$0x0], $0xffff  }
0x8e: {  	v6 =	vadd.s32 s30, v52;
	v0 =	vld.idx.msk [tilespmem:v0+s11+$0x0], $0xffff;
	[tilespmem:s22+$0xC1C0] =	vst v7  }
0x8f: {  	v1 =	vld.idx.msk [tilespmem:v1+s11+$0x0], $0xffff;
	v7 =	vadd.s32 s24, v20;
	[tilespmem:s22+$0xC250] =	vst v8  }
0x90: {  	v39 =	vadd.s32 s29, v20;
	v2 =	vld.idx.msk [tilespmem:v2+s11+$0x0], $0xffff;
	[tilespmem:s22+$0xC2D0] =	vst v3  }
0x91: {  	v3 =	vadd.s32 s28, v20;
	v4 =	vld.idx.msk [tilespmem:v4+s11+$0x0], $0xffff;
	[tilespmem:s22+$0xC560] =	vst v10  }
0x92: {  	v40 =	vadd.s32 s25, v20;
	v5 =	vld.idx.msk [tilespmem:v5+s11+$0x0], $0xffff;
	[tilespmem:s22+$0xC4D0] =	vst v9  }
0x93: {  	v42 =	vadd.s32 s31, v52;
	v6 =	vld.idx.msk [tilespmem:v6+s11+$0x0], $0xffff;
	[tilespmem:s22+$0xC350] =	vst v0  }
0x94: {  	v0 =	vadd.s32 s26, v20;
	[tilespmem:s22+$0xC3D0] =	vst v1;
	v7 =	vld.idx.msk [tilespmem:v7+s11+$0x0], $0xffff  }
0x95: {  	v1 =	vadd.s32 s22, v20;
	[tilespmem:s22+$0xC450] =	vst v2;
	v8 =	vld.idx.msk [tilespmem:v39+s11+$0x0], $0xffff  }
0x96: {  	v2 =	vadd.s32 s30, v51;
	v3 =	vld.idx.msk [tilespmem:v3+s11+$0x0], $0xffff;
	[tilespmem:s22+$0xC1D0] =	vst v4  }
0x97: {  	v10 =	vld.idx.msk [tilespmem:v40+s11+$0x0], $0xffff;
	v4 =	vadd.s32 s24, v52;
	[tilespmem:s22+$0xC260] =	vst v5  }
0x98: {  	v5 =	vadd.s32 s29, v52;
	v9 =	vld.idx.msk [tilespmem:v42+s11+$0x0], $0xffff;
	[tilespmem:s22+$0xC570] =	vst v6  }
0x99: {  	v6 =	vadd.s32 s28, v52;
	v0 =	vld.idx.msk [tilespmem:v0+s11+$0x0], $0xffff;
	[tilespmem:s22+$0xC2E0] =	vst v7  }
0x9a: {  	v1 =	vld.idx.msk [tilespmem:v1+s11+$0x0], $0xffff;
	v7 =	vadd.s32 s25, v52;
	[tilespmem:s22+$0xC360] =	vst v8  }
0x9b: {  	v43 =	vadd.s32 s26, v52;
	v2 =	vld.idx.msk [tilespmem:v2+s11+$0x0], $0xffff;
	[tilespmem:s22+$0xC3E0] =	vst v3  }
0x9c: {  	v3 =	vadd.s32 s30, v46;
	[tilespmem:s22+$0xC460] =	vst v10;
	v4 =	vld.idx.msk [tilespmem:v4+s11+$0x0], $0xffff  }
0x9d: {  	v44 =	vadd.s32 s22, v52;
	v5 =	vld.idx.msk [tilespmem:v5+s11+$0x0], $0xffff;
	[tilespmem:s22+$0xC270] =	vst v9  }
0x9e: {  	v6 =	vld.idx.msk [tilespmem:v6+s11+$0x0], $0xffff;
	[tilespmem:s22+$0xC4E0] =	vst v0;
	v0 =	vadd.s32 s31, v51  }
0x9f: {  	[tilespmem:s22+$0xC1E0] =	vst v1;
	v1 =	vadd.s32 s24, v51;
	v7 =	vld.idx.msk [tilespmem:v7+s11+$0x0], $0xffff  }
0xa0: {  	[tilespmem:s22+$0xC900] =	vst v2;
	v2 =	vadd.s32 s29, v51;
	v8 =	vld.idx.msk [tilespmem:v43+s11+$0x0], $0xffff  }
0xa1: {  	v45 =	vadd.s32 s28, v51;
	v3 =	vld.idx.msk [tilespmem:v3+s11+$0x0], $0xffff;
	[tilespmem:s22+$0xC2F0] =	vst v4  }
0xa2: {  	v10 =	vld.idx.msk [tilespmem:v44+s11+$0x0], $0xffff;
	v4 =	vadd.s32 s25, v51;
	[tilespmem:s22+$0xC370] =	vst v5  }
0xa3: {  	v5 =	vadd.s32 s30, v22;
	[tilespmem:s22+$0xC3F0] =	vst v6;
	v0 =	vld.idx.msk [tilespmem:v0+s11+$0x0], $0xffff  }
0xa4: {  	v6 =	vadd.s32 s26, v51;
	v1 =	vld.idx.msk [tilespmem:v1+s11+$0x0], $0xffff;
	[tilespmem:s22+$0xC470] =	vst v7  }
0xa5: {  	v2 =	vld.idx.msk [tilespmem:v2+s11+$0x0], $0xffff;
	v7 =	vadd.s32 s22, v51;
	[tilespmem:s22+$0xC4F0] =	vst v8  }
0xa6: {  	v47 =	vadd.s32 s31, v46;
	v9 =	vld.idx.msk [tilespmem:v45+s11+$0x0], $0xffff;
	[tilespmem:s22+$0xC910] =	vst v3  }
0xa7: {  	v3 =	vadd.s32 s24, v46;
	[tilespmem:s22+$0xC1F0] =	vst v10;
	v4 =	vld.idx.msk [tilespmem:v4+s11+$0x0], $0xffff  }
0xa8: {  	v48 =	vadd.s32 s29, v46;
	v5 =	vld.idx.msk [tilespmem:v5+s11+$0x0], $0xffff;
	[tilespmem:s22+$0xC600] =	vst v0  }
0xa9: {  	v6 =	vld.idx.msk [tilespmem:v6+s11+$0x0], $0xffff;
	v0 =	vadd.s32 s28, v46;
	[tilespmem:s22+$0xC680] =	vst v1  }
0xaa: {  	v1 =	vadd.s32 s30, v23;
	[tilespmem:s22+$0xC700] =	vst v2;
	v7 =	vld.idx.msk [tilespmem:v7+s11+$0x0], $0xffff  }
0xab: {  	v2 =	vadd.s32 s25, v46;
	[tilespmem:s22+$0xC780] =	vst v9;
	v8 =	vld.idx.msk [tilespmem:v47+s11+$0x0], $0xffff  }
0xac: {  	v49 =	vadd.s32 s26, v46;
	v3 =	vld.idx.msk [tilespmem:v3+s11+$0x0], $0xffff;
	[tilespmem:s22+$0xC800] =	vst v4  }
0xad: {  	v10 =	vld.idx.msk [tilespmem:v48+s11+$0x0], $0xffff;
	v4 =	vadd.s32 s22, v46;
	[tilespmem:s22+$0xC920] =	vst v5  }
0xae: {  	v5 =	vadd.s32 s31, v22;
	[tilespmem:s22+$0xC880] =	vst v6;
	v0 =	vld.idx.msk [tilespmem:v0+s11+$0x0], $0xffff  }
0xaf: {  	v6 =	vadd.s32 s24, v22;
	v1 =	vld.idx.msk [tilespmem:v1+s11+$0x0], $0xffff;
	[tilespmem:s22+$0xC580] =	vst v7  }
0xb0: {  	v2 =	vld.idx.msk [tilespmem:v2+s11+$0x0], $0xffff;
	v7 =	vadd.s32 s29, v22;
	[tilespmem:s22+$0xC610] =	vst v8  }
0xb1: {  	v53 =	vadd.s32 s30, v24;
	v50 =	vld.idx.msk [tilespmem:v49+s11+$0x0], $0xffff;
	[tilespmem:s22+$0xC690] =	vst v3  }
0xb2: {  	v3 =	vadd.s32 s28, v22;
	[tilespmem:s22+$0xC710] =	vst v10;
	v4 =	vld.idx.msk [tilespmem:v4+s11+$0x0], $0xffff  }
0xb3: {  	v54 =	vadd.s32 s25, v22;
	v5 =	vld.idx.msk [tilespmem:v5+s11+$0x0], $0xffff;
	[tilespmem:s22+$0xC790] =	vst v0  }
0xb4: {  	v6 =	vld.idx.msk [tilespmem:v6+s11+$0x0], $0xffff;
	v0 =	vadd.s32 s26, v22;
	[tilespmem:s22+$0xC930] =	vst v1  }
0xb5: {  	v1 =	vadd.s32 s22, v22;
	[tilespmem:s22+$0xC810] =	vst v2;
	v7 =	vld.idx.msk [tilespmem:v7+s11+$0x0], $0xffff  }
0xb6: {  	v2 =	vadd.s32 s31, v23;
	[tilespmem:s22+$0xC890] =	vst v50;
	v9 =	vld.idx.msk [tilespmem:v53+s11+$0x0], $0xffff  }
0xb7: {  	v57 =	vadd.s32 s24, v23;
	v3 =	vld.idx.msk [tilespmem:v3+s11+$0x0], $0xffff;
	[tilespmem:s22+$0xC590] =	vst v4  }
0xb8: {  	v58 =	vadd.s32 s30, v25;
	v4 =	vld.idx.msk [tilespmem:v54+s11+$0x0], $0xffff;
	[tilespmem:s22+$0xC620] =	vst v5  }
0xb9: {  	v5 =	vadd.s32 s29, v23;
	[tilespmem:s22+$0xC6A0] =	vst v6;
	v0 =	vld.idx.msk [tilespmem:v0+s11+$0x0], $0xffff  }
0xba: {  	v6 =	vadd.s32 s28, v23;
	v1 =	vld.idx.msk [tilespmem:v1+s11+$0x0], $0xffff;
	[tilespmem:s22+$0xC720] =	vst v7  }
0xbb: {  	v2 =	vld.idx.msk [tilespmem:v2+s11+$0x0], $0xffff;
	v7 =	vadd.s32 s25, v23;
	[tilespmem:s22+$0xC940] =	vst v9  }
0xbc: {  	v59 =	vadd.s32 s26, v23;
	v8 =	vld.idx.msk [tilespmem:v57+s11+$0x0], $0xffff;
	[tilespmem:s22+$0xC7A0] =	vst v3  }
0xbd: {  	v3 =	vadd.s32 s22, v23;
	v10 =	vld.idx.msk [tilespmem:v58+s11+$0x0], $0xffff;
	[tilespmem:s22+$0xC820] =	vst v4  }
0xbe: {  	v4 =	vadd.s32 s31, v24;
	v5 =	vld.idx.msk [tilespmem:v5+s11+$0x0], $0xffff;
	[tilespmem:s22+$0xC8A0] =	vst v0  }
0xbf: {  	v6 =	vld.idx.msk [tilespmem:v6+s11+$0x0], $0xffff;
	v0 =	vadd.s32 s30, v31;
	[tilespmem:s22+$0xC5A0] =	vst v1  }
0xc0: {  	v1 =	vadd.s32 s24, v24;
	[tilespmem:s22+$0xC630] =	vst v2;
	v7 =	vld.idx.msk [tilespmem:v7+s11+$0x0], $0xffff  }
0xc1: {  	v2 =	vadd.s32 s29, v24;
	[tilespmem:s22+$0xC6B0] =	vst v8;
	v9 =	vld.idx.msk [tilespmem:v59+s11+$0x0], $0xffff  }
0xc2: {  	v63 =	vadd.s32 s28, v24;
	v3 =	vld.idx.msk [tilespmem:v3+s11+$0x0], $0xffff;
	[tilespmem:s22+$0xC950] =	vst v10  }
0xc3: {  	v32 =	vadd.s32 s25, v24;
	v4 =	vld.idx.msk [tilespmem:v4+s11+$0x0], $0xffff;
	[tilespmem:s22+$0xC730] =	vst v5  }
0xc4: {  	v5 =	vadd.s32 s26, v24;
	[tilespmem:s22+$0xC7B0] =	vst v6;
	v0 =	vld.idx.msk [tilespmem:v0+s11+$0x0], $0xffff  }
0xc5: {  	v33 =	vadd.s32 s31, v25;
	v1 =	vld.idx.msk [tilespmem:v1+s11+$0x0], $0xffff;
	[tilespmem:s22+$0xC830] =	vst v7  }
0xc6: {  	v6 =	vadd.s32 s22, v24;
	v2 =	vld.idx.msk [tilespmem:v2+s11+$0x0], $0xffff;
	[tilespmem:s22+$0xC8B0] =	vst v9  }
0xc7: {  	v8 =	vld.idx.msk [tilespmem:v63+s11+$0x0], $0xffff;
	v7 =	vadd.s32 s30, v62;
	[tilespmem:s22+$0xC5B0] =	vst v3  }
0xc8: {  	v3 =	vadd.s32 s24, v25;
	v10 =	vld.idx.msk [tilespmem:v32+s11+$0x0], $0xffff;
	[tilespmem:s22+$0xC640] =	vst v4  }
0xc9: {  	v4 =	vadd.s32 s29, v25;
	v5 =	vld.idx.msk [tilespmem:v5+s11+$0x0], $0xffff;
	[tilespmem:s22+$0xC960] =	vst v0  }
0xca: {  	v9 =	vld.idx.msk [tilespmem:v33+s11+$0x0], $0xffff;
	v0 =	vadd.s32 s28, v25;
	[tilespmem:s22+$0xC6C0] =	vst v1  }
0xcb: {  	v6 =	vld.idx.msk [tilespmem:v6+s11+$0x0], $0xffff;
	v1 =	vadd.s32 s25, v25;
	[tilespmem:s22+$0xC740] =	vst v2  }
0xcc: {  	v2 =	vadd.s32 s26, v25;
	[tilespmem:s22+$0xC7C0] =	vst v8;
	v7 =	vld.idx.msk [tilespmem:v7+s11+$0x0], $0xffff  }
0xcd: {  	v35 =	vadd.s32 s22, v25;
	v3 =	vld.idx.msk [tilespmem:v3+s11+$0x0], $0xffff;
	[tilespmem:s22+$0xC840] =	vst v10  }
0xce: {  	v34 =	vadd.s32 s30, v61;
	v4 =	vld.idx.msk [tilespmem:v4+s11+$0x0], $0xffff;
	[tilespmem:s22+$0xC8C0] =	vst v5  }
0xcf: {  	v5 =	vadd.s32 s31, v31;
	[tilespmem:s22+$0xC650] =	vst v9;
	v0 =	vld.idx.msk [tilespmem:v0+s11+$0x0], $0xffff  }
0xd0: {  	[tilespmem:s22+$0xC5C0] =	vst v6;
	v6 =	vadd.s32 s24, v31;
	v1 =	vld.idx.msk [tilespmem:v1+s11+$0x0], $0xffff  }
0xd1: {  	v2 =	vld.idx.msk [tilespmem:v2+s11+$0x0], $0xffff;
	[tilespmem:s22+$0xC970] =	vst v7;
	v7 =	vadd.s32 s29, v31  }
0xd2: {  	v36 =	vadd.s32 s28, v31;
	v10 =	vld.idx.msk [tilespmem:v35+s11+$0x0], $0xffff;
	[tilespmem:s22+$0xC6D0] =	vst v3  }
0xd3: {  	v3 =	vadd.s32 s25, v31;
	v8 =	vld.idx.msk [tilespmem:v34+s11+$0x0], $0xffff;
	[tilespmem:s22+$0xC750] =	vst v4  }
0xd4: {  	v5 =	vld.idx.msk [tilespmem:v5+s11+$0x0], $0xffff;
	v4 =	vadd.s32 s30, v56;
	[tilespmem:s22+$0xC7D0] =	vst v0  }
0xd5: {  	v6 =	vld.idx.msk [tilespmem:v6+s11+$0x0], $0xffff;
	v0 =	vadd.s32 s26, v31;
	[tilespmem:s22+$0xC850] =	vst v1  }
0xd6: {  	v1 =	vadd.s32 s22, v31;
	[tilespmem:s22+$0xC8D0] =	vst v2;
	v7 =	vld.idx.msk [tilespmem:v7+s11+$0x0], $0xffff  }
0xd7: {  	v2 =	vadd.s32 s31, v62;
	[tilespmem:s22+$0xC5D0] =	vst v10;
	v9 =	vld.idx.msk [tilespmem:v36+s11+$0x0], $0xffff  }
0xd8: {  	v37 =	vadd.s32 s24, v62;
	v3 =	vld.idx.msk [tilespmem:v3+s11+$0x0], $0xffff;
	[tilespmem:s22+$0xCD00] =	vst v8  }
0xd9: {  	v38 =	vadd.s32 s29, v62;
	[tilespmem:s22+$0xC660] =	vst v5;
	v4 =	vld.idx.msk [tilespmem:v4+s11+$0x0], $0xffff  }
0xda: {  	v5 =	vadd.s32 s28, v62;
	[tilespmem:s22+$0xC6E0] =	vst v6;
	v0 =	vld.idx.msk [tilespmem:v0+s11+$0x0], $0xffff  }
0xdb: {  	v6 =	vadd.s32 s30, v55;
	v1 =	vld.idx.msk [tilespmem:v1+s11+$0x0], $0xffff;
	[tilespmem:s22+$0xC760] =	vst v7  }
0xdc: {  	v2 =	vld.idx.msk [tilespmem:v2+s11+$0x0], $0xffff;
	v7 =	vadd.s32 s25, v62;
	[tilespmem:s22+$0xC7E0] =	vst v9  }
0xdd: {  	v39 =	vadd.s32 s26, v62;
	v8 =	vld.idx.msk [tilespmem:v37+s11+$0x0], $0xffff;
	[tilespmem:s22+$0xC860] =	vst v3  }
0xde: {  	v3 =	vadd.s32 s22, v62;
	v10 =	vld.idx.msk [tilespmem:v38+s11+$0x0], $0xffff;
	[tilespmem:s22+$0xCD10] =	vst v4  }
0xdf: {  	v5 =	vld.idx.msk [tilespmem:v5+s11+$0x0], $0xffff;
	v4 =	vadd.s32 s31, v61;
	[tilespmem:s22+$0xC8E0] =	vst v0  }
0xe0: {  	v42 =	vadd.s32 s28, v61;
	v6 =	vld.idx.msk [tilespmem:v6+s11+$0x0], $0xffff;
	[tilespmem:s22+$0xC5E0] =	vst v1  }
0xe1: {  	v0 =	vadd.s32 s24, v61;
	[tilespmem:s22+$0xC670] =	vst v2;
	v7 =	vld.idx.msk [tilespmem:v7+s11+$0x0], $0xffff  }
0xe2: {  	v1 =	vadd.s32 s29, v61;
	[tilespmem:s22+$0xC6F0] =	vst v8;
	v2 =	vld.idx.msk [tilespmem:v39+s11+$0x0], $0xffff  }
0xe3: {  	v40 =	vadd.s32 s30, v11;
	v3 =	vld.idx.msk [tilespmem:v3+s11+$0x0], $0xffff;
	[tilespmem:s22+$0xC770] =	vst v10  }
0xe4: {  	v43 =	vadd.s32 s25, v61;
	[tilespmem:s22+$0xC7F0] =	vst v5;
	v4 =	vld.idx.msk [tilespmem:v4+s11+$0x0], $0xffff  }
0xe5: {  	v5 =	vadd.s32 s26, v61;
	v8 =	vld.idx.msk [tilespmem:v42+s11+$0x0], $0xffff;
	[tilespmem:s22+$0xCD20] =	vst v6  }
0xe6: {  	v6 =	vadd.s32 s22, v61;
	v0 =	vld.idx.msk [tilespmem:v0+s11+$0x0], $0xffff;
	[tilespmem:s22+$0xC870] =	vst v7  }
0xe7: {  	v1 =	vld.idx.msk [tilespmem:v1+s11+$0x0], $0xffff;
	v7 =	vadd.s32 s31, v56;
	[tilespmem:s22+$0xC8F0] =	vst v2  }
0xe8: {  	v9 =	vld.idx.msk [tilespmem:v40+s11+$0x0], $0xffff;
	v2 =	vadd.s32 s24, v56;
	[tilespmem:s22+$0xC5F0] =	vst v3  }
0xe9: {  	v44 =	vadd.s32 s30, v12;
	v3 =	vld.idx.msk [tilespmem:v43+s11+$0x0], $0xffff;
	[tilespmem:s22+$0xCA00] =	vst v4  }
0xea: {  	v5 =	vld.idx.msk [tilespmem:v5+s11+$0x0], $0xffff;
	v4 =	vadd.s32 s29, v56;
	[tilespmem:s22+$0xCB80] =	vst v8  }
0xeb: {  	v45 =	vadd.s32 s26, v56;
	v6 =	vld.idx.msk [tilespmem:v6+s11+$0x0], $0xffff;
	[tilespmem:s22+$0xCA80] =	vst v0  }
0xec: {  	v0 =	vadd.s32 s28, v56;
	[tilespmem:s22+$0xCB00] =	vst v1;
	v7 =	vld.idx.msk [tilespmem:v7+s11+$0x0], $0xffff  }
0xed: {  	v1 =	vadd.s32 s25, v56;
	[tilespmem:s22+$0xCD30] =	vst v9;
	v2 =	vld.idx.msk [tilespmem:v2+s11+$0x0], $0xffff  }
0xee: {  	v47 =	vadd.s32 s22, v56;
	v10 =	vld.idx.msk [tilespmem:v44+s11+$0x0], $0xffff;
	[tilespmem:s22+$0xCC00] =	vst v3  }
0xef: {  	v3 =	vadd.s32 s31, v55;
	[tilespmem:s22+$0xCC80] =	vst v5;
	v4 =	vld.idx.msk [tilespmem:v4+s11+$0x0], $0xffff  }
0xf0: {  	v5 =	vadd.s32 s30, v13;
	v9 =	vld.idx.msk [tilespmem:v45+s11+$0x0], $0xffff;
	[tilespmem:s22+$0xC980] =	vst v6  }
0xf1: {  	v6 =	vadd.s32 s24, v55;
	v0 =	vld.idx.msk [tilespmem:v0+s11+$0x0], $0xffff;
	[tilespmem:s22+$0xCA10] =	vst v7  }
0xf2: {  	v1 =	vld.idx.msk [tilespmem:v1+s11+$0x0], $0xffff;
	v7 =	vadd.s32 s29, v55;
	[tilespmem:s22+$0xCA90] =	vst v2  }
0xf3: {  	v8 =	vld.idx.msk [tilespmem:v47+s11+$0x0], $0xffff;
	v2 =	vadd.s32 s28, v55;
	[tilespmem:s22+$0xCD40] =	vst v10  }
0xf4: {  	v48 =	vadd.s32 s25, v55;
	v3 =	vld.idx.msk [tilespmem:v3+s11+$0x0], $0xffff;
	[tilespmem:s22+$0xCB10] =	vst v4  }
0xf5: {  	v5 =	vld.idx.msk [tilespmem:v5+s11+$0x0], $0xffff;
	v4 =	vadd.s32 s26, v55;
	[tilespmem:s22+$0xCC90] =	vst v9  }
0xf6: {  	v49 =	vadd.s32 s31, v11;
	v6 =	vld.idx.msk [tilespmem:v6+s11+$0x0], $0xffff;
	[tilespmem:s22+$0xCB90] =	vst v0  }
0xf7: {  	v0 =	vadd.s32 s22, v55;
	[tilespmem:s22+$0xCC10] =	vst v1;
	v7 =	vld.idx.msk [tilespmem:v7+s11+$0x0], $0xffff  }
0xf8: {  	v1 =	vadd.s32 s30, v29;
	[tilespmem:s22+$0xC990] =	vst v8;
	v2 =	vld.idx.msk [tilespmem:v2+s11+$0x0], $0xffff  }
0xf9: {  	v50 =	vadd.s32 s24, v11;
	v10 =	vld.idx.msk [tilespmem:v48+s11+$0x0], $0xffff;
	[tilespmem:s22+$0xCA20] =	vst v3  }
0xfa: {  	v3 =	vadd.s32 s29, v11;
	[tilespmem:s22+$0xCD50] =	vst v5;
	v4 =	vld.idx.msk [tilespmem:v4+s11+$0x0], $0xffff  }
0xfb: {  	v5 =	vadd.s32 s28, v11;
	v9 =	vld.idx.msk [tilespmem:v49+s11+$0x0], $0xffff;
	[tilespmem:s22+$0xCAA0] =	vst v6  }
0xfc: {  	v6 =	vadd.s32 s25, v11;
	v0 =	vld.idx.msk [tilespmem:v0+s11+$0x0], $0xffff;
	[tilespmem:s22+$0xCB20] =	vst v7  }
0xfd: {  	v1 =	vld.idx.msk [tilespmem:v1+s11+$0x0], $0xffff;
	v7 =	vadd.s32 s26, v11;
	[tilespmem:s22+$0xCBA0] =	vst v2  }
0xfe: {  	v8 =	vld.idx.msk [tilespmem:v50+s11+$0x0], $0xffff;
	v2 =	vadd.s32 s30, v41;
	[tilespmem:s22+$0xCC20] =	vst v10  }
0xff: {  	v53 =	vadd.s32 s22, v11;
	v3 =	vld.idx.msk [tilespmem:v3+s11+$0x0], $0xffff;
	[tilespmem:s22+$0xCCA0] =	vst v4  }
0x100: {  	v5 =	vld.idx.msk [tilespmem:v5+s11+$0x0], $0xffff;
	v4 =	vadd.s32 s31, v12;
	[tilespmem:s22+$0xCA30] =	vst v9  }
0x101: {  	v54 =	vadd.s32 s28, v12;
	v6 =	vld.idx.msk [tilespmem:v6+s11+$0x0], $0xffff;
	[tilespmem:s22+$0xC9A0] =	vst v0  }
0x102: {  	v0 =	vadd.s32 s24, v12;
	[tilespmem:s22+$0xCD60] =	vst v1;
	v7 =	vld.idx.msk [tilespmem:v7+s11+$0x0], $0xffff  }
0x103: {  	v1 =	vadd.s32 s29, v12;
	[tilespmem:s22+$0xCAB0] =	vst v8;
	v2 =	vld.idx.msk [tilespmem:v2+s11+$0x0], $0xffff  }
0x104: {  	v56 =	vadd.s32 s25, v12;
	v10 =	vld.idx.msk [tilespmem:v53+s11+$0x0], $0xffff;
	[tilespmem:s22+$0xCB30] =	vst v3  }
0x105: {  	v3 =	vadd.s32 s26, v12;
	[tilespmem:s22+$0xCBB0] =	vst v5;
	v4 =	vld.idx.msk [tilespmem:v4+s11+$0x0], $0xffff  }
0x106: {  	v5 =	vadd.s32 s22, v12;
	v9 =	vld.idx.msk [tilespmem:v54+s11+$0x0], $0xffff;
	[tilespmem:s22+$0xCC30] =	vst v6  }
0x107: {  	v6 =	vadd.s32 s31, v13;
	v0 =	vld.idx.msk [tilespmem:v0+s11+$0x0], $0xffff;
	[tilespmem:s22+$0xCCB0] =	vst v7  }
0x108: {  	v57 =	vadd.s32 s28, v13;
	v1 =	vld.idx.msk [tilespmem:v1+s11+$0x0], $0xffff;
	[tilespmem:s22+$0xCD70] =	vst v2  }
0x109: {  	v8 =	vld.idx.msk [tilespmem:v56+s11+$0x0], $0xffff;
	v7 =	vadd.s32 s24, v13;
	[tilespmem:s22+$0xC9B0] =	vst v10  }
0x10a: {  	v2 =	vadd.s32 s29, v13;
	v3 =	vld.idx.msk [tilespmem:v3+s11+$0x0], $0xffff;
	[tilespmem:s22+$0xCA40] =	vst v4  }
0x10b: {  	v5 =	vld.idx.msk [tilespmem:v5+s11+$0x0], $0xffff;
	v4 =	vadd.s32 s25, v13;
	[tilespmem:s22+$0xCBC0] =	vst v9  }
0x10c: {  	v6 =	vld.idx.msk [tilespmem:v6+s11+$0x0], $0xffff;
	[tilespmem:s22+$0xCAC0] =	vst v0;
	v0 =	vadd.s32 s26, v13  }
0x10d: {  	v10 =	vld.idx.msk [tilespmem:v57+s11+$0x0], $0xffff;
	[tilespmem:s22+$0xCB40] =	vst v1;
	v1 =	vadd.s32 s22, v13  }
0x10e: {  	v58 =	vadd.s32 s31, v29;
	v7 =	vld.idx.msk [tilespmem:v7+s11+$0x0], $0xffff  }
0x10f: {  	v59 =	vadd.s32 s24, v29;
	[tilespmem:s22+$0xCC40] =	vst v8;
	v2 =	vld.idx.msk [tilespmem:v2+s11+$0x0], $0xffff  }
0x110: {  	[tilespmem:s22+$0xCCC0] =	vst v3;
	v3 =	vadd.s32 s29, v29;
	v4 =	vld.idx.msk [tilespmem:v4+s11+$0x0], $0xffff  }
0x111: {  	[tilespmem:s22+$0xC9C0] =	vst v5;
	v5 =	vadd.s32 s28, v29;
	v0 =	vld.idx.msk [tilespmem:v0+s11+$0x0], $0xffff  }
0x112: {  	[tilespmem:s22+$0xCA50] =	vst v6;
	v6 =	vadd.s32 s25, v29;
	v1 =	vld.idx.msk [tilespmem:v1+s11+$0x0], $0xffff  }
0x113: {  	v9 =	vld.idx.msk [tilespmem:v58+s11+$0x0], $0xffff;
	[tilespmem:s22+$0xCAD0] =	vst v7;
	v7 =	vadd.s32 s26, v29  }
0x114: {  	[tilespmem:s22+$0xCB50] =	vst v2;
	v2 =	vadd.s32 s22, v29;
	v8 =	vld.idx.msk [tilespmem:v59+s11+$0x0], $0xffff  }
0x115: {  	v61 =	vadd.s32 s31, v41;
	[tilespmem:s22+$0xCBD0] =	vst v10;
	v63 =	vld.idx.msk [tilespmem:v3+s11+$0x0], $0xffff  }
0x116: {  	v12 =	vadd.s32 s24, v41;
	v13 =	vld.idx.msk [tilespmem:v5+s11+$0x0], $0xffff;
	[tilespmem:s22+$0xCC50] =	vst v4  }
0x117: {  	v6 =	vld.idx.msk [tilespmem:v6+s11+$0x0], $0xffff;
	[tilespmem:s22+$0xCCD0] =	vst v0;
	v0 =	vadd.s32 s29, v41  }
0x118: {  	[tilespmem:s22+$0xC9D0] =	vst v1;
	v1 =	vadd.s32 s28, v41;
	v5 =	vld.idx.msk [tilespmem:v7+s11+$0x0], $0xffff  }
0x119: {  	[tilespmem:s22+$0xCA60] =	vst v9;
	v4 =	vld.idx.msk [tilespmem:v2+s11+$0x0], $0xffff  }
0x11a: {  	v3 =	vld.idx.msk [tilespmem:v61+s11+$0x0], $0xffff;
	[tilespmem:s22+$0xCAE0] =	vst v8  }
0x11b: {  	s23 =	smul.u32 $0xC000, s20;
	[tilespmem:s22+$0xCB60] =	vst v63;
	v2 =	vld.idx.msk [tilespmem:v12+s11+$0x0], $0xffff  }
0x11c: {  	[tilespmem:s22+$0xCBE0] =	vst v13;
	v0 =	vld.idx.msk [tilespmem:v0+s11+$0x0], $0xffff  }
0x11d: {  	v26 =	vadd.s32 s26, v41;
	v24 =	vadd.s32 s22, v41;
	v25 =	vadd.s32 s25, v41;
	s24 =	sadd.s32 s5, s23;
	s25 =	simm.s32 $0x8;
	[tilespmem:s22+$0xCC60] =	vst v6;
	v1 =	vld.idx.msk [tilespmem:v1+s11+$0x0], $0xffff  }
.LBB2_3:
0x11e: {  	_ =	sdelay $0x2  }
0x11f: {  	s0 =	sshrl.u32 s25, $0x3  }
0x120: {  	v6 =	vld.idx.msk [tilespmem:v25+s11+$0x0], $0xffff;
	s3 =	smul.u32 $0xC00, s0;
	[tilespmem:s22+$0xCCE0] =	vst v5  }
0x121: {  	v38 =	vld [tilespmem:$0x1FF30];
	[tilespmem:s22+$0xC9E0] =	vst v4  }
0x122: {  	s26 =	sor.u32 $0x380, s3;
	[tilespmem:s22+$0xCA70] =	vst v3;
	v3 =	vadd.s32 s3, v15;
	v4 =	vld.idx.msk [tilespmem:v26+s11+$0x0], $0xffff  }
0x123: {  	[tilespmem:s22+$0xCAF0] =	vst v2;
	s2 =	sor.u32 $0x80, s3;
	v8 =	vadd.s32 s26, v15;
	v5 =	vld.idx.msk [tilespmem:v24+s11+$0x0], $0xffff  }
0x124: {  	v34 =	vld [tilespmem:$0x1FF20];
	s28 =	sor.u32 $0x100, s3;
	v2 =	vadd.s32 s2, v15;
	[tilespmem:s22+$0xCB70] =	vst v0  }
0x125: {  	s30 =	sor.u32 $0x180, s3;
	s29 =	sor.u32 $0x200, s3;
	s0 =	sor.u32 $0x280, s3;
	v50 =	vadd.s32 s3, v21;
	v7 =	vadd.s32 s28, v15;
	[tilespmem:s22+$0xCBF0] =	vst v1  }
0x126: {  	s31 =	sor.u32 $0x300, s3;
	v9 =	vadd.s32 s30, v15;
	v10 =	vadd.s32 s29, v15;
	v11 =	vadd.s32 s0, v15;
	[tilespmem:s22+$0xCC70] =	vst v6  }
0x127: {  	v13 =	vadd.s32 s31, v15;
	v35 =	vadd.s32 s2, v21;
	v12 =	vld.idx.msk [tilespmem:v3+s11+$0x0], $0xffff;
	[tilespmem:s22+$0xCCF0] =	vst v4  }
0x128: {  	v37 =	vadd.s32 s28, v21;
	v15 =	vld.idx.msk [tilespmem:v8+s11+$0x0], $0xffff;
	[tilespmem:s22+$0xC9F0] =	vst v5;
	s22 =	smov.u32 s3;
	v4 =	vadd.s32 s30, v38  }
0x129: {  	v39 =	vadd.s32 s30, v21;
	v43 =	vadd.s32 s29, v21;
	v16 =	vld.idx.msk [tilespmem:v2+s11+$0x0], $0xffff;
	v3 =	vadd.s32 s22, v34;
	[tilespmem:$0x1F9B0] =	vst v4  }
0x12a: {  	v47 =	vadd.s32 s0, v21;
	v59 =	vadd.s32 s31, v21;
	v21 =	vld.idx.msk [tilespmem:v7+s11+$0x0], $0xffff;
	v4 =	vadd.s32 s31, v38;
	[tilespmem:$0x1F9A0] =	vst v3  }
0x12b: {  	v24 =	vld.idx.msk [tilespmem:v9+s11+$0x0], $0xffff;
	[tilespmem:$0x1F9C0] =	vst v4;
	v4 =	vadd.s32 s22, v38  }
0x12c: {  	v2 =	vld [tilespmem:$0x1FEC0];
	[tilespmem:$0x1F9D0] =	vst v4  }
0x12d: {  	[tilespmem:s22+$0xC180] =	vst v12  }
0x12e: {  	v30 =	vadd.s32 s3, v17;
	v14 =	vadd.s32 s2, v17;
	v18 =	vadd.s32 s28, v17;
	[tilespmem:s22+$0xC500] =	vst v15  }
0x12f: {  	v19 =	vadd.s32 s30, v17;
	v20 =	vadd.s32 s29, v17;
	v22 =	vadd.s32 s0, v17;
	[tilespmem:s22+$0xC200] =	vst v16  }
0x130: {  	v27 =	vadd.s32 s31, v17;
	v56 =	vadd.s32 s2, v28;
	v58 =	vadd.s32 s28, v28;
	[tilespmem:s22+$0xC280] =	vst v21  }
0x131: {  	v45 =	vld [tilespmem:$0x1FEE0];
	v61 =	vadd.s32 s30, v28;
	v23 =	vadd.s32 s26, v17;
	v0 =	vadd.s32 s30, v2;
	[tilespmem:s22+$0xC300] =	vst v24  }
0x132: {  	v17 =	vadd.s32 s3, v28;
	v7 =	vadd.s32 s29, v28;
	[tilespmem:$0x1F8B0] =	vst v0;
	v0 =	vadd.s32 s22, v2  }
0x133: {  	v8 =	vadd.s32 s0, v28;
	v9 =	vadd.s32 s31, v28;
	v28 =	vld.idx.msk [tilespmem:v10+s11+$0x0], $0xffff;
	[tilespmem:$0x1F8C0] =	vst v0;
	v0 =	vadd.s32 s2, v60  }
0x134: {  	v32 =	vld.idx.msk [tilespmem:v11+s11+$0x0], $0xffff;
	[tilespmem:$0x1F8D0] =	vst v0;
	v0 =	vadd.s32 s31, v60  }
0x135: {  	v33 =	vld.idx.msk [tilespmem:v13+s11+$0x0], $0xffff;
	[tilespmem:$0x1F8E0] =	vst v0;
	v0 =	vadd.s32 s22, v60  }
0x136: {  	v36 =	vld.idx.msk [tilespmem:v23+s11+$0x0], $0xffff;
	[tilespmem:$0x1F8F0] =	vst v0;
	v0 =	vadd.s32 s29, v45  }
0x137: {  	v40 =	vld.idx.msk [tilespmem:v14+s11+$0x0], $0xffff;
	[tilespmem:$0x1F900] =	vst v0;
	v0 =	vadd.s32 s22, v45  }
0x138: {  	[tilespmem:$0x1F910] =	vst v0;
	v0 =	vld [tilespmem:$0x1FEA0]  }
0x139: {  	[tilespmem:s22+$0xC380] =	vst v28  }
0x13a: {  	[tilespmem:s22+$0xC400] =	vst v32  }
0x13b: {  	[tilespmem:s22+$0xC480] =	vst v33  }
0x13c: {  	[tilespmem:s22+$0xC510] =	vst v36  }
0x13d: {  	[tilespmem:s22+$0xC210] =	vst v40;
	v44 =	vadd.s32 s26, v0;
	v0 =	vadd.s32 s28, v52  }
0x13e: {  	v42 =	vld.idx.msk [tilespmem:v18+s11+$0x0], $0xffff;
	[tilespmem:$0x1F920] =	vst v0;
	v0 =	vadd.s32 s0, v52  }
0x13f: {  	v48 =	vld.idx.msk [tilespmem:v19+s11+$0x0], $0xffff;
	[tilespmem:$0x1F930] =	vst v0;
	v0 =	vadd.s32 s22, v52  }
0x140: {  	v57 =	vld.idx.msk [tilespmem:v20+s11+$0x0], $0xffff;
	[tilespmem:$0x1F940] =	vst v0;
	v0 =	vadd.s32 s29, v51  }
0x141: {  	v54 =	vld.idx.msk [tilespmem:v27+s11+$0x0], $0xffff;
	[tilespmem:$0x1F950] =	vst v0;
	v0 =	vadd.s32 s22, v51  }
0x142: {  	v1 =	vld.idx.msk [tilespmem:v35+s11+$0x0], $0xffff;
	[tilespmem:$0x1F960] =	vst v0;
	v0 =	vadd.s32 s30, v46  }
0x143: {  	v53 =	vld.idx.msk [tilespmem:v22+s11+$0x0], $0xffff;
	[tilespmem:$0x1F970] =	vst v0;
	v0 =	vadd.s32 s31, v46  }
0x144: {  	[tilespmem:$0x1F980] =	vst v0;
	v0 =	vld [tilespmem:$0x1FEB0]  }
0x145: {  	v63 =	vld.idx.msk [tilespmem:v30+s11+$0x0], $0xffff;
	[tilespmem:s22+$0xC310] =	vst v48  }
0x146: {  	v6 =	vld.idx.msk [tilespmem:v39+s11+$0x0], $0xffff;
	[tilespmem:s22+$0xC490] =	vst v54  }
0x147: {  	[tilespmem:s22+$0xC220] =	vst v1;
	v1 =	vld.idx.msk [tilespmem:v59+s11+$0x0], $0xffff  }
0x148: {  	v13 =	vadd.s32 s28, v60;
	v15 =	vadd.s32 s30, v60;
	v16 =	vadd.s32 s0, v60;
	[tilespmem:s22+$0xC290] =	vst v42;
	v59 =	vld [tilespmem:$0x1FF40]  }
0x149: {  	v14 =	vadd.s32 s29, v60;
	[tilespmem:s22+$0xC390] =	vst v57;
	v60 =	vld.idx.msk [tilespmem:v44+s11+$0x0], $0xffff;
	v49 =	vadd.s32 s26, v0;
	v0 =	vadd.s32 s22, v46  }
0x14a: {  	[tilespmem:$0x1F990] =	vst v0;
	v0 =	vld.idx.msk [tilespmem:v37+s11+$0x0], $0xffff  }
0x14b: {  	[tilespmem:s22+$0xC410] =	vst v53  }
0x14c: {  	[tilespmem:s22+$0xC190] =	vst v63  }
0x14d: {  	[tilespmem:s22+$0xC320] =	vst v6  }
0x14e: {  	v25 =	vadd.s32 s2, v2;
	v26 =	vadd.s32 s28, v2;
	[tilespmem:s22+$0xC520] =	vst v60  }
0x14f: {  	v10 =	vadd.s32 s29, v2;
	v11 =	vadd.s32 s0, v2;
	v3 =	vld.idx.msk [tilespmem:v43+s11+$0x0], $0xffff;
	[tilespmem:s22+$0xC2A0] =	vst v0;
	v0 =	vadd.s32 s0, v59  }
0x150: {  	v12 =	vadd.s32 s31, v2;
	v5 =	vld.idx.msk [tilespmem:v47+s11+$0x0], $0xffff;
	[tilespmem:$0x1FA10] =	vst v0;
	v0 =	vadd.s32 s26, v2;
	v2 =	vadd.s32 s22, v59  }
0x151: {  	[tilespmem:$0x1FA20] =	vst v2;
	v2 =	vld.idx.msk [tilespmem:v56+s11+$0x0], $0xffff;
	v56 =	vadd.s32 s2, v59  }
0x152: {  	v60 =	vld.idx.msk [tilespmem:v49+s11+$0x0], $0xffff;
	[tilespmem:$0x1F9E0] =	vst v56;
	v56 =	vadd.s32 s28, v59  }
0x153: {  	v4 =	vld.idx.msk [tilespmem:v50+s11+$0x0], $0xffff;
	[tilespmem:$0x1F9F0] =	vst v56;
	v56 =	vadd.s32 s30, v59  }
0x154: {  	v6 =	vld.idx.msk [tilespmem:v58+s11+$0x0], $0xffff;
	[tilespmem:$0x1FA00] =	vst v56  }
0x155: {  	[tilespmem:s22+$0xC3A0] =	vst v3  }
0x156: {  	[tilespmem:s22+$0xC420] =	vst v5  }
0x157: {  	[tilespmem:s22+$0xC530] =	vst v60  }
0x158: {  	[tilespmem:s22+$0xC4A0] =	vst v1  }
0x159: {  	[tilespmem:s22+$0xC1A0] =	vst v4;
	v1 =	vadd.s32 s22, v31  }
0x15a: {  	[tilespmem:$0x1FB00] =	vst v1;
	v1 =	vadd.s32 s28, v31  }
0x15b: {  	v58 =	vld [tilespmem:$0x1FF50];
	[tilespmem:$0x1FAB0] =	vst v1  }
0x15c: {  	v61 =	vld.idx.msk [tilespmem:v61+s11+$0x0], $0xffff;
	v1 =	vadd.s32 s30, v31;
	[tilespmem:s22+$0xC230] =	vst v2  }
0x15d: {  	v2 =	vadd.s32 s29, v31;
	[tilespmem:$0x1FAC0] =	vst v1  }
0x15e: {  	[tilespmem:$0x1FAD0] =	vst v2;
	v2 =	vadd.s32 s29, v62  }
0x15f: {  	v7 =	vld.idx.msk [tilespmem:v7+s11+$0x0], $0xffff;
	[tilespmem:$0x1FB40] =	vst v2  }
0x160: {  	v0 =	vld.idx.msk [tilespmem:v0+s11+$0x0], $0xffff;
	[tilespmem:s22+$0xC2B0] =	vst v6  }
0x161: {  	v56 =	vadd.s32 s30, v58;
	[tilespmem:s22+$0xC330] =	vst v61  }
0x162: {  	v6 =	vadd.s32 s31, v31;
	[tilespmem:$0x1FA50] =	vst v56  }
0x163: {  	[tilespmem:$0x1FAF0] =	vst v6  }
0x164: {  	[tilespmem:s22+$0xC3B0] =	vst v7  }
0x165: {  	v56 =	vadd.s32 s2, v58;
	[tilespmem:s22+$0xC540] =	vst v0  }
0x166: {  	v1 =	vld.idx.msk [tilespmem:v8+s11+$0x0], $0xffff;
	v6 =	vadd.s32 s31, v62;
	[tilespmem:$0x1FA30] =	vst v56  }
0x167: {  	v8 =	vld.idx.msk [tilespmem:v17+s11+$0x0], $0xffff;
	v7 =	vadd.s32 s0, v62;
	[tilespmem:$0x1FB60] =	vst v6  }
0x168: {  	v56 =	vadd.s32 s31, v58;
	[tilespmem:$0x1FB50] =	vst v7  }
0x169: {  	v2 =	vld.idx.msk [tilespmem:v9+s11+$0x0], $0xffff;
	v6 =	vadd.s32 s22, v62;
	[tilespmem:$0x1FA80] =	vst v56  }
0x16a: {  	[tilespmem:$0x1FB70] =	vst v6  }
0x16b: {  	v61 =	vld [tilespmem:$0x1FF80];
	[tilespmem:s22+$0xC430] =	vst v1  }
0x16c: {  	v56 =	vadd.s32 s22, v58;
	[tilespmem:s22+$0xC1B0] =	vst v8  }
0x16d: {  	[tilespmem:$0x1FA90] =	vst v56  }
0x16e: {  	v56 =	vadd.s32 s28, v58;
	[tilespmem:s22+$0xC4B0] =	vst v2  }
0x16f: {  	[tilespmem:$0x1FA40] =	vst v56;
	v56 =	vadd.s32 s29, v58  }
0x170: {  	v7 =	vadd.s32 s0, v61;
	[tilespmem:$0x1FA60] =	vst v56  }
0x171: {  	v56 =	vadd.s32 s2, v31;
	[tilespmem:$0x1FBC0] =	vst v7  }
0x172: {  	[tilespmem:$0x1FAA0] =	vst v56;
	v56 =	vadd.s32 s0, v58  }
0x173: {  	[tilespmem:$0x1FA70] =	vst v56;
	v56 =	vadd.s32 s0, v31  }
0x174: {  	[tilespmem:$0x1FAE0] =	vst v56;
	v56 =	vadd.s32 s2, v62  }
0x175: {  	[tilespmem:$0x1FB10] =	vst v56;
	v56 =	vadd.s32 s28, v62  }
0x176: {  	v9 =	vld.idx.msk [tilespmem:v26+s11+$0x0], $0xffff;
	[tilespmem:$0x1FB20] =	vst v56;
	v56 =	vadd.s32 s30, v62  }
0x177: {  	v6 =	vld.idx.msk [tilespmem:v25+s11+$0x0], $0xffff;
	[tilespmem:$0x1FB30] =	vst v56;
	v56 =	vadd.s32 s2, v61  }
0x178: {  	v0 =	vadd.s32 s29, v61;
	[tilespmem:$0x1FB80] =	vst v56;
	v56 =	vld [tilespmem:$0x1FF90]  }
0x179: {  	v7 =	vadd.s32 s22, v61;
	[tilespmem:$0x1FBB0] =	vst v0  }
0x17a: {  	v60 =	vld [tilespmem:$0x1FED0];
	[tilespmem:$0x1FBE0] =	vst v7;
	v7 =	vadd.s32 s28, v61  }
0x17b: {  	[tilespmem:$0x1FB90] =	vst v7;
	v7 =	vld [tilespmem:$0x1F8B0]  }
0x17c: {  	[tilespmem:s22+$0xC2C0] =	vst v9  }
0x17d: {  	[tilespmem:s22+$0xC240] =	vst v6;
	v0 =	vadd.s32 s29, v56  }
0x17e: {  	v1 =	vadd.s32 s22, v56;
	[tilespmem:$0x1FC20] =	vst v0  }
0x17f: {  	v4 =	vadd.s32 s26, v60;
	v2 =	vadd.s32 s30, v56;
	[tilespmem:$0x1FC50] =	vst v1  }
0x180: {  	v6 =	vadd.s32 s0, v56;
	[tilespmem:$0x1FC10] =	vst v2  }
0x181: {  	v0 =	vadd.s32 s31, v61;
	[tilespmem:$0x1FC30] =	vst v6  }
0x182: {  	v1 =	vadd.s32 s2, v56;
	[tilespmem:$0x1FBD0] =	vst v0  }
0x183: {  	v7 =	vld.idx.msk [tilespmem:v7+s11+$0x0], $0xffff;
	v2 =	vadd.s32 s30, v55;
	[tilespmem:$0x1FBF0] =	vst v1  }
0x184: {  	v21 =	vadd.s32 s2, v45;
	v24 =	vadd.s32 s28, v45;
	v6 =	vadd.s32 s0, v55;
	v0 =	vld.idx.msk [tilespmem:v4+s11+$0x0], $0xffff;
	[tilespmem:$0x1FC80] =	vst v2  }
0x185: {  	v18 =	vadd.s32 s30, v45;
	v19 =	vadd.s32 s0, v45;
	v1 =	vadd.s32 s28, v56;
	v2 =	vld.idx.msk [tilespmem:v11+s11+$0x0], $0xffff;
	[tilespmem:$0x1FCA0] =	vst v6  }
0x186: {  	v20 =	vadd.s32 s31, v45;
	v4 =	vadd.s32 s26, v45;
	v6 =	vld.idx.msk [tilespmem:v12+s11+$0x0], $0xffff;
	v45 =	vadd.s32 s31, v56;
	[tilespmem:$0x1FC00] =	vst v1  }
0x187: {  	v11 =	vld [tilespmem:$0x1FFE0];
	[tilespmem:$0x1FC40] =	vst v45  }
0x188: {  	v1 =	vld.idx.msk [tilespmem:v10+s11+$0x0], $0xffff;
	[tilespmem:s22+$0xC340] =	vst v7;
	v7 =	vadd.s32 s29, v55  }
0x189: {  	v10 =	vld [tilespmem:$0x1FFD0];
	[tilespmem:$0x1FC90] =	vst v7  }
0x18a: {  	[tilespmem:s22+$0xC550] =	vst v0  }
0x18b: {  	[tilespmem:s22+$0xC440] =	vst v2  }
0x18c: {  	[tilespmem:s22+$0xC4C0] =	vst v6  }
0x18d: {  	v12 =	vld [tilespmem:$0x1FFF0];
	v6 =	vadd.s32 s29, v11;
	[tilespmem:s22+$0xC3C0] =	vst v1  }
0x18e: {  	v7 =	vadd.s32 s29, v10;
	[tilespmem:$0x1FD70] =	vst v6  }
0x18f: {  	v0 =	vadd.s32 s30, v10;
	[tilespmem:$0x1FD00] =	vst v7  }
0x190: {  	v1 =	vadd.s32 s2, v11;
	[tilespmem:$0x1FCF0] =	vst v0  }
0x191: {  	v45 =	vld [tilespmem:$0x1F8C0];
	v2 =	vadd.s32 s31, v10;
	[tilespmem:$0x1FD40] =	vst v1  }
0x192: {  	v6 =	vadd.s32 s29, v12;
	[tilespmem:$0x1FD20] =	vst v2  }
0x193: {  	v7 =	vadd.s32 s31, v55;
	[tilespmem:$0x1FDE0] =	vst v6  }
0x194: {  	v0 =	vadd.s32 s30, v11;
	[tilespmem:$0x1FCB0] =	vst v7  }
0x195: {  	v2 =	vadd.s32 s31, v11;
	[tilespmem:$0x1FD60] =	vst v0  }
0x196: {  	v7 =	vadd.s32 s22, v10;
	[tilespmem:$0x1FD90] =	vst v2  }
0x197: {  	v0 =	vadd.s32 s0, v10;
	[tilespmem:$0x1FD30] =	vst v7  }
0x198: {  	v2 =	vadd.s32 s22, v11;
	[tilespmem:$0x1FD10] =	vst v0  }
0x199: {  	v8 =	vld.idx.msk [tilespmem:v45+s11+$0x0], $0xffff;
	v45 =	vadd.s32 s22, v55;
	[tilespmem:$0x1FDA0] =	vst v2  }
0x19a: {  	v1 =	vld.idx.msk [tilespmem:v15+s11+$0x0], $0xffff;
	[tilespmem:$0x1FCC0] =	vst v45;
	v45 =	vadd.s32 s2, v55  }
0x19b: {  	v6 =	vld.idx.msk [tilespmem:v16+s11+$0x0], $0xffff;
	[tilespmem:$0x1FC60] =	vst v45;
	v45 =	vadd.s32 s28, v55  }
0x19c: {  	v7 =	vadd.s32 s2, v10;
	[tilespmem:$0x1FC70] =	vst v45;
	v45 =	vld [tilespmem:$0x1F8D0]  }
0x19d: {  	v2 =	vadd.s32 s28, v11;
	[tilespmem:$0x1FCD0] =	vst v7  }
0x19e: {  	v0 =	vld.idx.msk [tilespmem:v4+s11+$0x0], $0xffff;
	[tilespmem:$0x1FD50] =	vst v2  }
0x19f: {  	[tilespmem:s22+$0xC350] =	vst v1  }
0x1a0: {  	[tilespmem:s22+$0xC450] =	vst v6;
	v6 =	vadd.s32 s30, v41  }
0x1a1: {  	[tilespmem:$0x1FE70] =	vst v6  }
0x1a2: {  	[tilespmem:s22+$0xC1C0] =	vst v8  }
0x1a3: {  	[tilespmem:s22+$0xC560] =	vst v0;
	v0 =	vadd.s32 s28, v29  }
0x1a4: {  	v4 =	vadd.s32 s26, v52;
	[tilespmem:$0x1FE20] =	vst v0;
	v9 =	vld.idx.msk [tilespmem:v45+s11+$0x0], $0xffff;
	v45 =	vadd.s32 s28, v10  }
0x1a5: {  	v2 =	vld.idx.msk [tilespmem:v14+s11+$0x0], $0xffff;
	[tilespmem:$0x1FCE0] =	vst v45;
	v45 =	vadd.s32 s0, v11  }
0x1a6: {  	[tilespmem:$0x1FD80] =	vst v45;
	v45 =	vadd.s32 s2, v12  }
0x1a7: {  	v7 =	vld.idx.msk [tilespmem:v13+s11+$0x0], $0xffff;
	[tilespmem:$0x1FDB0] =	vst v45;
	v45 =	vadd.s32 s28, v12  }
0x1a8: {  	v0 =	vadd.s32 s29, v29;
	[tilespmem:$0x1FDC0] =	vst v45;
	v45 =	vld [tilespmem:$0x1F8E0]  }
0x1a9: {  	[tilespmem:$0x1FE40] =	vst v0;
	v0 =	vld.idx.msk [tilespmem:v4+s11+$0x0], $0xffff  }
0x1aa: {  	[tilespmem:s22+$0xC3D0] =	vst v2;
	v2 =	vadd.s32 s0, v29;
	v4 =	vadd.s32 s26, v51  }
0x1ab: {  	[tilespmem:$0x1FE50] =	vst v2;
	v2 =	vadd.s32 s28, v41  }
0x1ac: {  	[tilespmem:$0x1FE60] =	vst v2;
	v2 =	vld.idx.msk [tilespmem:v18+s11+$0x0], $0xffff  }
0x1ad: {  	[tilespmem:s22+$0xC2D0] =	vst v7  }
0x1ae: {  	v6 =	vld [tilespmem:$0x1F900];
	v7 =	vadd.s32 s30, v12;
	[tilespmem:s22+$0xC570] =	vst v0  }
0x1af: {  	[tilespmem:$0x1FDD0] =	vst v7;
	v7 =	vadd.s32 s30, v29;
	v0 =	vld.idx.msk [tilespmem:v4+s11+$0x0], $0xffff  }
0x1b0: {  	[tilespmem:$0x1FE30] =	vst v7;
	v8 =	vld.idx.msk [tilespmem:v45+s11+$0x0], $0xffff  }
0x1b1: {  	[tilespmem:s22+$0xC360] =	vst v2;
	v4 =	vadd.s32 s26, v46;
	v45 =	vld [tilespmem:$0x1F8F0]  }
0x1b2: {  	v7 =	vadd.s32 s0, v12;
	v2 =	vld [tilespmem:$0x1F920];
	[tilespmem:s22+$0xC250] =	vst v9  }
0x1b3: {  	[tilespmem:$0x1FDF0] =	vst v7;
	v7 =	vld.idx.msk [tilespmem:v21+s11+$0x0], $0xffff  }
0x1b4: {  	v1 =	vld.idx.msk [tilespmem:v24+s11+$0x0], $0xffff  }
0x1b5: {  	[tilespmem:s22+$0xC900] =	vst v0  }
0x1b6: {  	v23 =	vadd.s32 s2, v52;
	v0 =	vld.idx.msk [tilespmem:v4+s11+$0x0], $0xffff  }
0x1b7: {  	v6 =	vld.idx.msk [tilespmem:v6+s11+$0x0], $0xffff;
	v4 =	vadd.s32 s26, v34;
	[tilespmem:s22+$0xC4D0] =	vst v8  }
0x1b8: {  	[tilespmem:s22+$0xC260] =	vst v7;
	v7 =	vld.idx.msk [tilespmem:v20+s11+$0x0], $0xffff  }
0x1b9: {  	[tilespmem:s22+$0xC2E0] =	vst v1;
	v9 =	vld.idx.msk [tilespmem:v45+s11+$0x0], $0xffff  }
0x1ba: {  	v2 =	vld.idx.msk [tilespmem:v2+s11+$0x0], $0xffff  }
0x1bb: {  	v1 =	vld.idx.msk [tilespmem:v23+s11+$0x0], $0xffff;
	[tilespmem:s22+$0xC910] =	vst v0  }
0x1bc: {  	v28 =	vadd.s32 s30, v52;
	v0 =	vld.idx.msk [tilespmem:v4+s11+$0x0], $0xffff  }
0x1bd: {  	[tilespmem:s22+$0xC4E0] =	vst v7;
	v7 =	vld [tilespmem:$0x1F930]  }
0x1be: {  	v32 =	vadd.s32 s2, v51;
	[tilespmem:s22+$0xC1D0] =	vst v9;
	v9 =	vld [tilespmem:$0x1F910]  }
0x1bf: {  	v4 =	vadd.s32 s26, v38;
	v8 =	vld.idx.msk [tilespmem:v19+s11+$0x0], $0xffff  }
0x1c0: {  	[tilespmem:s22+$0xC3E0] =	vst v6  }
0x1c1: {  	v6 =	vld.idx.msk [tilespmem:v28+s11+$0x0], $0xffff;
	[tilespmem:s22+$0xC2F0] =	vst v2  }
0x1c2: {  	[tilespmem:s22+$0xC270] =	vst v1;
	v1 =	vld [tilespmem:$0x1F940]  }
0x1c3: {  	v33 =	vadd.s32 s28, v51;
	v2 =	vld.idx.msk [tilespmem:v32+s11+$0x0], $0xffff;
	[tilespmem:s22+$0xC920] =	vst v0  }
0x1c4: {  	v0 =	vld.idx.msk [tilespmem:v4+s11+$0x0], $0xffff;
	[tilespmem:s22+$0xC460] =	vst v8  }
0x1c5: {  	v4 =	vadd.s32 s26, v59;
	v7 =	vld.idx.msk [tilespmem:v7+s11+$0x0], $0xffff  }
0x1c6: {  	v9 =	vld.idx.msk [tilespmem:v9+s11+$0x0], $0xffff  }
0x1c7: {  	[tilespmem:s22+$0xC370] =	vst v6  }
0x1c8: {  	v22 =	vadd.s32 s29, v52;
	v6 =	vld.idx.msk [tilespmem:v33+s11+$0x0], $0xffff;
	[tilespmem:s22+$0xC600] =	vst v2  }
0x1c9: {  	v40 =	vadd.s32 s2, v46;
	v2 =	vld [tilespmem:$0x1F960];
	[tilespmem:s22+$0xC930] =	vst v0  }
0x1ca: {  	v30 =	vadd.s32 s30, v51;
	v0 =	vld.idx.msk [tilespmem:v4+s11+$0x0], $0xffff;
	[tilespmem:s22+$0xC470] =	vst v7  }
0x1cb: {  	v27 =	vadd.s32 s31, v52;
	v7 =	vld [tilespmem:$0x1F950];
	[tilespmem:s22+$0xC1E0] =	vst v9  }
0x1cc: {  	v4 =	vadd.s32 s26, v58;
	v1 =	vld.idx.msk [tilespmem:v1+s11+$0x0], $0xffff  }
0x1cd: {  	v57 =	vadd.s32 s29, v34;
	v8 =	vld.idx.msk [tilespmem:v22+s11+$0x0], $0xffff  }
0x1ce: {  	v48 =	vadd.s32 s28, v34;
	v43 =	vadd.s32 s30, v34;
	[tilespmem:s22+$0xC680] =	vst v6;
	v6 =	vld.idx.msk [tilespmem:v40+s11+$0x0], $0xffff  }
0x1cf: {  	v47 =	vadd.s32 s31, v34;
	v54 =	vadd.s32 s0, v34;
	v44 =	vadd.s32 s2, v34;
	v34 =	vld.idx.msk [tilespmem:v30+s11+$0x0], $0xffff  }
0x1d0: {  	v36 =	vadd.s32 s0, v51;
	[tilespmem:s22+$0xC940] =	vst v0;
	v9 =	vld.idx.msk [tilespmem:v27+s11+$0x0], $0xffff  }
0x1d1: {  	v35 =	vadd.s32 s31, v51;
	v0 =	vld.idx.msk [tilespmem:v4+s11+$0x0], $0xffff;
	[tilespmem:s22+$0xC1F0] =	vst v1  }
0x1d2: {  	[tilespmem:s22+$0xC3F0] =	vst v8;
	v2 =	vld.idx.msk [tilespmem:v2+s11+$0x0], $0xffff  }
0x1d3: {  	[tilespmem:s22+$0xC610] =	vst v6;
	v6 =	vld [tilespmem:$0x1F990];
	v4 =	vadd.s32 s26, v31  }
0x1d4: {  	v7 =	vld.idx.msk [tilespmem:v7+s11+$0x0], $0xffff  }
0x1d5: {  	v39 =	vadd.s32 s29, v46;
	v36 =	vld.idx.msk [tilespmem:v36+s11+$0x0], $0xffff;
	[tilespmem:s22+$0xC4F0] =	vst v9  }
0x1d6: {  	v42 =	vadd.s32 s0, v46;
	[tilespmem:s22+$0xC950] =	vst v0;
	v1 =	vld.idx.msk [tilespmem:v35+s11+$0x0], $0xffff  }
0x1d7: {  	v37 =	vadd.s32 s28, v46;
	[tilespmem:s22+$0xC580] =	vst v2;
	v2 =	vld [tilespmem:$0x1F980]  }
0x1d8: {  	v0 =	vld.idx.msk [tilespmem:v4+s11+$0x0], $0xffff  }
0x1d9: {  	v4 =	vadd.s32 s26, v62;
	[tilespmem:s22+$0xC780] =	vst v7;
	v7 =	vld [tilespmem:$0x1F970]  }
0x1da: {  	[tilespmem:s22+$0xC800] =	vst v36;
	v40 =	vld.idx.msk [tilespmem:v39+s11+$0x0], $0xffff  }
0x1db: {  	v53 =	vadd.s32 s2, v38;
	[tilespmem:s22+$0xC880] =	vst v1;
	v1 =	vld.idx.msk [tilespmem:v42+s11+$0x0], $0xffff  }
0x1dc: {  	v63 =	vadd.s32 s29, v38;
	v50 =	vadd.s32 s0, v38;
	v49 =	vadd.s32 s28, v38;
	v38 =	vld.idx.msk [tilespmem:v37+s11+$0x0], $0xffff  }
0x1dd: {  	v58 =	vld [tilespmem:$0x1F9E0];
	[tilespmem:s22+$0xC960] =	vst v0  }
0x1de: {  	[tilespmem:s22+$0xC700] =	vst v34;
	v0 =	vld.idx.msk [tilespmem:v4+s11+$0x0], $0xffff  }
0x1df: {  	[tilespmem:s22+$0xC790] =	vst v40;
	v2 =	vld.idx.msk [tilespmem:v2+s11+$0x0], $0xffff  }
0x1e0: {  	[tilespmem:s22+$0xC810] =	vst v1;
	v1 =	vld.idx.msk [tilespmem:v57+s11+$0x0], $0xffff  }
0x1e1: {  	v7 =	vld.idx.msk [tilespmem:v7+s11+$0x0], $0xffff  }
0x1e2: {  	v42 =	vld.idx.msk [tilespmem:v44+s11+$0x0], $0xffff  }
0x1e3: {  	[tilespmem:s22+$0xC690] =	vst v38;
	v6 =	vld.idx.msk [tilespmem:v6+s11+$0x0], $0xffff  }
0x1e4: {  	[tilespmem:s22+$0xC890] =	vst v2;
	v2 =	vld.idx.msk [tilespmem:v54+s11+$0x0], $0xffff  }
0x1e5: {  	[tilespmem:s22+$0xC7A0] =	vst v1;
	v1 =	vld [tilespmem:$0x1F9B0]  }
0x1e6: {  	[tilespmem:s22+$0xC710] =	vst v7;
	v7 =	vld.idx.msk [tilespmem:v48+s11+$0x0], $0xffff  }
0x1e7: {  	v44 =	vld.idx.msk [tilespmem:v43+s11+$0x0], $0xffff  }
0x1e8: {  	[tilespmem:s22+$0xC620] =	vst v42;
	v48 =	vld [tilespmem:$0x1F9A0]  }
0x1e9: {  	[tilespmem:s22+$0xC820] =	vst v2;
	v2 =	vld.idx.msk [tilespmem:v63+s11+$0x0], $0xffff  }
0x1ea: {  	[tilespmem:s22+$0xC590] =	vst v6;
	v6 =	vld.idx.msk [tilespmem:v47+s11+$0x0], $0xffff  }
0x1eb: {  	[tilespmem:s22+$0xC6A0] =	vst v7;
	v7 =	vld.idx.msk [tilespmem:v53+s11+$0x0], $0xffff  }
0x1ec: {  	v57 =	vld [tilespmem:$0x1F9D0];
	[tilespmem:s22+$0xC720] =	vst v44  }
0x1ed: {  	v1 =	vld.idx.msk [tilespmem:v1+s11+$0x0], $0xffff  }
0x1ee: {  	[tilespmem:s22+$0xC7B0] =	vst v2;
	v2 =	vld [tilespmem:$0x1FA00]  }
0x1ef: {  	[tilespmem:s22+$0xC8A0] =	vst v6;
	v6 =	vld.idx.msk [tilespmem:v50+s11+$0x0], $0xffff  }
0x1f0: {  	[tilespmem:s22+$0xC630] =	vst v7;
	v7 =	vld [tilespmem:$0x1F9C0]  }
0x1f1: {  	v54 =	vld.idx.msk [tilespmem:v49+s11+$0x0], $0xffff  }
0x1f2: {  	[tilespmem:s22+$0xC730] =	vst v1;
	v1 =	vld [tilespmem:$0x1F9F0]  }
0x1f3: {  	v8 =	vld.idx.msk [tilespmem:v48+s11+$0x0], $0xffff  }
0x1f4: {  	[tilespmem:s22+$0xC830] =	vst v6;
	v6 =	vld [tilespmem:$0x1FA10]  }
0x1f5: {  	v4 =	vld [tilespmem:$0x1FA50]  }
0x1f6: {  	v2 =	vld.idx.msk [tilespmem:v2+s11+$0x0], $0xffff  }
0x1f7: {  	v9 =	vld.idx.msk [tilespmem:v58+s11+$0x0], $0xffff  }
0x1f8: {  	[tilespmem:s22+$0xC5A0] =	vst v8;
	v7 =	vld.idx.msk [tilespmem:v7+s11+$0x0], $0xffff  }
0x1f9: {  	v5 =	vadd.s32 s31, v59;
	[tilespmem:s22+$0xC6B0] =	vst v54;
	v8 =	vld.idx.msk [tilespmem:v57+s11+$0x0], $0xffff  }
0x1fa: {  	v1 =	vld.idx.msk [tilespmem:v1+s11+$0x0], $0xffff  }
0x1fb: {  	[tilespmem:s22+$0xC740] =	vst v2;
	v2 =	vld [tilespmem:$0x1FA40]  }
0x1fc: {  	v3 =	vadd.s32 s29, v59;
	v6 =	vld.idx.msk [tilespmem:v6+s11+$0x0], $0xffff  }
0x1fd: {  	[tilespmem:s22+$0xC8B0] =	vst v7;
	v7 =	vld [tilespmem:$0x1FA20]  }
0x1fe: {  	v5 =	vld.idx.msk [tilespmem:v5+s11+$0x0], $0xffff  }
0x1ff: {  	[tilespmem:s22+$0xC6C0] =	vst v1;
	v1 =	vld [tilespmem:$0x1FA30]  }
0x200: {  	v4 =	vld.idx.msk [tilespmem:v4+s11+$0x0], $0xffff  }
0x201: {  	v3 =	vld.idx.msk [tilespmem:v3+s11+$0x0], $0xffff  }
0x202: {  	[tilespmem:s22+$0xC840] =	vst v6;
	v6 =	vld [tilespmem:$0x1FA60]  }
0x203: {  	[tilespmem:s22+$0xC5B0] =	vst v8;
	v2 =	vld.idx.msk [tilespmem:v2+s11+$0x0], $0xffff  }
0x204: {  	[tilespmem:s22+$0xC8C0] =	vst v5;
	v5 =	vld [tilespmem:$0x1FA70]  }
0x205: {  	[tilespmem:s22+$0xC750] =	vst v4;
	v4 =	vld [tilespmem:$0x1FAB0]  }
0x206: {  	[tilespmem:s22+$0xC640] =	vst v9;
	v7 =	vld.idx.msk [tilespmem:v7+s11+$0x0], $0xffff  }
0x207: {  	v1 =	vld.idx.msk [tilespmem:v1+s11+$0x0], $0xffff  }
0x208: {  	[tilespmem:s22+$0xC6D0] =	vst v2;
	v2 =	vld [tilespmem:$0x1FAA0]  }
0x209: {  	[tilespmem:s22+$0xC7C0] =	vst v3  }
0x20a: {  	v6 =	vld.idx.msk [tilespmem:v6+s11+$0x0], $0xffff  }
0x20b: {  	[tilespmem:s22+$0xC5C0] =	vst v7;
	v7 =	vld [tilespmem:$0x1FA80]  }
0x20c: {  	v3 =	vadd.s32 s26, v61;
	v5 =	vld.idx.msk [tilespmem:v5+s11+$0x0], $0xffff  }
0x20d: {  	[tilespmem:s22+$0xC650] =	vst v1;
	v1 =	vld [tilespmem:$0x1FA90]  }
0x20e: {  	v4 =	vld.idx.msk [tilespmem:v4+s11+$0x0], $0xffff  }
0x20f: {  	[tilespmem:s22+$0xC7D0] =	vst v6;
	v6 =	vld [tilespmem:$0x1FAC0]  }
0x210: {  	[tilespmem:s22+$0xC970] =	vst v0;
	v2 =	vld.idx.msk [tilespmem:v2+s11+$0x0], $0xffff  }
0x211: {  	v0 =	vld.idx.msk [tilespmem:v3+s11+$0x0], $0xffff  }
0x212: {  	[tilespmem:s22+$0xC850] =	vst v5;
	v5 =	vld [tilespmem:$0x1FAD0]  }
0x213: {  	v3 =	vadd.s32 s26, v56;
	[tilespmem:s22+$0xC6E0] =	vst v4;
	v4 =	vld [tilespmem:$0x1FB10]  }
0x214: {  	v7 =	vld.idx.msk [tilespmem:v7+s11+$0x0], $0xffff  }
0x215: {  	[tilespmem:s22+$0xC660] =	vst v2;
	v2 =	vld [tilespmem:$0x1FB00]  }
0x216: {  	v1 =	vld.idx.msk [tilespmem:v1+s11+$0x0], $0xffff  }
0x217: {  	[tilespmem:s22+$0xCD00] =	vst v0;
	v6 =	vld.idx.msk [tilespmem:v6+s11+$0x0], $0xffff  }
0x218: {  	v0 =	vld.idx.msk [tilespmem:v3+s11+$0x0], $0xffff  }
0x219: {  	[tilespmem:s22+$0xC8D0] =	vst v7;
	v7 =	vld [tilespmem:$0x1FAE0]  }
0x21a: {  	v3 =	vadd.s32 s26, v55;
	v5 =	vld.idx.msk [tilespmem:v5+s11+$0x0], $0xffff  }
0x21b: {  	[tilespmem:s22+$0xC5D0] =	vst v1;
	v1 =	vld [tilespmem:$0x1FAF0]  }
0x21c: {  	[tilespmem:s22+$0xC760] =	vst v6;
	v6 =	vld [tilespmem:$0x1FB20]  }
0x21d: {  	v2 =	vld.idx.msk [tilespmem:v2+s11+$0x0], $0xffff  }
0x21e: {  	[tilespmem:s22+$0xCD10] =	vst v0;
	v4 =	vld.idx.msk [tilespmem:v4+s11+$0x0], $0xffff  }
0x21f: {  	v0 =	vld.idx.msk [tilespmem:v3+s11+$0x0], $0xffff  }
0x220: {  	[tilespmem:s22+$0xC7E0] =	vst v5;
	v5 =	vld [tilespmem:$0x1FB30]  }
0x221: {  	v7 =	vld.idx.msk [tilespmem:v7+s11+$0x0], $0xffff  }
0x222: {  	v3 =	vadd.s32 s26, v10;
	[tilespmem:s22+$0xC5E0] =	vst v2;
	v2 =	vld [tilespmem:$0x1FB60]  }
0x223: {  	[tilespmem:s22+$0xC670] =	vst v4;
	v4 =	vld [tilespmem:$0x1FB70]  }
0x224: {  	v1 =	vld.idx.msk [tilespmem:v1+s11+$0x0], $0xffff  }
0x225: {  	[tilespmem:s22+$0xCD20] =	vst v0;
	v6 =	vld.idx.msk [tilespmem:v6+s11+$0x0], $0xffff  }
0x226: {  	[tilespmem:s22+$0xC860] =	vst v7;
	v7 =	vld [tilespmem:$0x1FB40]  }
0x227: {  	v0 =	vld.idx.msk [tilespmem:v3+s11+$0x0], $0xffff  }
0x228: {  	v5 =	vld.idx.msk [tilespmem:v5+s11+$0x0], $0xffff  }
0x229: {  	[tilespmem:s22+$0xC8E0] =	vst v1;
	v1 =	vld [tilespmem:$0x1FB50]  }
0x22a: {  	v2 =	vld.idx.msk [tilespmem:v2+s11+$0x0], $0xffff  }
0x22b: {  	v3 =	vadd.s32 s26, v11;
	[tilespmem:s22+$0xC6F0] =	vst v6;
	v6 =	vld [tilespmem:$0x1FB80]  }
0x22c: {  	v4 =	vld.idx.msk [tilespmem:v4+s11+$0x0], $0xffff  }
0x22d: {  	[tilespmem:s22+$0xC770] =	vst v5;
	v5 =	vld [tilespmem:$0x1FB90]  }
0x22e: {  	[tilespmem:s22+$0xCD30] =	vst v0;
	v7 =	vld.idx.msk [tilespmem:v7+s11+$0x0], $0xffff  }
0x22f: {  	[tilespmem:s22+$0xC8F0] =	vst v2;
	v2 =	vld [tilespmem:$0x1FBC0]  }
0x230: {  	v0 =	vld.idx.msk [tilespmem:v3+s11+$0x0], $0xffff  }
0x231: {  	v1 =	vld.idx.msk [tilespmem:v1+s11+$0x0], $0xffff  }
0x232: {  	v25 =	vadd.s32 s30, v61;
	[tilespmem:s22+$0xC5F0] =	vst v4;
	v4 =	vld [tilespmem:$0x1FBD0]  }
0x233: {  	[tilespmem:$0x1FBA0] =	vst v25;
	v3 =	vadd.s32 s26, v12;
	v6 =	vld.idx.msk [tilespmem:v6+s11+$0x0], $0xffff  }
0x234: {  	[tilespmem:s22+$0xC7F0] =	vst v7;
	v7 =	vld [tilespmem:$0x1FBA0]  }
0x235: {  	v5 =	vld.idx.msk [tilespmem:v5+s11+$0x0], $0xffff  }
0x236: {  	[tilespmem:s22+$0xC870] =	vst v1;
	v1 =	vld [tilespmem:$0x1FBB0]  }
0x237: {  	[tilespmem:s22+$0xCD40] =	vst v0;
	v2 =	vld.idx.msk [tilespmem:v2+s11+$0x0], $0xffff  }
0x238: {  	v0 =	vld.idx.msk [tilespmem:v3+s11+$0x0], $0xffff  }
0x239: {  	[tilespmem:s22+$0xCA00] =	vst v6;
	v6 =	vld [tilespmem:$0x1FBE0]  }
0x23a: {  	v4 =	vld.idx.msk [tilespmem:v4+s11+$0x0], $0xffff  }
0x23b: {  	[tilespmem:s22+$0xCA80] =	vst v5;
	v5 =	vld [tilespmem:$0x1FBF0]  }
0x23c: {  	[tilespmem:s22+$0xCC00] =	vst v2;
	v2 =	vld [tilespmem:$0x1FC20]  }
0x23d: {  	v7 =	vld.idx.msk [tilespmem:v7+s11+$0x0], $0xffff  }
0x23e: {  	v1 =	vld.idx.msk [tilespmem:v1+s11+$0x0], $0xffff  }
0x23f: {  	[tilespmem:s22+$0xCC80] =	vst v4;
	v4 =	vld [tilespmem:$0x1FC30]  }
0x240: {  	v3 =	vadd.s32 s26, v29  }
0x241: {  	v6 =	vld.idx.msk [tilespmem:v6+s11+$0x0], $0xffff  }
0x242: {  	[tilespmem:s22+$0xCB00] =	vst v7;
	v7 =	vld [tilespmem:$0x1FC00]  }
0x243: {  	[tilespmem:s22+$0xCB80] =	vst v1;
	v1 =	vld [tilespmem:$0x1FC10]  }
0x244: {  	[tilespmem:s22+$0xCD50] =	vst v0;
	v2 =	vld.idx.msk [tilespmem:v2+s11+$0x0], $0xffff  }
0x245: {  	v0 =	vld.idx.msk [tilespmem:v3+s11+$0x0], $0xffff  }
0x246: {  	v5 =	vld.idx.msk [tilespmem:v5+s11+$0x0], $0xffff  }
0x247: {  	v4 =	vld.idx.msk [tilespmem:v4+s11+$0x0], $0xffff  }
0x248: {  	[tilespmem:s22+$0xC980] =	vst v6;
	v6 =	vld [tilespmem:$0x1FC50]  }
0x249: {  	[tilespmem:s22+$0xCB90] =	vst v2;
	v2 =	vld [tilespmem:$0x1FC80]  }
0x24a: {  	v7 =	vld.idx.msk [tilespmem:v7+s11+$0x0], $0xffff  }
0x24b: {  	v1 =	vld.idx.msk [tilespmem:v1+s11+$0x0], $0xffff  }
0x24c: {  	[tilespmem:s22+$0xCA10] =	vst v5;
	v5 =	vld [tilespmem:$0x1FC40]  }
0x24d: {  	v3 =	vadd.s32 s26, v41;
	[tilespmem:s22+$0xCC10] =	vst v4;
	v4 =	vld [tilespmem:$0x1FC90];
	_ =	sdelay $0x1  }
0x24e: {  	[tilespmem:s22+$0xCA90] =	vst v7;
	v7 =	vld [tilespmem:$0x1FC60]  }
0x24f: {  	[tilespmem:s22+$0xCB10] =	vst v1;
	v1 =	vld [tilespmem:$0x1FC70]  }
0x250: {  	[tilespmem:s22+$0xCD60] =	vst v0;
	v2 =	vld.idx.msk [tilespmem:v2+s11+$0x0], $0xffff  }
0x251: {  	v0 =	vld.idx.msk [tilespmem:v3+s11+$0x0], $0xffff  }
0x252: {  	v6 =	vld.idx.msk [tilespmem:v6+s11+$0x0], $0xffff  }
0x253: {  	v5 =	vld.idx.msk [tilespmem:v5+s11+$0x0], $0xffff  }
0x254: {  	v4 =	vld.idx.msk [tilespmem:v4+s11+$0x0], $0xffff  }
0x255: {  	[tilespmem:s22+$0xCB20] =	vst v2;
	v2 =	vld [tilespmem:$0x1FCE0]  }
0x256: {  	v7 =	vld.idx.msk [tilespmem:v7+s11+$0x0], $0xffff  }
0x257: {  	v1 =	vld.idx.msk [tilespmem:v1+s11+$0x0], $0xffff  }
0x258: {  	[tilespmem:s22+$0xCC90] =	vst v5;
	v5 =	vld [tilespmem:$0x1FCA0]  }
0x259: {  	[tilespmem:s22+$0xCBA0] =	vst v4;
	v4 =	vld [tilespmem:$0x1FCF0]  }
0x25a: {  	[tilespmem:s22+$0xC990] =	vst v6;
	v6 =	vld [tilespmem:$0x1FCB0]  }
0x25b: {  	v3 =	vld [tilespmem:$0x1FD50];
	[tilespmem:s22+$0xCA20] =	vst v7  }
0x25c: {  	v7 =	vld [tilespmem:$0x1FCC0];
	[tilespmem:s22+$0xCAA0] =	vst v1  }
0x25d: {  	v2 =	vld.idx.msk [tilespmem:v2+s11+$0x0], $0xffff;
	_ =	sdelay $0x1  }
0x25e: {  	v1 =	vld [tilespmem:$0x1FCD0]  }
0x25f: {  	v5 =	vld.idx.msk [tilespmem:v5+s11+$0x0], $0xffff  }
0x260: {  	v4 =	vld.idx.msk [tilespmem:v4+s11+$0x0], $0xffff  }
0x261: {  	v6 =	vld.idx.msk [tilespmem:v6+s11+$0x0], $0xffff;
	[tilespmem:s22+$0xCAB0] =	vst v2  }
0x262: {  	v3 =	vld.idx.msk [tilespmem:v3+s11+$0x0], $0xffff  }
0x263: {  	v7 =	vld.idx.msk [tilespmem:v7+s11+$0x0], $0xffff  }
0x264: {  	[tilespmem:s22+$0xCC20] =	vst v5;
	v5 =	vld [tilespmem:$0x1FD00]  }
0x265: {  	[tilespmem:s22+$0xCB30] =	vst v4;
	v4 =	vld [tilespmem:$0x1FD60]  }
0x266: {  	v1 =	vld.idx.msk [tilespmem:v1+s11+$0x0], $0xffff  }
0x267: {  	[tilespmem:s22+$0xCAC0] =	vst v3;
	v3 =	vld [tilespmem:$0x1FDC0]  }
0x268: {  	[tilespmem:s22+$0xC9A0] =	vst v7;
	v7 =	vld [tilespmem:$0x1FD20]  }
0x269: {  	[tilespmem:s22+$0xCD70] =	vst v0;
	v0 =	vld [tilespmem:$0x1FD90]  }
0x26a: {  	v2 =	vld [tilespmem:$0x1FD40]  }
0x26b: {  	[tilespmem:s22+$0xCCA0] =	vst v6;
	v6 =	vld [tilespmem:$0x1FD10]  }
0x26c: {  	v5 =	vld.idx.msk [tilespmem:v5+s11+$0x0], $0xffff  }
0x26d: {  	[tilespmem:s22+$0xCA30] =	vst v1;
	v1 =	vld [tilespmem:$0x1FD30]  }
0x26e: {  	v4 =	vld.idx.msk [tilespmem:v4+s11+$0x0], $0xffff  }
0x26f: {  	v3 =	vld.idx.msk [tilespmem:v3+s11+$0x0], $0xffff  }
0x270: {  	v7 =	vld.idx.msk [tilespmem:v7+s11+$0x0], $0xffff  }
0x271: {  	[tilespmem:s22+$0xCBB0] =	vst v5;
	v5 =	vld [tilespmem:$0x1FD70]  }
0x272: {  	v2 =	vld.idx.msk [tilespmem:v2+s11+$0x0], $0xffff  }
0x273: {  	v6 =	vld.idx.msk [tilespmem:v6+s11+$0x0], $0xffff;
	[tilespmem:s22+$0xCB40] =	vst v4  }
0x274: {  	[tilespmem:s22+$0xCAD0] =	vst v3;
	v3 =	vld [tilespmem:$0x1FE20]  }
0x275: {  	v4 =	vld [tilespmem:$0x1FDD0];
	[tilespmem:s22+$0xCCB0] =	vst v7  }
0x276: {  	v0 =	vld.idx.msk [tilespmem:v0+s11+$0x0], $0xffff  }
0x277: {  	[tilespmem:s22+$0xCA40] =	vst v2;
	v2 =	vld [tilespmem:$0x1FDB0]  }
0x278: {  	v13 =	vadd.s32 s2, v29;
	[tilespmem:s22+$0xCC30] =	vst v6;
	v6 =	vld [tilespmem:$0x1FD80]  }
0x279: {  	[tilespmem:$0x1FE10] =	vst v13;
	v13 =	vadd.s32 s31, v12;
	v1 =	vld.idx.msk [tilespmem:v1+s11+$0x0], $0xffff  }
0x27a: {  	[tilespmem:$0x1FE00] =	vst v13;
	v5 =	vld.idx.msk [tilespmem:v5+s11+$0x0], $0xffff  }
0x27b: {  	[tilespmem:s22+$0xCCC0] =	vst v0;
	v0 =	vld [tilespmem:$0x1FE00]  }
0x27c: {  	v7 =	vld.idx.msk [tilespmem:v3+s11+$0x0], $0xffff  }
0x27d: {  	v3 =	vld [tilespmem:$0x1FE30]  }
0x27e: {  	v4 =	vld.idx.msk [tilespmem:v4+s11+$0x0], $0xffff  }
0x27f: {  	v2 =	vld.idx.msk [tilespmem:v2+s11+$0x0], $0xffff  }
0x280: {  	[tilespmem:s22+$0xCBC0] =	vst v5;
	v5 =	vld [tilespmem:$0x1FDE0]  }
0x281: {  	v6 =	vld.idx.msk [tilespmem:v6+s11+$0x0], $0xffff  }
0x282: {  	[tilespmem:s22+$0xC9B0] =	vst v1;
	v1 =	vld [tilespmem:$0x1FDA0]  }
0x283: {  	[tilespmem:s22+$0xCB50] =	vst v4;
	v0 =	vld.idx.msk [tilespmem:v0+s11+$0x0], $0xffff  }
0x284: {  	[tilespmem:s22+$0xCA50] =	vst v2;
	v2 =	vld [tilespmem:$0x1FE10]  }
0x285: {  	v59 =	vld.idx.msk [tilespmem:v3+s11+$0x0], $0xffff  }
0x286: {  	v3 =	vld [tilespmem:$0x1FE40]  }
0x287: {  	[tilespmem:s22+$0xCC40] =	vst v6;
	v6 =	vld [tilespmem:$0x1FDF0]  }
0x288: {  	v5 =	vld.idx.msk [tilespmem:v5+s11+$0x0], $0xffff  }
0x289: {  	[tilespmem:s22+$0xCCD0] =	vst v0;
	v0 =	vld [tilespmem:$0x1FE60];
	_ =	sdelay $0x1  }
0x28a: {  	v17 =	vld [tilespmem:$0x1FE90]  }
0x28b: {  	v2 =	vld.idx.msk [tilespmem:v2+s11+$0x0], $0xffff  }
0x28c: {  	v1 =	vld.idx.msk [tilespmem:v1+s11+$0x0], $0xffff;
	[tilespmem:s22+$0xCBD0] =	vst v5  }
0x28d: {  	v16 =	vadd.s32 s22, v12;
	v63 =	vld.idx.msk [tilespmem:v3+s11+$0x0], $0xffff  }
0x28e: {  	v3 =	vld [tilespmem:$0x1FE50]  }
0x28f: {  	v6 =	vld.idx.msk [tilespmem:v6+s11+$0x0], $0xffff;
	[tilespmem:s22+$0xCAE0] =	vst v7  }
0x290: {  	[tilespmem:s22+$0xCA60] =	vst v2;
	v2 =	vld.idx.msk [tilespmem:v0+s11+$0x0], $0xffff  }
0x291: {  	[tilespmem:s22+$0xC9C0] =	vst v1;
	v0 =	vld [tilespmem:$0x1FE70]  }
0x292: {  	v13 =	vadd.s32 s31, v29;
	v1 =	vld.idx.msk [tilespmem:v16+s11+$0x0], $0xffff  }
0x293: {  	v15 =	vld [tilespmem:$0x1FE80];
	v14 =	vadd.s32 s22, v29  }
0x294: {  	v21 =	vld [tilespmem:$0x1FEA0]  }
0x295: {  	v18 =	vadd.s32 s29, v41;
	v28 =	vld [tilespmem:$0x1FEB0];
	[tilespmem:s22+$0xCC50] =	vst v6  }
0x296: {  	p2 =	slt.u32 s25, $0x38;
	v45 =	vadd.s32 s2, v41;
	v6 =	vld.idx.msk [tilespmem:v3+s11+$0x0], $0xffff  }
.Ltmp4:
0x297: {  	v5 =	vld.idx.msk [tilespmem:v13+s11+$0x0], $0xffff;
	[tilespmem:s22+$0xC9D0] =	vst v1;
	(pc) =	sbr.rel @p2 .LBB2_3-.Ltmp4, $4  }
0x298: {  	v4 =	vld.idx.msk [tilespmem:v14+s11+$0x0], $0xffff;
	[tilespmem:s22+$0xCB60] =	vst v59  }
0x299: {  	v0 =	vld.idx.msk [tilespmem:v0+s11+$0x0], $0xffff;
	[tilespmem:s22+$0xCBE0] =	vst v63  }
0x29a: {  	v1 =	vld.idx.msk [tilespmem:v18+s11+$0x0], $0xffff  }
0x29b: {  	s25 =	sadd.s32 $0x8, s25;
	v26 =	vadd.s32 s31, v41;
	v25 =	vadd.s32 s0, v41;
	v24 =	vadd.s32 s22, v41;
	v3 =	vld.idx.msk [tilespmem:v45+s11+$0x0], $0xffff;
	[tilespmem:s22+$0xCC60] =	vst v6  }
0x29c: {  	_ =	sdelay $0x2  }
0x29d: {  	[tilespmem:s22+$0xCCE0] =	vst v5  }
0x29e: {  	v59 =	vld.idx.msk [tilespmem:v25+s11+$0x0], $0xffff;
	[tilespmem:s22+$0xCAF0] =	vst v2  }
0x29f: {  	[tilespmem:s22+$0xC9E0] =	vst v4;
	v62 =	vld.idx.msk [tilespmem:v26+s11+$0x0], $0xffff  }
0x2a0: {  	v63 =	vld.idx.msk [tilespmem:v24+s11+$0x0], $0xffff;
	[tilespmem:s22+$0xCB70] =	vst v0  }
0x2a1: {  	[tilespmem:s22+$0xCBF0] =	vst v1  }
0x2a2: {  	[tilespmem:s22+$0xCA70] =	vst v3  }
0x2a3: {  	[tilespmem:s22+$0xCC70] =	vst v59  }
.Ltmp5:
0x2a4: {  	[tilespmem:s22+$0xCCF0] =	vst v62;
	(pc) =	sbr.rel @p1 .LBB2_8-.Ltmp5, $4  }
0x2a5: {  	[tilespmem:s22+$0xC9F0] =	vst v63  }
0x2a6: {  	s0 =	sshrl.u32 s24, $0x3;
	v11 =	vld [tilespmem:$0x1FFD0]  }
0x2a7: {  	s0 =	sadd.s32 s4, s0;
	v12 =	vld [tilespmem:$0x1FFE0]  }
0x2a8: {  	[hbm4b:s0+s6] =	stream.linear.scatter [tilespmem:s13], [sflag:$0x3], $0x6000, $0x38;
	v13 =	vld [tilespmem:$0x1FFF0]  }
0x2a9: {  	_ =	swait.ge [sflag:s14], $0x6000;
	s0 =	sadd.s32 s23, s8  }
0x2aa: {  	s2 =	simm.s32 $0x0;
	[sflag:s14] =	ssyncset.done $0x0;
	s0 =	sshrl.u32 s0, $0x3  }
0x2ab: {  	s22 =	smul.u32 $0xC00, s2;
	[sflag:s14] =	ssyncadd.s32 $0xFFFFA000;
	s0 =	sadd.s32 s1, s0  }
0x2ac: {  	[tilespmem:s11], [sflag:$0x1] =	stream.linear.gather [hbm4b:s0+s6], $0x6000, $0x38;
	[tilespmem:$0x18180] =	vst v63  }
0x2ad: {  	v0 =	vadd.s32 s22, v15;
	s30 =	sor.u32 $0x380, s22  }
0x2ae: {  	s0 =	simm.s32 @!p0 $0x4;
	s25 =	sor.u32 $0x80, s22;
	v1 =	vadd.s32 s30, v15  }
0x2af: {  	s26 =	sor.u32 $0x100, s22;
	_ =	swait.ge @!p0 [sflag:s0], $0x6000;
	v2 =	vadd.s32 s25, v15  }
0x2b0: {  	s29 =	sor.u32 $0x180, s22;
	v3 =	vadd.s32 s26, v15;
	[sflag:s0] =	ssyncset.done @!p0 $0x0  }
0x2b1: {  	s28 =	sor.u32 $0x200, s22;
	v4 =	vadd.s32 s29, v15;
	[sflag:s0] =	ssyncadd.s32 @!p0 $0xFFFFA000  }
0x2b2: {  	s3 =	sor.u32 $0x280, s22;
	v5 =	vadd.s32 s28, v15;
	v0 =	vld.idx.msk [tilespmem:v0+s15+$0x0], $0xffff  }
0x2b3: {  	s24 =	sor.u32 $0x300, s22;
	v6 =	vadd.s32 s3, v15;
	v1 =	vld.idx.msk [tilespmem:v1+s15+$0x0], $0xffff  }
0x2b4: {  	v7 =	vadd.s32 s24, v15;
	v2 =	vld.idx.msk [tilespmem:v2+s15+$0x0], $0xffff  }
0x2b5: {  	v8 =	vadd.s32 s30, v17;
	v3 =	vld.idx.msk [tilespmem:v3+s15+$0x0], $0xffff  }
0x2b6: {  	v9 =	vadd.s32 s25, v17;
	v4 =	vld.idx.msk [tilespmem:v4+s15+$0x0], $0xffff  }
0x2b7: {  	v10 =	vadd.s32 s26, v17;
	v5 =	vld.idx.msk [tilespmem:v5+s15+$0x0], $0xffff;
	[tilespmem:s22+$0x12180] =	vst v0  }
0x2b8: {  	v6 =	vld.idx.msk [tilespmem:v6+s15+$0x0], $0xffff;
	v0 =	vadd.s32 s29, v17;
	[tilespmem:s22+$0x12500] =	vst v1  }
0x2b9: {  	v7 =	vld.idx.msk [tilespmem:v7+s15+$0x0], $0xffff;
	v1 =	vadd.s32 s28, v17;
	[tilespmem:s22+$0x12200] =	vst v2  }
0x2ba: {  	v2 =	vadd.s32 s3, v17;
	[tilespmem:s22+$0x12280] =	vst v3;
	v8 =	vld.idx.msk [tilespmem:v8+s15+$0x0], $0xffff  }
0x2bb: {  	v3 =	vadd.s32 s24, v17;
	[tilespmem:s22+$0x12300] =	vst v4;
	v9 =	vld.idx.msk [tilespmem:v9+s15+$0x0], $0xffff  }
0x2bc: {  	[tilespmem:s22+$0x12380] =	vst v5;
	v5 =	vadd.s32 s22, v17;
	v10 =	vld.idx.msk [tilespmem:v10+s15+$0x0], $0xffff  }
0x2bd: {  	v4 =	vadd.s32 s30, v21;
	[tilespmem:s22+$0x12400] =	vst v6;
	v0 =	vld.idx.msk [tilespmem:v0+s15+$0x0], $0xffff  }
0x2be: {  	v6 =	vadd.s32 s25, v21;
	[tilespmem:s22+$0x12480] =	vst v7;
	v1 =	vld.idx.msk [tilespmem:v1+s15+$0x0], $0xffff  }
0x2bf: {  	v7 =	vadd.s32 s26, v21;
	v2 =	vld.idx.msk [tilespmem:v2+s15+$0x0], $0xffff;
	[tilespmem:s22+$0x12510] =	vst v8  }
0x2c0: {  	v3 =	vld.idx.msk [tilespmem:v3+s15+$0x0], $0xffff;
	[tilespmem:s22+$0x12210] =	vst v9  }
0x2c1: {  	v5 =	vld.idx.msk [tilespmem:v5+s15+$0x0], $0xffff;
	[tilespmem:s22+$0x12290] =	vst v10  }
0x2c2: {  	v41 =	vadd.s32 s29, v21;
	v4 =	vld.idx.msk [tilespmem:v4+s15+$0x0], $0xffff;
	[tilespmem:s22+$0x12310] =	vst v0  }
0x2c3: {  	v42 =	vadd.s32 s28, v21;
	v6 =	vld.idx.msk [tilespmem:v6+s15+$0x0], $0xffff;
	[tilespmem:s22+$0x12390] =	vst v1  }
0x2c4: {  	v43 =	vadd.s32 s3, v21;
	v7 =	vld.idx.msk [tilespmem:v7+s15+$0x0], $0xffff;
	[tilespmem:s22+$0x12410] =	vst v2  }
0x2c5: {  	[tilespmem:s22+$0x12490] =	vst v3  }
0x2c6: {  	v0 =	vadd.s32 s30, v28;
	[tilespmem:s22+$0x12190] =	vst v5  }
0x2c7: {  	v1 =	vadd.s32 s24, v21;
	v8 =	vld.idx.msk [tilespmem:v41+s15+$0x0], $0xffff;
	[tilespmem:s22+$0x12520] =	vst v4  }
0x2c8: {  	v2 =	vadd.s32 s22, v21;
	v9 =	vld.idx.msk [tilespmem:v42+s15+$0x0], $0xffff;
	[tilespmem:s22+$0x12220] =	vst v6  }
0x2c9: {  	v3 =	vadd.s32 s25, v28;
	v10 =	vld.idx.msk [tilespmem:v43+s15+$0x0], $0xffff;
	[tilespmem:s22+$0x122A0] =	vst v7  }
0x2ca: {  	v5 =	vadd.s32 s29, v28;
	v14 =	vld [tilespmem:$0x1FEC0]  }
0x2cb: {  	v4 =	vadd.s32 s26, v28;
	v0 =	vld.idx.msk [tilespmem:v0+s15+$0x0], $0xffff  }
0x2cc: {  	v6 =	vadd.s32 s28, v28;
	v1 =	vld.idx.msk [tilespmem:v1+s15+$0x0], $0xffff  }
0x2cd: {  	v44 =	vadd.s32 s3, v28;
	v2 =	vld.idx.msk [tilespmem:v2+s15+$0x0], $0xffff;
	[tilespmem:s22+$0x12320] =	vst v8  }
0x2ce: {  	v45 =	vadd.s32 s24, v28;
	v3 =	vld.idx.msk [tilespmem:v3+s15+$0x0], $0xffff;
	[tilespmem:s22+$0x123A0] =	vst v9  }
0x2cf: {  	v46 =	vadd.s32 s22, v28;
	[tilespmem:s22+$0x12420] =	vst v10;
	v5 =	vld.idx.msk [tilespmem:v5+s15+$0x0], $0xffff  }
0x2d0: {  	v4 =	vld.idx.msk [tilespmem:v4+s15+$0x0], $0xffff;
	v7 =	vadd.s32 s30, v14;
	[tilespmem:s22+$0x12530] =	vst v0  }
0x2d1: {  	v6 =	vld.idx.msk [tilespmem:v6+s15+$0x0], $0xffff;
	v0 =	vadd.s32 s25, v14;
	[tilespmem:s22+$0x124A0] =	vst v1  }
0x2d2: {  	v8 =	vld.idx.msk [tilespmem:v44+s15+$0x0], $0xffff;
	v1 =	vadd.s32 s26, v14;
	[tilespmem:s22+$0x121A0] =	vst v2  }
0x2d3: {  	v2 =	vadd.s32 s29, v14;
	[tilespmem:s22+$0x12230] =	vst v3;
	v3 =	vld.idx.msk [tilespmem:v45+s15+$0x0], $0xffff  }
0x2d4: {  	v10 =	vld.idx.msk [tilespmem:v46+s15+$0x0], $0xffff;
	[tilespmem:s22+$0x12330] =	vst v5;
	v5 =	vadd.s32 s3, v14  }
0x2d5: {  	[tilespmem:s22+$0x122B0] =	vst v4;
	v4 =	vadd.s32 s28, v14;
	v7 =	vld.idx.msk [tilespmem:v7+s15+$0x0], $0xffff  }
0x2d6: {  	[tilespmem:s22+$0x123B0] =	vst v6;
	v6 =	vadd.s32 s24, v14;
	v0 =	vld.idx.msk [tilespmem:v0+s15+$0x0], $0xffff  }
0x2d7: {  	v1 =	vld.idx.msk [tilespmem:v1+s15+$0x0], $0xffff  }
0x2d8: {  	v47 =	vadd.s32 s30, v60;
	[tilespmem:s22+$0x12430] =	vst v8;
	v2 =	vld.idx.msk [tilespmem:v2+s15+$0x0], $0xffff  }
0x2d9: {  	v48 =	vadd.s32 s25, v60;
	[tilespmem:s22+$0x124B0] =	vst v3;
	v5 =	vld.idx.msk [tilespmem:v5+s15+$0x0], $0xffff  }
0x2da: {  	v3 =	vadd.s32 s26, v60;
	[tilespmem:s22+$0x121B0] =	vst v10;
	v4 =	vld.idx.msk [tilespmem:v4+s15+$0x0], $0xffff  }
0x2db: {  	v6 =	vld.idx.msk [tilespmem:v6+s15+$0x0], $0xffff;
	[tilespmem:s22+$0x12540] =	vst v7;
	v7 =	vadd.s32 s22, v14  }
0x2dc: {  	v14 =	vld [tilespmem:$0x1FEE0];
	[tilespmem:s22+$0x12240] =	vst v0;
	v0 =	vadd.s32 s29, v60  }
0x2dd: {  	v50 =	vadd.s32 s24, v60;
	v9 =	vld.idx.msk [tilespmem:v47+s15+$0x0], $0xffff;
	[tilespmem:s22+$0x122C0] =	vst v1  }
0x2de: {  	[tilespmem:s22+$0x12340] =	vst v2;
	v8 =	vld.idx.msk [tilespmem:v48+s15+$0x0], $0xffff  }
0x2df: {  	v1 =	vadd.s32 s28, v60;
	v3 =	vld.idx.msk [tilespmem:v3+s15+$0x0], $0xffff;
	[tilespmem:s22+$0x12440] =	vst v5  }
0x2e0: {  	v2 =	vadd.s32 s3, v60;
	[tilespmem:s22+$0x123C0] =	vst v4;
	v7 =	vld.idx.msk [tilespmem:v7+s15+$0x0], $0xffff  }
0x2e1: {  	[tilespmem:s22+$0x124C0] =	vst v6;
	v49 =	vadd.s32 s30, v14;
	v0 =	vld.idx.msk [tilespmem:v0+s15+$0x0], $0xffff  }
0x2e2: {  	v4 =	vadd.s32 s22, v60;
	[tilespmem:s22+$0x12550] =	vst v9;
	v9 =	vld.idx.msk [tilespmem:v50+s15+$0x0], $0xffff  }
0x2e3: {  	v5 =	vadd.s32 s25, v14;
	v16 =	vld [tilespmem:$0x1FEF0]  }
0x2e4: {  	v51 =	vadd.s32 s29, v14;
	v1 =	vld.idx.msk [tilespmem:v1+s15+$0x0], $0xffff  }
0x2e5: {  	v2 =	vld.idx.msk [tilespmem:v2+s15+$0x0], $0xffff;
	[tilespmem:s22+$0x122D0] =	vst v3;
	v3 =	vadd.s32 s28, v14  }
0x2e6: {  	[tilespmem:s22+$0x121C0] =	vst v7;
	v7 =	vadd.s32 s26, v14;
	v10 =	vld.idx.msk [tilespmem:v49+s15+$0x0], $0xffff  }
0x2e7: {  	[tilespmem:s22+$0x12250] =	vst v8;
	v4 =	vld.idx.msk [tilespmem:v4+s15+$0x0], $0xffff  }
0x2e8: {  	v5 =	vld.idx.msk [tilespmem:v5+s15+$0x0], $0xffff;
	[tilespmem:s22+$0x12350] =	vst v0;
	v6 =	vadd.s32 s30, v16  }
0x2e9: {  	v52 =	vadd.s32 s3, v14;
	[tilespmem:s22+$0x123D0] =	vst v1;
	v8 =	vld.idx.msk [tilespmem:v51+s15+$0x0], $0xffff  }
0x2ea: {  	v0 =	vadd.s32 s24, v14;
	[tilespmem:s22+$0x12450] =	vst v2;
	v3 =	vld.idx.msk [tilespmem:v3+s15+$0x0], $0xffff  }
0x2eb: {  	v1 =	vadd.s32 s22, v14;
	v7 =	vld.idx.msk [tilespmem:v7+s15+$0x0], $0xffff;
	[tilespmem:s22+$0x12560] =	vst v10  }
0x2ec: {  	v53 =	vadd.s32 s25, v16;
	v14 =	vld [tilespmem:$0x1FF00];
	[tilespmem:s22+$0x124D0] =	vst v9  }
0x2ed: {  	v6 =	vld.idx.msk [tilespmem:v6+s15+$0x0], $0xffff;
	[tilespmem:s22+$0x121D0] =	vst v4;
	v4 =	vadd.s32 s26, v16  }
0x2ee: {  	v10 =	vld.idx.msk [tilespmem:v52+s15+$0x0], $0xffff;
	[tilespmem:s22+$0x12260] =	vst v5  }
0x2ef: {  	v5 =	vadd.s32 s29, v16;
	[tilespmem:s22+$0x12360] =	vst v8;
	v0 =	vld.idx.msk [tilespmem:v0+s15+$0x0], $0xffff  }
0x2f0: {  	v54 =	vadd.s32 s24, v16;
	v1 =	vld.idx.msk [tilespmem:v1+s15+$0x0], $0xffff;
	[tilespmem:s22+$0x123E0] =	vst v3  }
0x2f1: {  	v9 =	vld.idx.msk [tilespmem:v53+s15+$0x0], $0xffff;
	[tilespmem:s22+$0x122E0] =	vst v7;
	v2 =	vadd.s32 s30, v14  }
0x2f2: {  	[tilespmem:s22+$0x12570] =	vst v6;
	v6 =	vadd.s32 s28, v16;
	v4 =	vld.idx.msk [tilespmem:v4+s15+$0x0], $0xffff  }
0x2f3: {  	v7 =	vadd.s32 s3, v16;
	v18 =	vld [tilespmem:$0x1FF10]  }
0x2f4: {  	v55 =	vadd.s32 s22, v16;
	v5 =	vld.idx.msk [tilespmem:v5+s15+$0x0], $0xffff;
	[tilespmem:s22+$0x124E0] =	vst v0  }
0x2f5: {  	v0 =	vadd.s32 s25, v14;
	v8 =	vld.idx.msk [tilespmem:v54+s15+$0x0], $0xffff  }
0x2f6: {  	[tilespmem:s22+$0x121E0] =	vst v1;
	v1 =	vadd.s32 s26, v14;
	v2 =	vld.idx.msk [tilespmem:v2+s15+$0x0], $0xffff  }
0x2f7: {  	[tilespmem:s22+$0x12460] =	vst v10;
	v6 =	vld.idx.msk [tilespmem:v6+s15+$0x0], $0xffff  }
0x2f8: {  	[tilespmem:s22+$0x12270] =	vst v9;
	v7 =	vld.idx.msk [tilespmem:v7+s15+$0x0], $0xffff;
	v3 =	vadd.s32 s30, v18  }
0x2f9: {  	v57 =	vadd.s32 s28, v14;
	v10 =	vld.idx.msk [tilespmem:v55+s15+$0x0], $0xffff;
	[tilespmem:s22+$0x122F0] =	vst v4  }
0x2fa: {  	v4 =	vadd.s32 s3, v14;
	[tilespmem:s22+$0x12370] =	vst v5;
	v0 =	vld.idx.msk [tilespmem:v0+s15+$0x0], $0xffff  }
0x2fb: {  	v1 =	vld.idx.msk [tilespmem:v1+s15+$0x0], $0xffff;
	v58 =	vadd.s32 s25, v18;
	[tilespmem:s22+$0x12900] =	vst v2  }
0x2fc: {  	v2 =	vadd.s32 s29, v14;
	v16 =	vld [tilespmem:$0x1FF20];
	[tilespmem:s22+$0x123F0] =	vst v6  }
0x2fd: {  	v3 =	vld.idx.msk [tilespmem:v3+s15+$0x0], $0xffff;
	v6 =	vadd.s32 s24, v14;
	[tilespmem:s22+$0x12470] =	vst v7  }
0x2fe: {  	[tilespmem:s22+$0x124F0] =	vst v8;
	v9 =	vld.idx.msk [tilespmem:v57+s15+$0x0], $0xffff  }
0x2ff: {  	v7 =	vadd.s32 s22, v14;
	[tilespmem:s22+$0x12600] =	vst v0;
	v4 =	vld.idx.msk [tilespmem:v4+s15+$0x0], $0xffff  }
0x300: {  	[tilespmem:s22+$0x121F0] =	vst v10;
	v0 =	vadd.s32 s28, v18;
	v8 =	vld.idx.msk [tilespmem:v58+s15+$0x0], $0xffff  }
0x301: {  	[tilespmem:s22+$0x12680] =	vst v1;
	v2 =	vld.idx.msk [tilespmem:v2+s15+$0x0], $0xffff;
	v5 =	vadd.s32 s30, v16  }
0x302: {  	[tilespmem:s22+$0x12910] =	vst v3;
	v3 =	vadd.s32 s26, v18;
	v6 =	vld.idx.msk [tilespmem:v6+s15+$0x0], $0xffff  }
0x303: {  	v59 =	vadd.s32 s29, v18;
	v14 =	vld [tilespmem:$0x1FF30]  }
0x304: {  	v62 =	vadd.s32 s24, v18;
	v7 =	vld.idx.msk [tilespmem:v7+s15+$0x0], $0xffff;
	[tilespmem:s22+$0x12780] =	vst v9  }
0x305: {  	[tilespmem:s22+$0x12800] =	vst v4;
	v4 =	vadd.s32 s22, v18;
	v0 =	vld.idx.msk [tilespmem:v0+s15+$0x0], $0xffff  }
0x306: {  	[tilespmem:s22+$0x12700] =	vst v2;
	v2 =	vadd.s32 s3, v18;
	v5 =	vld.idx.msk [tilespmem:v5+s15+$0x0], $0xffff  }
0x307: {  	v3 =	vld.idx.msk [tilespmem:v3+s15+$0x0], $0xffff  }
0x308: {  	v10 =	vld.idx.msk [tilespmem:v59+s15+$0x0], $0xffff;
	[tilespmem:s22+$0x12880] =	vst v6;
	v1 =	vadd.s32 s30, v14  }
0x309: {  	v6 =	vadd.s32 s26, v16;
	[tilespmem:s22+$0x12580] =	vst v7;
	v63 =	vld.idx.msk [tilespmem:v62+s15+$0x0], $0xffff  }
0x30a: {  	[tilespmem:s22+$0x12610] =	vst v8;
	v7 =	vadd.s32 s29, v16;
	v4 =	vld.idx.msk [tilespmem:v4+s15+$0x0], $0xffff  }
0x30b: {  	v2 =	vld.idx.msk [tilespmem:v2+s15+$0x0], $0xffff;
	[tilespmem:s22+$0x12920] =	vst v5;
	v5 =	vadd.s32 s25, v16  }
0x30c: {  	v33 =	vadd.s32 s3, v16;
	v18 =	vld [tilespmem:$0x1FF40];
	[tilespmem:s22+$0x12690] =	vst v3  }
0x30d: {  	v1 =	vld.idx.msk [tilespmem:v1+s15+$0x0], $0xffff;
	v3 =	vadd.s32 s28, v16;
	[tilespmem:s22+$0x12710] =	vst v10  }
0x30e: {  	[tilespmem:s22+$0x12790] =	vst v0;
	v6 =	vld.idx.msk [tilespmem:v6+s15+$0x0], $0xffff  }
0x30f: {  	v0 =	vadd.s32 s24, v16;
	[tilespmem:s22+$0x12890] =	vst v63;
	v7 =	vld.idx.msk [tilespmem:v7+s15+$0x0], $0xffff  }
0x310: {  	v34 =	vadd.s32 s26, v14;
	[tilespmem:s22+$0x12810] =	vst v2;
	v5 =	vld.idx.msk [tilespmem:v5+s15+$0x0], $0xffff  }
0x311: {  	[tilespmem:s22+$0x12590] =	vst v4;
	v4 =	vld.idx.msk [tilespmem:v33+s15+$0x0], $0xffff;
	v32 =	vadd.s32 s30, v18  }
0x312: {  	[tilespmem:s22+$0x12930] =	vst v1;
	v1 =	vadd.s32 s22, v16;
	v3 =	vld.idx.msk [tilespmem:v3+s15+$0x0], $0xffff  }
0x313: {  	v2 =	vadd.s32 s25, v14;
	v16 =	vld [tilespmem:$0x1FF50]  }
0x314: {  	v0 =	vld.idx.msk [tilespmem:v0+s15+$0x0], $0xffff;
	[tilespmem:s22+$0x126A0] =	vst v6;
	v6 =	vadd.s32 s28, v14  }
0x315: {  	[tilespmem:s22+$0x12720] =	vst v7;
	v7 =	vadd.s32 s3, v14;
	v8 =	vld.idx.msk [tilespmem:v34+s15+$0x0], $0xffff  }
0x316: {  	[tilespmem:s22+$0x12620] =	vst v5;
	v5 =	vadd.s32 s29, v14;
	v9 =	vld.idx.msk [tilespmem:v32+s15+$0x0], $0xffff  }
0x317: {  	v1 =	vld.idx.msk [tilespmem:v1+s15+$0x0], $0xffff  }
0x318: {  	v2 =	vld.idx.msk [tilespmem:v2+s15+$0x0], $0xffff;
	[tilespmem:s22+$0x127A0] =	vst v3;
	v35 =	vadd.s32 s30, v16  }
0x319: {  	v36 =	vadd.s32 s24, v14;
	[tilespmem:s22+$0x12820] =	vst v4;
	v6 =	vld.idx.msk [tilespmem:v6+s15+$0x0], $0xffff  }
0x31a: {  	v3 =	vadd.s32 s22, v14;
	[tilespmem:s22+$0x128A0] =	vst v0;
	v7 =	vld.idx.msk [tilespmem:v7+s15+$0x0], $0xffff  }
0x31b: {  	v4 =	vadd.s32 s25, v18;
	v5 =	vld.idx.msk [tilespmem:v5+s15+$0x0], $0xffff;
	[tilespmem:s22+$0x12940] =	vst v9  }
0x31c: {  	v14 =	vld [tilespmem:$0x1FF60];
	[tilespmem:s22+$0x125A0] =	vst v1;
	v1 =	vadd.s32 s26, v18  }
0x31d: {  	v10 =	vld.idx.msk [tilespmem:v35+s15+$0x0], $0xffff;
	[tilespmem:s22+$0x12630] =	vst v2;
	v2 =	vadd.s32 s29, v18  }
0x31e: {  	v9 =	vld.idx.msk [tilespmem:v36+s15+$0x0], $0xffff;
	[tilespmem:s22+$0x126B0] =	vst v8  }
0x31f: {  	v38 =	vadd.s32 s3, v18;
	[tilespmem:s22+$0x127B0] =	vst v6;
	v3 =	vld.idx.msk [tilespmem:v3+s15+$0x0], $0xffff  }
0x320: {  	v6 =	vadd.s32 s22, v18;
	[tilespmem:s22+$0x12830] =	vst v7;
	v4 =	vld.idx.msk [tilespmem:v4+s15+$0x0], $0xffff  }
0x321: {  	[tilespmem:s22+$0x12730] =	vst v5;
	v5 =	vadd.s32 s24, v18;
	v1 =	vld.idx.msk [tilespmem:v1+s15+$0x0], $0xffff  }
0x322: {  	v0 =	vadd.s32 s30, v14;
	[tilespmem:s22+$0x12950] =	vst v10;
	v2 =	vld.idx.msk [tilespmem:v2+s15+$0x0], $0xffff  }
0x323: {  	v37 =	vadd.s32 s28, v18;
	v18 =	vld [tilespmem:$0x1FF70]  }
0x324: {  	v39 =	vadd.s32 s25, v16;
	v10 =	vld.idx.msk [tilespmem:v38+s15+$0x0], $0xffff;
	[tilespmem:s22+$0x125B0] =	vst v3  }
0x325: {  	[tilespmem:s22+$0x128B0] =	vst v9;
	v3 =	vadd.s32 s26, v16;
	v6 =	vld.idx.msk [tilespmem:v6+s15+$0x0], $0xffff  }
0x326: {  	[tilespmem:s22+$0x12640] =	vst v4;
	v4 =	vadd.s32 s29, v16;
	v5 =	vld.idx.msk [tilespmem:v5+s15+$0x0], $0xffff  }
0x327: {  	v0 =	vld.idx.msk [tilespmem:v0+s15+$0x0], $0xffff;
	[tilespmem:s22+$0x126C0] =	vst v1;
	v1 =	vadd.s32 s3, v16  }
0x328: {  	v8 =	vld.idx.msk [tilespmem:v37+s15+$0x0], $0xffff;
	[tilespmem:s22+$0x12740] =	vst v2;
	v7 =	vadd.s32 s30, v18  }
0x329: {  	v41 =	vadd.s32 s22, v16;
	v9 =	vld.idx.msk [tilespmem:v39+s15+$0x0], $0xffff;
	[tilespmem:s22+$0x12840] =	vst v10  }
0x32a: {  	v2 =	vadd.s32 s24, v16;
	v3 =	vld.idx.msk [tilespmem:v3+s15+$0x0], $0xffff;
	[tilespmem:s22+$0x125C0] =	vst v6  }
0x32b: {  	v4 =	vld.idx.msk [tilespmem:v4+s15+$0x0], $0xffff;
	v6 =	vadd.s32 s26, v14;
	[tilespmem:s22+$0x128C0] =	vst v5  }
0x32c: {  	v5 =	vadd.s32 s25, v14;
	[tilespmem:s22+$0x12960] =	vst v0;
	v1 =	vld.idx.msk [tilespmem:v1+s15+$0x0], $0xffff  }
0x32d: {  	[tilespmem:s22+$0x127C0] =	vst v8;
	v0 =	vadd.s32 s28, v16;
	v7 =	vld.idx.msk [tilespmem:v7+s15+$0x0], $0xffff  }
0x32e: {  	v40 =	vadd.s32 s30, v61;
	[tilespmem:s22+$0x12650] =	vst v9;
	v10 =	vld.idx.msk [tilespmem:v41+s15+$0x0], $0xffff  }
0x32f: {  	v2 =	vld.idx.msk [tilespmem:v2+s15+$0x0], $0xffff;
	[tilespmem:s22+$0x126D0] =	vst v3  }
0x330: {  	v3 =	vadd.s32 s3, v14;
	[tilespmem:s22+$0x12750] =	vst v4;
	v6 =	vld.idx.msk [tilespmem:v6+s15+$0x0], $0xffff  }
0x331: {  	v5 =	vld.idx.msk [tilespmem:v5+s15+$0x0], $0xffff;
	[tilespmem:s22+$0x12850] =	vst v1;
	v1 =	vadd.s32 s22, v14  }
0x332: {  	v0 =	vld.idx.msk [tilespmem:v0+s15+$0x0], $0xffff;
	[tilespmem:s22+$0x12970] =	vst v7;
	v7 =	vadd.s32 s29, v14  }
0x333: {  	v42 =	vadd.s32 s28, v14;
	[tilespmem:s22+$0x125D0] =	vst v10;
	v8 =	vld.idx.msk [tilespmem:v40+s15+$0x0], $0xffff  }
0x334: {  	[tilespmem:s22+$0x128D0] =	vst v2  }
0x335: {  	v4 =	vadd.s32 s30, v56;
	v3 =	vld.idx.msk [tilespmem:v3+s15+$0x0], $0xffff;
	[tilespmem:s22+$0x126E0] =	vst v6  }
0x336: {  	v2 =	vadd.s32 s25, v18;
	[tilespmem:s22+$0x12660] =	vst v5;
	v1 =	vld.idx.msk [tilespmem:v1+s15+$0x0], $0xffff  }
0x337: {  	[tilespmem:s22+$0x127D0] =	vst v0;
	v0 =	vadd.s32 s24, v14;
	v7 =	vld.idx.msk [tilespmem:v7+s15+$0x0], $0xffff  }
0x338: {  	v43 =	vadd.s32 s26, v18;
	v9 =	vld.idx.msk [tilespmem:v42+s15+$0x0], $0xffff;
	[tilespmem:s22+$0x12D00] =	vst v8  }
0x339: {  	v44 =	vadd.s32 s29, v18;
	v14 =	vld [tilespmem:$0x1FFA0]  }
0x33a: {  	v5 =	vadd.s32 s28, v18;
	v4 =	vld.idx.msk [tilespmem:v4+s15+$0x0], $0xffff  }
0x33b: {  	v2 =	vld.idx.msk [tilespmem:v2+s15+$0x0], $0xffff;
	[tilespmem:s22+$0x12860] =	vst v3;
	v3 =	vadd.s32 s22, v18  }
0x33c: {  	v0 =	vld.idx.msk [tilespmem:v0+s15+$0x0], $0xffff;
	[tilespmem:s22+$0x12760] =	vst v7;
	v7 =	vadd.s32 s3, v18  }
0x33d: {  	v45 =	vadd.s32 s24, v18;
	v8 =	vld.idx.msk [tilespmem:v43+s15+$0x0], $0xffff;
	[tilespmem:s22+$0x125E0] =	vst v1  }
0x33e: {  	[tilespmem:s22+$0x127E0] =	vst v9;
	v10 =	vld.idx.msk [tilespmem:v44+s15+$0x0], $0xffff;
	v6 =	vadd.s32 s30, v14  }
0x33f: {  	v5 =	vld.idx.msk [tilespmem:v5+s15+$0x0], $0xffff;
	[tilespmem:s22+$0x12D10] =	vst v4;
	v4 =	vadd.s32 s25, v61  }
0x340: {  	v1 =	vadd.s32 s29, v61;
	[tilespmem:s22+$0x12670] =	vst v2;
	v3 =	vld.idx.msk [tilespmem:v3+s15+$0x0], $0xffff  }
0x341: {  	[tilespmem:s22+$0x128E0] =	vst v0;
	v0 =	vadd.s32 s26, v61;
	v7 =	vld.idx.msk [tilespmem:v7+s15+$0x0], $0xffff  }
0x342: {  	v47 =	vadd.s32 s28, v61;
	[tilespmem:s22+$0x126F0] =	vst v8;
	v2 =	vld.idx.msk [tilespmem:v45+s15+$0x0], $0xffff  }
0x343: {  	v48 =	vadd.s32 s3, v61;
	[tilespmem:s22+$0x12770] =	vst v10;
	v6 =	vld.idx.msk [tilespmem:v6+s15+$0x0], $0xffff  }
0x344: {  	v46 =	vadd.s32 s30, v11;
	[tilespmem:s22+$0x127F0] =	vst v5;
	v4 =	vld.idx.msk [tilespmem:v4+s15+$0x0], $0xffff  }
0x345: {  	v5 =	vadd.s32 s24, v61;
	v1 =	vld.idx.msk [tilespmem:v1+s15+$0x0], $0xffff;
	[tilespmem:s22+$0x125F0] =	vst v3  }
0x346: {  	v0 =	vld.idx.msk [tilespmem:v0+s15+$0x0], $0xffff;
	[tilespmem:s22+$0x12870] =	vst v7;
	v7 =	vadd.s32 s25, v56  }
0x347: {  	v8 =	vld.idx.msk [tilespmem:v47+s15+$0x0], $0xffff;
	[tilespmem:s22+$0x128F0] =	vst v2;
	v2 =	vadd.s32 s26, v56  }
0x348: {  	v3 =	vld.idx.msk [tilespmem:v48+s15+$0x0], $0xffff;
	[tilespmem:s22+$0x12D20] =	vst v6;
	v6 =	vadd.s32 s22, v61  }
0x349: {  	[tilespmem:s22+$0x12A00] =	vst v4;
	v4 =	vadd.s32 s29, v56;
	v9 =	vld.idx.msk [tilespmem:v46+s15+$0x0], $0xffff  }
0x34a: {  	v49 =	vadd.s32 s30, v12;
	v5 =	vld.idx.msk [tilespmem:v5+s15+$0x0], $0xffff;
	[tilespmem:s22+$0x12B00] =	vst v1  }
0x34b: {  	v1 =	vadd.s32 s3, v56;
	[tilespmem:s22+$0x12A80] =	vst v0;
	v7 =	vld.idx.msk [tilespmem:v7+s15+$0x0], $0xffff  }
0x34c: {  	[tilespmem:s22+$0x12B80] =	vst v8;
	v0 =	vadd.s32 s28, v56;
	v2 =	vld.idx.msk [tilespmem:v2+s15+$0x0], $0xffff  }
0x34d: {  	v50 =	vadd.s32 s24, v56;
	[tilespmem:s22+$0x12C00] =	vst v3;
	v6 =	vld.idx.msk [tilespmem:v6+s15+$0x0], $0xffff  }
0x34e: {  	v3 =	vadd.s32 s25, v14;
	v4 =	vld.idx.msk [tilespmem:v4+s15+$0x0], $0xffff;
	[tilespmem:s22+$0x12D30] =	vst v9  }
0x34f: {  	v51 =	vadd.s32 s22, v56;
	[tilespmem:s22+$0x12C80] =	vst v5;
	v10 =	vld.idx.msk [tilespmem:v49+s15+$0x0], $0xffff  }
0x350: {  	v5 =	vadd.s32 s30, v13;
	v1 =	vld.idx.msk [tilespmem:v1+s15+$0x0], $0xffff;
	[tilespmem:s22+$0x12A10] =	vst v7  }
0x351: {  	v0 =	vld.idx.msk [tilespmem:v0+s15+$0x0], $0xffff;
	v7 =	vadd.s32 s29, v14;
	[tilespmem:s22+$0x12A90] =	vst v2  }
0x352: {  	v9 =	vld.idx.msk [tilespmem:v50+s15+$0x0], $0xffff;
	[tilespmem:s22+$0x12980] =	vst v6  }
0x353: {  	v2 =	vadd.s32 s28, v14;
	v3 =	vld.idx.msk [tilespmem:v3+s15+$0x0], $0xffff;
	[tilespmem:s22+$0x12B10] =	vst v4  }
0x354: {  	v6 =	vadd.s32 s26, v14;
	v8 =	vld.idx.msk [tilespmem:v51+s15+$0x0], $0xffff;
	[tilespmem:s22+$0x12D40] =	vst v10  }
0x355: {  	[tilespmem:s22+$0x12C10] =	vst v1;
	v5 =	vld.idx.msk [tilespmem:v5+s15+$0x0], $0xffff  }
0x356: {  	v52 =	vadd.s32 s3, v14;
	[tilespmem:s22+$0x12B90] =	vst v0;
	v7 =	vld.idx.msk [tilespmem:v7+s15+$0x0], $0xffff  }
0x357: {  	v4 =	vadd.s32 s24, v14;
	v0 =	vadd.s32 s22, v14;
	v14 =	vld [tilespmem:$0x1FFB0]  }
0x358: {  	v53 =	vadd.s32 s25, v11;
	[tilespmem:s22+$0x12C90] =	vst v9;
	v2 =	vld.idx.msk [tilespmem:v2+s15+$0x0], $0xffff  }
0x359: {  	[tilespmem:s22+$0x12A20] =	vst v3;
	v6 =	vld.idx.msk [tilespmem:v6+s15+$0x0], $0xffff  }
0x35a: {  	[tilespmem:s22+$0x12990] =	vst v8  }
0x35b: {  	v10 =	vld.idx.msk [tilespmem:v52+s15+$0x0], $0xffff;
	v3 =	vadd.s32 s29, v11;
	[tilespmem:s22+$0x12D50] =	vst v5  }
0x35c: {  	v54 =	vadd.s32 s26, v11;
	v4 =	vld.idx.msk [tilespmem:v4+s15+$0x0], $0xffff;
	[tilespmem:s22+$0x12B20] =	vst v7  }
0x35d: {  	v9 =	vld.idx.msk [tilespmem:v53+s15+$0x0], $0xffff;
	v1 =	vadd.s32 s30, v14;
	[tilespmem:s22+$0x12BA0] =	vst v2  }
0x35e: {  	v0 =	vld.idx.msk [tilespmem:v0+s15+$0x0], $0xffff;
	v5 =	vadd.s32 s28, v11;
	[tilespmem:s22+$0x12AA0] =	vst v6  }
0x35f: {  	v7 =	vadd.s32 s24, v11;
	v16 =	vld [tilespmem:$0x1FFC0]  }
0x360: {  	v3 =	vld.idx.msk [tilespmem:v3+s15+$0x0], $0xffff;
	v6 =	vadd.s32 s3, v11  }
0x361: {  	v55 =	vadd.s32 s22, v11;
	v8 =	vld.idx.msk [tilespmem:v54+s15+$0x0], $0xffff;
	[tilespmem:s22+$0x12C20] =	vst v10  }
0x362: {  	[tilespmem:s22+$0x12CA0] =	vst v4;
	v4 =	vadd.s32 s25, v12;
	v1 =	vld.idx.msk [tilespmem:v1+s15+$0x0], $0xffff  }
0x363: {  	[tilespmem:s22+$0x129A0] =	vst v0;
	v0 =	vadd.s32 s26, v12;
	v5 =	vld.idx.msk [tilespmem:v5+s15+$0x0], $0xffff  }
0x364: {  	[tilespmem:s22+$0x12A30] =	vst v9;
	v7 =	vld.idx.msk [tilespmem:v7+s15+$0x0], $0xffff;
	v2 =	vadd.s32 s30, v16  }
0x365: {  	v56 =	vadd.s32 s28, v12;
	[tilespmem:s22+$0x12B30] =	vst v3;
	v6 =	vld.idx.msk [tilespmem:v6+s15+$0x0], $0xffff  }
0x366: {  	v57 =	vadd.s32 s3, v12;
	v10 =	vld.idx.msk [tilespmem:v55+s15+$0x0], $0xffff;
	[tilespmem:s22+$0x12AB0] =	vst v8  }
0x367: {  	v4 =	vld.idx.msk [tilespmem:v4+s15+$0x0], $0xffff;
	[tilespmem:s22+$0x12D60] =	vst v1;
	v1 =	vadd.s32 s29, v12  }
0x368: {  	v3 =	vadd.s32 s24, v12;
	v0 =	vld.idx.msk [tilespmem:v0+s15+$0x0], $0xffff;
	[tilespmem:s22+$0x12BB0] =	vst v5  }
0x369: {  	v5 =	vadd.s32 s22, v12;
	[tilespmem:s22+$0x12CB0] =	vst v7;
	v2 =	vld.idx.msk [tilespmem:v2+s15+$0x0], $0xffff  }
0x36a: {  	v9 =	vld.idx.msk [tilespmem:v56+s15+$0x0], $0xffff;
	[tilespmem:s22+$0x12C30] =	vst v6;
	v6 =	vadd.s32 s25, v13  }
0x36b: {  	v7 =	vadd.s32 s26, v13;
	[tilespmem:s22+$0x129B0] =	vst v10;
	v8 =	vld.idx.msk [tilespmem:v57+s15+$0x0], $0xffff  }
0x36c: {  	v58 =	vadd.s32 s28, v13;
	[tilespmem:s22+$0x12A40] =	vst v4;
	v1 =	vld.idx.msk [tilespmem:v1+s15+$0x0], $0xffff  }
0x36d: {  	v3 =	vld.idx.msk [tilespmem:v3+s15+$0x0], $0xffff;
	v4 =	vadd.s32 s3, v13;
	[tilespmem:s22+$0x12AC0] =	vst v0  }
0x36e: {  	v5 =	vld.idx.msk [tilespmem:v5+s15+$0x0], $0xffff;
	[tilespmem:s22+$0x12D70] =	vst v2;
	v2 =	vadd.s32 s29, v13  }
0x36f: {  	v0 =	vadd.s32 s24, v13;
	[tilespmem:s22+$0x12BC0] =	vst v9;
	v6 =	vld.idx.msk [tilespmem:v6+s15+$0x0], $0xffff  }
0x370: {  	v59 =	vadd.s32 s25, v14;
	v7 =	vld.idx.msk [tilespmem:v7+s15+$0x0], $0xffff;
	[tilespmem:s22+$0x12C40] =	vst v8  }
0x371: {  	v10 =	vld.idx.msk [tilespmem:v58+s15+$0x0], $0xffff;
	[tilespmem:s22+$0x12B40] =	vst v1;
	v1 =	vadd.s32 s22, v13  }
0x372: {  	v61 =	vadd.s32 s26, v14;
	[tilespmem:s22+$0x12CC0] =	vst v3;
	v4 =	vld.idx.msk [tilespmem:v4+s15+$0x0], $0xffff  }
0x373: {  	[tilespmem:s22+$0x129C0] =	vst v5;
	v5 =	vadd.s32 s28, v14;
	v2 =	vld.idx.msk [tilespmem:v2+s15+$0x0], $0xffff  }
0x374: {  	v3 =	vadd.s32 s29, v14;
	v0 =	vld.idx.msk [tilespmem:v0+s15+$0x0], $0xffff;
	[tilespmem:s22+$0x12A50] =	vst v6  }
0x375: {  	[tilespmem:s22+$0x12AD0] =	vst v7;
	v7 =	vadd.s32 s24, v14;
	v9 =	vld.idx.msk [tilespmem:v59+s15+$0x0], $0xffff  }
0x376: {  	v6 =	vadd.s32 s3, v14;
	[tilespmem:s22+$0x12BD0] =	vst v10;
	v1 =	vld.idx.msk [tilespmem:v1+s15+$0x0], $0xffff  }
0x377: {  	v62 =	vadd.s32 s25, v16;
	v8 =	vld.idx.msk [tilespmem:v61+s15+$0x0], $0xffff;
	[tilespmem:s22+$0x12C50] =	vst v4  }
0x378: {  	v51 =	vmov v13;
	v13 =	vld.idx.msk [tilespmem:v5+s15+$0x0], $0xffff;
	[tilespmem:s22+$0x12B50] =	vst v2;
	v2 =	vadd.s32 s22, v14  }
0x379: {  	v55 =	vmov v12;
	v12 =	vadd.s32 s26, v16;
	[tilespmem:s22+$0x12CD0] =	vst v0;
	v63 =	vld.idx.msk [tilespmem:v3+s15+$0x0], $0xffff  }
0x37a: {  	v0 =	vadd.s32 s29, v16;
	v5 =	vld.idx.msk [tilespmem:v7+s15+$0x0], $0xffff;
	[tilespmem:s22+$0x12A60] =	vst v9  }
0x37b: {  	v6 =	vld.idx.msk [tilespmem:v6+s15+$0x0], $0xffff;
	[tilespmem:s22+$0x129D0] =	vst v1;
	v1 =	vadd.s32 s28, v16  }
0x37c: {  	v3 =	vld.idx.msk [tilespmem:v62+s15+$0x0], $0xffff  }
0x37d: {  	[tilespmem:s22+$0x12AE0] =	vst v8;
	v4 =	vld.idx.msk [tilespmem:v2+s15+$0x0], $0xffff  }
0x37e: {  	s31 =	smul.u32 $0x6000, s21;
	v2 =	vld.idx.msk [tilespmem:v12+s15+$0x0], $0xffff;
	[tilespmem:s22+$0x12B60] =	vst v63  }
0x37f: {  	[tilespmem:s22+$0x12BE0] =	vst v13;
	v0 =	vld.idx.msk [tilespmem:v0+s15+$0x0], $0xffff  }
0x380: {  	s23 =	simm.s32 $0x8;
	s21 =	sadd.s32 s5, s31;
	v52 =	vmovc v11;
	v25 =	vadd.s32 s3, v16;
	v24 =	vadd.s32 s22, v16;
	v26 =	vadd.s32 s24, v16;
	[tilespmem:s22+$0x12C60] =	vst v6;
	v1 =	vld.idx.msk [tilespmem:v1+s15+$0x0], $0xffff  }
.LBB2_6:
0x381: {  	_ =	sdelay $0x3  }
0x382: {  	s0 =	sshrl.u32 s23, $0x3;
	v6 =	vld.idx.msk [tilespmem:v25+s15+$0x0], $0xffff;
	[tilespmem:s22+$0x12CE0] =	vst v5  }
0x383: {  	v62 =	vld [tilespmem:$0x1FF20];
	s3 =	smul.u32 $0xC00, s0;
	[tilespmem:s22+$0x129E0] =	vst v4  }
0x384: {  	[tilespmem:s22+$0x12A70] =	vst v3;
	v4 =	vld.idx.msk [tilespmem:v26+s15+$0x0], $0xffff  }
0x385: {  	s24 =	sor.u32 $0x380, s3;
	v3 =	vadd.s32 s3, v15;
	[tilespmem:s22+$0x12AF0] =	vst v2;
	v5 =	vld.idx.msk [tilespmem:v24+s15+$0x0], $0xffff  }
0x386: {  	v34 =	vld [tilespmem:$0x1FF30];
	s2 =	sor.u32 $0x80, s3;
	v8 =	vadd.s32 s24, v15;
	[tilespmem:s22+$0x12B70] =	vst v0  }
0x387: {  	s25 =	sor.u32 $0x100, s3;
	v2 =	vadd.s32 s2, v15;
	[tilespmem:s22+$0x12BF0] =	vst v1  }
0x388: {  	s28 =	sor.u32 $0x180, s3;
	s0 =	sor.u32 $0x280, s3;
	v7 =	vadd.s32 s25, v15;
	[tilespmem:s22+$0x12C70] =	vst v6  }
0x389: {  	s26 =	sor.u32 $0x200, s3;
	s29 =	sor.u32 $0x300, s3;
	v50 =	vadd.s32 s3, v21;
	v9 =	vadd.s32 s28, v15;
	v11 =	vadd.s32 s0, v15;
	[tilespmem:s22+$0x12CF0] =	vst v4  }
0x38a: {  	v10 =	vadd.s32 s26, v15;
	v13 =	vadd.s32 s29, v15;
	v12 =	vld.idx.msk [tilespmem:v3+s15+$0x0], $0xffff;
	v3 =	vadd.s32 s26, v62;
	[tilespmem:s22+$0x129F0] =	vst v5  }
0x38b: {  	v35 =	vadd.s32 s2, v21;
	v37 =	vadd.s32 s25, v21;
	v15 =	vld.idx.msk [tilespmem:v8+s15+$0x0], $0xffff;
	s22 =	smov.u32 s3;
	[tilespmem:$0x1F3F0] =	vst v3;
	v4 =	vadd.s32 s28, v34  }
0x38c: {  	v39 =	vadd.s32 s28, v21;
	v43 =	vadd.s32 s26, v21;
	v16 =	vld.idx.msk [tilespmem:v2+s15+$0x0], $0xffff;
	v3 =	vadd.s32 s22, v62;
	[tilespmem:$0x1F410] =	vst v4  }
0x38d: {  	v47 =	vadd.s32 s0, v21;
	v59 =	vadd.s32 s29, v21;
	v21 =	vld.idx.msk [tilespmem:v7+s15+$0x0], $0xffff;
	v4 =	vadd.s32 s29, v34;
	[tilespmem:$0x1F400] =	vst v3  }
0x38e: {  	v2 =	vld [tilespmem:$0x1FEC0];
	[tilespmem:$0x1F420] =	vst v4;
	v4 =	vadd.s32 s22, v34  }
0x38f: {  	[tilespmem:$0x1F430] =	vst v4  }
0x390: {  	v30 =	vadd.s32 s3, v17;
	v14 =	vadd.s32 s2, v17;
	v18 =	vadd.s32 s25, v17;
	[tilespmem:s22+$0x12180] =	vst v12  }
0x391: {  	v19 =	vadd.s32 s28, v17;
	v20 =	vadd.s32 s26, v17;
	v22 =	vadd.s32 s0, v17;
	[tilespmem:s22+$0x12500] =	vst v15  }
0x392: {  	v45 =	vld [tilespmem:$0x1FEE0];
	v27 =	vadd.s32 s29, v17;
	v56 =	vadd.s32 s2, v28;
	v58 =	vadd.s32 s25, v28;
	[tilespmem:s22+$0x12200] =	vst v16  }
0x393: {  	v41 =	vld [tilespmem:$0x1FEF0];
	v61 =	vadd.s32 s28, v28;
	v23 =	vadd.s32 s24, v17;
	v0 =	vadd.s32 s22, v2;
	[tilespmem:s22+$0x12280] =	vst v21  }
0x394: {  	v17 =	vadd.s32 s3, v28;
	v7 =	vadd.s32 s26, v28;
	v24 =	vld.idx.msk [tilespmem:v9+s15+$0x0], $0xffff;
	[tilespmem:$0x1F310] =	vst v0;
	v0 =	vadd.s32 s2, v60  }
0x395: {  	v8 =	vadd.s32 s0, v28;
	v9 =	vadd.s32 s29, v28;
	v28 =	vld.idx.msk [tilespmem:v10+s15+$0x0], $0xffff;
	[tilespmem:$0x1F320] =	vst v0;
	v0 =	vadd.s32 s29, v60  }
0x396: {  	v32 =	vld.idx.msk [tilespmem:v11+s15+$0x0], $0xffff;
	[tilespmem:$0x1F330] =	vst v0;
	v0 =	vadd.s32 s22, v60  }
0x397: {  	v33 =	vld.idx.msk [tilespmem:v13+s15+$0x0], $0xffff;
	[tilespmem:$0x1F340] =	vst v0;
	v0 =	vadd.s32 s26, v45  }
0x398: {  	v36 =	vld.idx.msk [tilespmem:v23+s15+$0x0], $0xffff;
	[tilespmem:$0x1F350] =	vst v0;
	v0 =	vadd.s32 s22, v45  }
0x399: {  	[tilespmem:$0x1F360] =	vst v0;
	v0 =	vld [tilespmem:$0x1FEA0]  }
0x39a: {  	[tilespmem:s22+$0x12300] =	vst v24  }
0x39b: {  	[tilespmem:s22+$0x12380] =	vst v28  }
0x39c: {  	v38 =	vld [tilespmem:$0x1FF00];
	[tilespmem:s22+$0x12400] =	vst v32  }
0x39d: {  	[tilespmem:s22+$0x12480] =	vst v33  }
0x39e: {  	v46 =	vld [tilespmem:$0x1FF10];
	[tilespmem:s22+$0x12510] =	vst v36;
	v44 =	vadd.s32 s24, v0;
	v0 =	vadd.s32 s25, v41  }
0x39f: {  	[tilespmem:$0x1F370] =	vst v0;
	v0 =	vadd.s32 s0, v41  }
0x3a0: {  	v40 =	vld.idx.msk [tilespmem:v14+s15+$0x0], $0xffff;
	[tilespmem:$0x1F380] =	vst v0;
	v0 =	vadd.s32 s22, v41  }
0x3a1: {  	v42 =	vld.idx.msk [tilespmem:v18+s15+$0x0], $0xffff;
	[tilespmem:$0x1F390] =	vst v0;
	v0 =	vadd.s32 s26, v38  }
0x3a2: {  	v48 =	vld.idx.msk [tilespmem:v19+s15+$0x0], $0xffff;
	[tilespmem:$0x1F3A0] =	vst v0;
	v0 =	vadd.s32 s22, v38  }
0x3a3: {  	v57 =	vld.idx.msk [tilespmem:v20+s15+$0x0], $0xffff;
	[tilespmem:$0x1F3B0] =	vst v0;
	v0 =	vadd.s32 s28, v46  }
0x3a4: {  	v53 =	vld.idx.msk [tilespmem:v22+s15+$0x0], $0xffff;
	[tilespmem:$0x1F3C0] =	vst v0;
	v0 =	vadd.s32 s29, v46  }
0x3a5: {  	[tilespmem:$0x1F3D0] =	vst v0;
	v0 =	vld [tilespmem:$0x1FEB0]  }
0x3a6: {  	v31 =	vld [tilespmem:$0x1FF40];
	[tilespmem:s22+$0x12210] =	vst v40  }
0x3a7: {  	v63 =	vld.idx.msk [tilespmem:v30+s15+$0x0], $0xffff;
	[tilespmem:s22+$0x12290] =	vst v42  }
0x3a8: {  	v54 =	vld.idx.msk [tilespmem:v27+s15+$0x0], $0xffff;
	[tilespmem:s22+$0x12310] =	vst v48  }
0x3a9: {  	[tilespmem:s22+$0x12390] =	vst v57;
	v1 =	vld.idx.msk [tilespmem:v35+s15+$0x0], $0xffff  }
0x3aa: {  	[tilespmem:s22+$0x12410] =	vst v53;
	v10 =	vld.idx.msk [tilespmem:v44+s15+$0x0], $0xffff;
	v49 =	vadd.s32 s24, v0;
	v0 =	vadd.s32 s22, v46  }
0x3ab: {  	[tilespmem:$0x1F3E0] =	vst v0;
	v0 =	vld.idx.msk [tilespmem:v37+s15+$0x0], $0xffff  }
0x3ac: {  	[tilespmem:s22+$0x12190] =	vst v63  }
0x3ad: {  	v6 =	vld.idx.msk [tilespmem:v39+s15+$0x0], $0xffff;
	[tilespmem:s22+$0x12490] =	vst v54  }
0x3ae: {  	v25 =	vadd.s32 s2, v2;
	v26 =	vadd.s32 s25, v2;
	v3 =	vld.idx.msk [tilespmem:v43+s15+$0x0], $0xffff;
	[tilespmem:s22+$0x12220] =	vst v1  }
0x3af: {  	v29 =	vadd.s32 s28, v2;
	v12 =	vadd.s32 s26, v2;
	v5 =	vld.idx.msk [tilespmem:v47+s15+$0x0], $0xffff;
	[tilespmem:s22+$0x12520] =	vst v10  }
0x3b0: {  	v11 =	vadd.s32 s0, v2;
	v13 =	vadd.s32 s29, v2;
	v4 =	vld.idx.msk [tilespmem:v50+s15+$0x0], $0xffff;
	[tilespmem:s22+$0x122A0] =	vst v0;
	v0 =	vadd.s32 s0, v31  }
0x3b1: {  	v15 =	vadd.s32 s25, v60;
	v1 =	vld.idx.msk [tilespmem:v59+s15+$0x0], $0xffff;
	[tilespmem:$0x1F460] =	vst v0;
	v0 =	vadd.s32 s24, v2;
	v2 =	vadd.s32 s22, v31  }
0x3b2: {  	v16 =	vadd.s32 s28, v60;
	v21 =	vadd.s32 s0, v60;
	v14 =	vadd.s32 s26, v60;
	v60 =	vld.idx.msk [tilespmem:v49+s15+$0x0], $0xffff;
	[tilespmem:$0x1F480] =	vst v2  }
0x3b3: {  	v2 =	vld.idx.msk [tilespmem:v56+s15+$0x0], $0xffff;
	[tilespmem:s22+$0x12320] =	vst v6  }
0x3b4: {  	[tilespmem:s22+$0x123A0] =	vst v3  }
0x3b5: {  	v10 =	vld [tilespmem:$0x1FF50];
	[tilespmem:s22+$0x12420] =	vst v5  }
0x3b6: {  	[tilespmem:s22+$0x124A0] =	vst v1  }
0x3b7: {  	v56 =	vadd.s32 s25, v31;
	[tilespmem:s22+$0x121A0] =	vst v4  }
0x3b8: {  	v3 =	vadd.s32 s26, v31;
	[tilespmem:$0x1F440] =	vst v56  }
0x3b9: {  	[tilespmem:$0x1F450] =	vst v3  }
0x3ba: {  	[tilespmem:s22+$0x12530] =	vst v60;
	v3 =	vadd.s32 s2, v10  }
0x3bb: {  	[tilespmem:$0x1F490] =	vst v3;
	v3 =	vadd.s32 s29, v31  }
0x3bc: {  	[tilespmem:$0x1F470] =	vst v3;
	v3 =	vadd.s32 s29, v10  }
0x3bd: {  	v6 =	vld.idx.msk [tilespmem:v58+s15+$0x0], $0xffff;
	[tilespmem:$0x1F4E0] =	vst v3;
	v3 =	vadd.s32 s22, v10  }
0x3be: {  	v61 =	vld.idx.msk [tilespmem:v61+s15+$0x0], $0xffff;
	[tilespmem:$0x1F4F0] =	vst v3;
	v3 =	vadd.s32 s25, v10  }
0x3bf: {  	v7 =	vld.idx.msk [tilespmem:v7+s15+$0x0], $0xffff;
	[tilespmem:$0x1F4A0] =	vst v3;
	v3 =	vadd.s32 s26, v10  }
0x3c0: {  	[tilespmem:$0x1F4C0] =	vst v3;
	v3 =	vld [tilespmem:$0x1FF60]  }
0x3c1: {  	[tilespmem:s22+$0x12230] =	vst v2  }
0x3c2: {  	v56 =	vadd.s32 s28, v10;
	[tilespmem:s22+$0x122B0] =	vst v6  }
0x3c3: {  	[tilespmem:$0x1F4B0] =	vst v56  }
0x3c4: {  	[tilespmem:s22+$0x12330] =	vst v61  }
0x3c5: {  	[tilespmem:s22+$0x123B0] =	vst v7;
	v5 =	vadd.s32 s2, v3  }
0x3c6: {  	v0 =	vld.idx.msk [tilespmem:v0+s15+$0x0], $0xffff;
	v1 =	vadd.s32 s22, v3;
	[tilespmem:$0x1F500] =	vst v5  }
0x3c7: {  	v61 =	vld [tilespmem:$0x1FF80];
	v5 =	vadd.s32 s0, v10;
	[tilespmem:$0x1F560] =	vst v1  }
0x3c8: {  	v1 =	vadd.s32 s25, v3;
	[tilespmem:$0x1F4D0] =	vst v5  }
0x3c9: {  	[tilespmem:$0x1F510] =	vst v1;
	v1 =	vadd.s32 s28, v3  }
0x3ca: {  	v5 =	vadd.s32 s0, v3;
	[tilespmem:$0x1F520] =	vst v1;
	v1 =	vld.idx.msk [tilespmem:v8+s15+$0x0], $0xffff  }
0x3cb: {  	[tilespmem:$0x1F540] =	vst v5;
	v5 =	vld [tilespmem:$0x1FF70]  }
0x3cc: {  	[tilespmem:s22+$0x12540] =	vst v0;
	v0 =	vadd.s32 s26, v61  }
0x3cd: {  	[tilespmem:$0x1F610] =	vst v0;
	v2 =	vadd.s32 s26, v3  }
0x3ce: {  	v6 =	vadd.s32 s29, v3;
	[tilespmem:$0x1F530] =	vst v2  }
0x3cf: {  	[tilespmem:$0x1F550] =	vst v6  }
0x3d0: {  	v2 =	vadd.s32 s26, v5;
	[tilespmem:s22+$0x12430] =	vst v1  }
0x3d1: {  	v56 =	vadd.s32 s2, v5;
	[tilespmem:$0x1F5A0] =	vst v2  }
0x3d2: {  	v6 =	vadd.s32 s29, v5;
	[tilespmem:$0x1F570] =	vst v56  }
0x3d3: {  	v7 =	vadd.s32 s0, v5;
	[tilespmem:$0x1F5C0] =	vst v6  }
0x3d4: {  	v6 =	vadd.s32 s22, v5;
	[tilespmem:$0x1F5B0] =	vst v7  }
0x3d5: {  	v60 =	vld [tilespmem:$0x1FED0];
	v56 =	vadd.s32 s25, v5;
	[tilespmem:$0x1F5D0] =	vst v6  }
0x3d6: {  	v8 =	vld.idx.msk [tilespmem:v17+s15+$0x0], $0xffff;
	v7 =	vadd.s32 s0, v61;
	[tilespmem:$0x1F580] =	vst v56  }
0x3d7: {  	v2 =	vld.idx.msk [tilespmem:v9+s15+$0x0], $0xffff;
	v56 =	vadd.s32 s28, v5;
	[tilespmem:$0x1F620] =	vst v7  }
0x3d8: {  	v9 =	vld.idx.msk [tilespmem:v26+s15+$0x0], $0xffff;
	v7 =	vadd.s32 s22, v61;
	[tilespmem:$0x1F590] =	vst v56  }
0x3d9: {  	v6 =	vld.idx.msk [tilespmem:v25+s15+$0x0], $0xffff;
	[tilespmem:$0x1F640] =	vst v7;
	v7 =	vadd.s32 s25, v61  }
0x3da: {  	v56 =	vadd.s32 s2, v61;
	[tilespmem:$0x1F5F0] =	vst v7;
	v7 =	vld.idx.msk [tilespmem:v29+s15+$0x0], $0xffff  }
0x3db: {  	[tilespmem:$0x1F5E0] =	vst v56;
	v56 =	vld [tilespmem:$0x1FF90]  }
0x3dc: {  	[tilespmem:s22+$0x121B0] =	vst v8  }
0x3dd: {  	[tilespmem:s22+$0x124B0] =	vst v2  }
0x3de: {  	[tilespmem:s22+$0x122C0] =	vst v9  }
0x3df: {  	v4 =	vadd.s32 s24, v60;
	[tilespmem:s22+$0x12240] =	vst v6  }
0x3e0: {  	v0 =	vadd.s32 s26, v56;
	[tilespmem:s22+$0x12340] =	vst v7  }
0x3e1: {  	v1 =	vadd.s32 s22, v56;
	[tilespmem:$0x1F680] =	vst v0  }
0x3e2: {  	v0 =	vadd.s32 s29, v61;
	[tilespmem:$0x1F6B0] =	vst v1  }
0x3e3: {  	v1 =	vadd.s32 s2, v56;
	[tilespmem:$0x1F630] =	vst v0  }
0x3e4: {  	v0 =	vld.idx.msk [tilespmem:v4+s15+$0x0], $0xffff;
	[tilespmem:$0x1F650] =	vst v1;
	v1 =	vadd.s32 s25, v56  }
0x3e5: {  	v24 =	vadd.s32 s25, v45;
	v23 =	vadd.s32 s2, v45;
	v2 =	vadd.s32 s28, v56;
	[tilespmem:$0x1F660] =	vst v1;
	v1 =	vld.idx.msk [tilespmem:v12+s15+$0x0], $0xffff  }
0x3e6: {  	v18 =	vadd.s32 s28, v45;
	v19 =	vadd.s32 s0, v45;
	v6 =	vadd.s32 s0, v56;
	[tilespmem:$0x1F670] =	vst v2;
	v12 =	vld [tilespmem:$0x1FFA0]  }
0x3e7: {  	v20 =	vadd.s32 s29, v45;
	[tilespmem:$0x1F690] =	vst v6;
	v4 =	vadd.s32 s24, v45;
	v45 =	vadd.s32 s29, v56  }
0x3e8: {  	[tilespmem:$0x1F6A0] =	vst v45  }
0x3e9: {  	[tilespmem:s22+$0x12550] =	vst v0;
	v0 =	vadd.s32 s28, v52  }
0x3ea: {  	[tilespmem:$0x1F750] =	vst v0  }
0x3eb: {  	v2 =	vadd.s32 s28, v12;
	[tilespmem:s22+$0x123C0] =	vst v1  }
0x3ec: {  	v45 =	vld [tilespmem:$0x1F310];
	v6 =	vadd.s32 s0, v12;
	[tilespmem:$0x1F6E0] =	vst v2  }
0x3ed: {  	v7 =	vadd.s32 s26, v12;
	[tilespmem:$0x1F700] =	vst v6  }
0x3ee: {  	v0 =	vadd.s32 s28, v55;
	[tilespmem:$0x1F6F0] =	vst v7  }
0x3ef: {  	v1 =	vadd.s32 s2, v55;
	[tilespmem:$0x1F7C0] =	vst v0  }
0x3f0: {  	v7 =	vadd.s32 s26, v52;
	[tilespmem:$0x1F7A0] =	vst v1  }
0x3f1: {  	v28 =	vadd.s32 s2, v41;
	v0 =	vadd.s32 s0, v52;
	[tilespmem:$0x1F760] =	vst v7  }
0x3f2: {  	v32 =	vadd.s32 s28, v41;
	v22 =	vadd.s32 s26, v41;
	v7 =	vadd.s32 s29, v12;
	[tilespmem:$0x1F770] =	vst v0  }
0x3f3: {  	v27 =	vadd.s32 s29, v41;
	v0 =	vld.idx.msk [tilespmem:v4+s15+$0x0], $0xffff;
	v4 =	vadd.s32 s24, v41;
	v41 =	vadd.s32 s2, v51;
	[tilespmem:$0x1F710] =	vst v7  }
0x3f4: {  	v8 =	vld.idx.msk [tilespmem:v45+s15+$0x0], $0xffff;
	v45 =	vadd.s32 s22, v12;
	[tilespmem:$0x1F810] =	vst v41  }
0x3f5: {  	v2 =	vld.idx.msk [tilespmem:v11+s15+$0x0], $0xffff;
	v7 =	vadd.s32 s22, v52;
	[tilespmem:$0x1F720] =	vst v45  }
0x3f6: {  	v6 =	vld.idx.msk [tilespmem:v13+s15+$0x0], $0xffff;
	v45 =	vadd.s32 s2, v12;
	[tilespmem:$0x1F790] =	vst v7  }
0x3f7: {  	v1 =	vld.idx.msk [tilespmem:v16+s15+$0x0], $0xffff;
	v7 =	vadd.s32 s2, v52;
	[tilespmem:$0x1F6C0] =	vst v45  }
0x3f8: {  	v45 =	vadd.s32 s25, v12;
	[tilespmem:$0x1F730] =	vst v7  }
0x3f9: {  	[tilespmem:$0x1F6D0] =	vst v45  }
0x3fa: {  	[tilespmem:s22+$0x12440] =	vst v2  }
0x3fb: {  	[tilespmem:s22+$0x124C0] =	vst v6  }
0x3fc: {  	v2 =	vadd.s32 s29, v52;
	[tilespmem:s22+$0x12350] =	vst v1  }
0x3fd: {  	v11 =	vld [tilespmem:$0x1FFB0];
	v6 =	vadd.s32 s26, v55;
	[tilespmem:$0x1F780] =	vst v2  }
0x3fe: {  	[tilespmem:$0x1F7D0] =	vst v6  }
0x3ff: {  	v2 =	vadd.s32 s29, v55;
	[tilespmem:s22+$0x12560] =	vst v0  }
0x400: {  	[tilespmem:$0x1F7F0] =	vst v2  }
0x401: {  	v7 =	vld.idx.msk [tilespmem:v15+s15+$0x0], $0xffff;
	v6 =	vadd.s32 s26, v51;
	[tilespmem:s22+$0x121C0] =	vst v8  }
0x402: {  	v45 =	vld [tilespmem:$0x1F320];
	v0 =	vadd.s32 s25, v11;
	[tilespmem:$0x1F840] =	vst v6  }
0x403: {  	v41 =	vld [tilespmem:$0x1F330];
	v2 =	vadd.s32 s22, v55;
	[tilespmem:$0x1F880] =	vst v0  }
0x404: {  	v6 =	vld.idx.msk [tilespmem:v21+s15+$0x0], $0xffff;
	v0 =	vadd.s32 s26, v11;
	[tilespmem:$0x1F800] =	vst v2  }
0x405: {  	v2 =	vadd.s32 s25, v55;
	[tilespmem:$0x1F890] =	vst v0;
	v0 =	vld.idx.msk [tilespmem:v4+s15+$0x0], $0xffff  }
0x406: {  	[tilespmem:$0x1F7B0] =	vst v2  }
0x407: {  	[tilespmem:s22+$0x122D0] =	vst v7;
	v7 =	vadd.s32 s28, v51  }
0x408: {  	[tilespmem:$0x1F830] =	vst v7  }
0x409: {  	v2 =	vld.idx.msk [tilespmem:v14+s15+$0x0], $0xffff;
	[tilespmem:s22+$0x12450] =	vst v6  }
0x40a: {  	v9 =	vld.idx.msk [tilespmem:v45+s15+$0x0], $0xffff;
	v45 =	vadd.s32 s25, v52;
	[tilespmem:s22+$0x12570] =	vst v0  }
0x40b: {  	v4 =	vadd.s32 s24, v38;
	v6 =	vld [tilespmem:$0x1F350];
	[tilespmem:$0x1F740] =	vst v45;
	v45 =	vadd.s32 s0, v55  }
0x40c: {  	v8 =	vld.idx.msk [tilespmem:v41+s15+$0x0], $0xffff;
	[tilespmem:$0x1F7E0] =	vst v45;
	v45 =	vadd.s32 s25, v51  }
0x40d: {  	[tilespmem:$0x1F820] =	vst v45;
	v45 =	vld [tilespmem:$0x1F340]  }
0x40e: {  	v1 =	vld.idx.msk [tilespmem:v24+s15+$0x0], $0xffff;
	[tilespmem:s22+$0x123D0] =	vst v2;
	v2 =	vadd.s32 s0, v11  }
0x40f: {  	[tilespmem:$0x1F8A0] =	vst v2;
	v2 =	vld.idx.msk [tilespmem:v18+s15+$0x0], $0xffff  }
0x410: {  	v7 =	vadd.s32 s0, v51;
	v0 =	vld.idx.msk [tilespmem:v4+s15+$0x0], $0xffff;
	[tilespmem:s22+$0x12250] =	vst v9  }
0x411: {  	[tilespmem:$0x1F850] =	vst v7;
	v7 =	vld.idx.msk [tilespmem:v23+s15+$0x0], $0xffff  }
0x412: {  	v4 =	vadd.s32 s24, v46;
	[tilespmem:s22+$0x124D0] =	vst v8;
	v8 =	vld.idx.msk [tilespmem:v19+s15+$0x0], $0xffff  }
0x413: {  	v6 =	vld.idx.msk [tilespmem:v6+s15+$0x0], $0xffff  }
0x414: {  	[tilespmem:s22+$0x12360] =	vst v2;
	v2 =	vld [tilespmem:$0x1F370]  }
0x415: {  	[tilespmem:s22+$0x12900] =	vst v0;
	v9 =	vld.idx.msk [tilespmem:v45+s15+$0x0], $0xffff  }
0x416: {  	[tilespmem:s22+$0x12260] =	vst v7;
	v7 =	vld.idx.msk [tilespmem:v20+s15+$0x0], $0xffff  }
0x417: {  	v0 =	vld.idx.msk [tilespmem:v4+s15+$0x0], $0xffff  }
0x418: {  	[tilespmem:s22+$0x122E0] =	vst v1;
	v1 =	vld.idx.msk [tilespmem:v28+s15+$0x0], $0xffff  }
0x419: {  	v4 =	vadd.s32 s24, v62;
	[tilespmem:s22+$0x123E0] =	vst v6;
	v6 =	vld.idx.msk [tilespmem:v32+s15+$0x0], $0xffff  }
0x41a: {  	[tilespmem:s22+$0x121D0] =	vst v9;
	v9 =	vld [tilespmem:$0x1F360]  }
0x41b: {  	[tilespmem:s22+$0x124E0] =	vst v7;
	v7 =	vld [tilespmem:$0x1F380]  }
0x41c: {  	v33 =	vadd.s32 s2, v38;
	v42 =	vadd.s32 s2, v46;
	v39 =	vadd.s32 s26, v46;
	v2 =	vld.idx.msk [tilespmem:v2+s15+$0x0], $0xffff  }
0x41d: {  	v44 =	vadd.s32 s0, v46;
	v37 =	vadd.s32 s25, v46;
	[tilespmem:s22+$0x12910] =	vst v0;
	v46 =	vld.idx.msk [tilespmem:v22+s15+$0x0], $0xffff  }
0x41e: {  	v0 =	vld.idx.msk [tilespmem:v4+s15+$0x0], $0xffff  }
0x41f: {  	v4 =	vadd.s32 s24, v34;
	v32 =	vld.idx.msk [tilespmem:v27+s15+$0x0], $0xffff  }
0x420: {  	v36 =	vadd.s32 s25, v38;
	[tilespmem:s22+$0x12270] =	vst v1;
	v1 =	vld [tilespmem:$0x1F390]  }
0x421: {  	v30 =	vadd.s32 s28, v38;
	[tilespmem:s22+$0x122F0] =	vst v2;
	v2 =	vld.idx.msk [tilespmem:v33+s15+$0x0], $0xffff  }
0x422: {  	[tilespmem:s22+$0x12460] =	vst v8;
	v9 =	vld.idx.msk [tilespmem:v9+s15+$0x0], $0xffff  }
0x423: {  	[tilespmem:s22+$0x12920] =	vst v0;
	v7 =	vld.idx.msk [tilespmem:v7+s15+$0x0], $0xffff  }
0x424: {  	v0 =	vld.idx.msk [tilespmem:v4+s15+$0x0], $0xffff  }
0x425: {  	[tilespmem:s22+$0x12370] =	vst v6;
	v4 =	vadd.s32 s24, v31;
	v6 =	vld.idx.msk [tilespmem:v36+s15+$0x0], $0xffff  }
0x426: {  	v36 =	vld.idx.msk [tilespmem:v30+s15+$0x0], $0xffff;
	[tilespmem:s22+$0x12600] =	vst v2  }
0x427: {  	v2 =	vld [tilespmem:$0x1F3B0];
	[tilespmem:s22+$0x121E0] =	vst v9  }
0x428: {  	v40 =	vadd.s32 s0, v38;
	[tilespmem:s22+$0x12470] =	vst v7;
	v7 =	vld [tilespmem:$0x1F3A0]  }
0x429: {  	v35 =	vadd.s32 s29, v38;
	[tilespmem:s22+$0x12930] =	vst v0;
	v1 =	vld.idx.msk [tilespmem:v1+s15+$0x0], $0xffff  }
0x42a: {  	v0 =	vld.idx.msk [tilespmem:v4+s15+$0x0], $0xffff  }
0x42b: {  	[tilespmem:s22+$0x12680] =	vst v6;
	v6 =	vld.idx.msk [tilespmem:v42+s15+$0x0], $0xffff  }
0x42c: {  	v42 =	vld.idx.msk [tilespmem:v37+s15+$0x0], $0xffff  }
0x42d: {  	[tilespmem:s22+$0x124F0] =	vst v32;
	v4 =	vadd.s32 s24, v10;
	v40 =	vld.idx.msk [tilespmem:v40+s15+$0x0], $0xffff  }
0x42e: {  	[tilespmem:s22+$0x121F0] =	vst v1;
	v1 =	vld.idx.msk [tilespmem:v35+s15+$0x0], $0xffff  }
0x42f: {  	[tilespmem:s22+$0x123F0] =	vst v46;
	v2 =	vld.idx.msk [tilespmem:v2+s15+$0x0], $0xffff  }
0x430: {  	[tilespmem:s22+$0x12940] =	vst v0;
	v7 =	vld.idx.msk [tilespmem:v7+s15+$0x0], $0xffff  }
0x431: {  	[tilespmem:s22+$0x12610] =	vst v6;
	v6 =	vld [tilespmem:$0x1F3E0]  }
0x432: {  	v48 =	vadd.s32 s2, v62;
	v0 =	vld.idx.msk [tilespmem:v4+s15+$0x0], $0xffff;
	[tilespmem:s22+$0x12800] =	vst v40  }
0x433: {  	[tilespmem:s22+$0x12880] =	vst v1;
	v1 =	vld.idx.msk [tilespmem:v44+s15+$0x0], $0xffff  }
0x434: {  	v4 =	vadd.s32 s24, v3;
	[tilespmem:s22+$0x12580] =	vst v2;
	v2 =	vld [tilespmem:$0x1F3D0]  }
0x435: {  	[tilespmem:s22+$0x12780] =	vst v7;
	v7 =	vld [tilespmem:$0x1F3C0]  }
0x436: {  	v3 =	vld [tilespmem:$0x1F420]  }
0x437: {  	v48 =	vld.idx.msk [tilespmem:v48+s15+$0x0], $0xffff;
	[tilespmem:s22+$0x12950] =	vst v0  }
0x438: {  	[tilespmem:s22+$0x12810] =	vst v1;
	v1 =	vld [tilespmem:$0x1F3F0]  }
0x439: {  	v0 =	vld.idx.msk [tilespmem:v4+s15+$0x0], $0xffff  }
0x43a: {  	v4 =	vadd.s32 s24, v5;
	v46 =	vld.idx.msk [tilespmem:v39+s15+$0x0], $0xffff  }
0x43b: {  	v5 =	vld [tilespmem:$0x1F460]  }
0x43c: {  	v54 =	vadd.s32 s0, v62;
	[tilespmem:s22+$0x12700] =	vst v36;
	v2 =	vld.idx.msk [tilespmem:v2+s15+$0x0], $0xffff  }
0x43d: {  	v53 =	vadd.s32 s25, v62;
	v7 =	vld.idx.msk [tilespmem:v7+s15+$0x0], $0xffff  }
0x43e: {  	v6 =	vld.idx.msk [tilespmem:v6+s15+$0x0], $0xffff;
	[tilespmem:s22+$0x12960] =	vst v0  }
0x43f: {  	v47 =	vadd.s32 s29, v62;
	v0 =	vld.idx.msk [tilespmem:v4+s15+$0x0], $0xffff;
	[tilespmem:s22+$0x12790] =	vst v46  }
0x440: {  	[tilespmem:s22+$0x12690] =	vst v42;
	v1 =	vld.idx.msk [tilespmem:v1+s15+$0x0], $0xffff  }
0x441: {  	[tilespmem:s22+$0x12890] =	vst v2;
	v2 =	vld.idx.msk [tilespmem:v54+s15+$0x0], $0xffff  }
0x442: {  	v57 =	vadd.s32 s2, v34;
	[tilespmem:s22+$0x12710] =	vst v7;
	v7 =	vld.idx.msk [tilespmem:v53+s15+$0x0], $0xffff  }
0x443: {  	v43 =	vadd.s32 s28, v62;
	v54 =	vld [tilespmem:$0x1F400]  }
0x444: {  	v50 =	vadd.s32 s0, v34;
	[tilespmem:s22+$0x12590] =	vst v6;
	v6 =	vld.idx.msk [tilespmem:v47+s15+$0x0], $0xffff  }
0x445: {  	v63 =	vadd.s32 s26, v34;
	[tilespmem:s22+$0x12620] =	vst v48;
	v4 =	vld [tilespmem:$0x1F4B0]  }
0x446: {  	[tilespmem:s22+$0x127A0] =	vst v1;
	v1 =	vld [tilespmem:$0x1F410]  }
0x447: {  	[tilespmem:s22+$0x126A0] =	vst v7;
	v7 =	vld.idx.msk [tilespmem:v57+s15+$0x0], $0xffff  }
0x448: {  	v53 =	vld.idx.msk [tilespmem:v43+s15+$0x0], $0xffff;
	[tilespmem:s22+$0x12820] =	vst v2  }
0x449: {  	[tilespmem:s22+$0x128A0] =	vst v6;
	v6 =	vld.idx.msk [tilespmem:v50+s15+$0x0], $0xffff  }
0x44a: {  	v2 =	vld.idx.msk [tilespmem:v63+s15+$0x0], $0xffff  }
0x44b: {  	v8 =	vld.idx.msk [tilespmem:v54+s15+$0x0], $0xffff  }
0x44c: {  	v49 =	vadd.s32 s25, v34;
	[tilespmem:s22+$0x12630] =	vst v7;
	v7 =	vld.idx.msk [tilespmem:v3+s15+$0x0], $0xffff  }
0x44d: {  	[tilespmem:s22+$0x12720] =	vst v53;
	v3 =	vld [tilespmem:$0x1F430]  }
0x44e: {  	[tilespmem:s22+$0x12830] =	vst v6;
	v1 =	vld.idx.msk [tilespmem:v1+s15+$0x0], $0xffff  }
0x44f: {  	v58 =	vadd.s32 s28, v31;
	v6 =	vld.idx.msk [tilespmem:v5+s15+$0x0], $0xffff  }
0x450: {  	v5 =	vld [tilespmem:$0x1F470]  }
0x451: {  	v57 =	vld.idx.msk [tilespmem:v49+s15+$0x0], $0xffff;
	[tilespmem:s22+$0x127B0] =	vst v2  }
0x452: {  	[tilespmem:s22+$0x128B0] =	vst v7;
	v7 =	vld [tilespmem:$0x1F480]  }
0x453: {  	[tilespmem:s22+$0x12730] =	vst v1;
	v1 =	vld [tilespmem:$0x1F440]  }
0x454: {  	[tilespmem:s22+$0x125A0] =	vst v8;
	v2 =	vld.idx.msk [tilespmem:v58+s15+$0x0], $0xffff  }
0x455: {  	v8 =	vld.idx.msk [tilespmem:v3+s15+$0x0], $0xffff  }
0x456: {  	v3 =	vld [tilespmem:$0x1F450]  }
0x457: {  	[tilespmem:s22+$0x12840] =	vst v6;
	v6 =	vld [tilespmem:$0x1F4C0]  }
0x458: {  	v5 =	vld.idx.msk [tilespmem:v5+s15+$0x0], $0xffff  }
0x459: {  	[tilespmem:s22+$0x12740] =	vst v2;
	v2 =	vld [tilespmem:$0x1F4A0]  }
0x45a: {  	[tilespmem:s22+$0x126B0] =	vst v57;
	v4 =	vld.idx.msk [tilespmem:v4+s15+$0x0], $0xffff  }
0x45b: {  	[tilespmem:s22+$0x125B0] =	vst v8;
	v1 =	vld.idx.msk [tilespmem:v1+s15+$0x0], $0xffff  }
0x45c: {  	v7 =	vld.idx.msk [tilespmem:v7+s15+$0x0], $0xffff  }
0x45d: {  	[tilespmem:s22+$0x128C0] =	vst v5;
	v5 =	vld [tilespmem:$0x1F4D0]  }
0x45e: {  	v3 =	vld.idx.msk [tilespmem:v3+s15+$0x0], $0xffff  }
0x45f: {  	v59 =	vadd.s32 s2, v31  }
0x460: {  	[tilespmem:s22+$0x12750] =	vst v4;
	v4 =	vld [tilespmem:$0x1F510]  }
0x461: {  	[tilespmem:s22+$0x126C0] =	vst v1;
	v1 =	vld [tilespmem:$0x1F490]  }
0x462: {  	[tilespmem:s22+$0x125C0] =	vst v7;
	v2 =	vld.idx.msk [tilespmem:v2+s15+$0x0], $0xffff  }
0x463: {  	v7 =	vld [tilespmem:$0x1F4E0];
	[tilespmem:s22+$0x127C0] =	vst v3;
	v3 =	vadd.s32 s24, v61  }
0x464: {  	v59 =	vld.idx.msk [tilespmem:v59+s15+$0x0], $0xffff  }
0x465: {  	v6 =	vld.idx.msk [tilespmem:v6+s15+$0x0], $0xffff  }
0x466: {  	[tilespmem:s22+$0x12970] =	vst v0;
	v5 =	vld.idx.msk [tilespmem:v5+s15+$0x0], $0xffff  }
0x467: {  	[tilespmem:s22+$0x126D0] =	vst v2;
	v2 =	vld [tilespmem:$0x1F500]  }
0x468: {  	v0 =	vld.idx.msk [tilespmem:v3+s15+$0x0], $0xffff  }
0x469: {  	[tilespmem:s22+$0x12640] =	vst v59;
	v4 =	vld.idx.msk [tilespmem:v4+s15+$0x0], $0xffff  }
0x46a: {  	v1 =	vld.idx.msk [tilespmem:v1+s15+$0x0], $0xffff  }
0x46b: {  	v3 =	vadd.s32 s24, v56;
	v7 =	vld.idx.msk [tilespmem:v7+s15+$0x0], $0xffff;
	[tilespmem:s22+$0x127D0] =	vst v6  }
0x46c: {  	v6 =	vld [tilespmem:$0x1F520];
	[tilespmem:s22+$0x12850] =	vst v5  }
0x46d: {  	v5 =	vld [tilespmem:$0x1F530];
	[tilespmem:s22+$0x12D00] =	vst v0  }
0x46e: {  	[tilespmem:s22+$0x126E0] =	vst v4;
	v4 =	vld [tilespmem:$0x1F570]  }
0x46f: {  	[tilespmem:s22+$0x12650] =	vst v1;
	v1 =	vld [tilespmem:$0x1F4F0]  }
0x470: {  	v0 =	vld.idx.msk [tilespmem:v3+s15+$0x0], $0xffff  }
0x471: {  	v2 =	vld.idx.msk [tilespmem:v2+s15+$0x0], $0xffff  }
0x472: {  	[tilespmem:s22+$0x128D0] =	vst v7;
	v7 =	vld [tilespmem:$0x1F540];
	v3 =	vadd.s32 s24, v12;
	_ =	sdelay $0x1  }
0x473: {  	v6 =	vld.idx.msk [tilespmem:v6+s15+$0x0], $0xffff  }
0x474: {  	v5 =	vld.idx.msk [tilespmem:v5+s15+$0x0], $0xffff;
	[tilespmem:s22+$0x12D10] =	vst v0  }
0x475: {  	[tilespmem:s22+$0x12660] =	vst v2;
	v2 =	vld [tilespmem:$0x1F560]  }
0x476: {  	v0 =	vld.idx.msk [tilespmem:v3+s15+$0x0], $0xffff  }
0x477: {  	v4 =	vld.idx.msk [tilespmem:v4+s15+$0x0], $0xffff  }
0x478: {  	v1 =	vld.idx.msk [tilespmem:v1+s15+$0x0], $0xffff  }
0x479: {  	v7 =	vld.idx.msk [tilespmem:v7+s15+$0x0], $0xffff  }
0x47a: {  	[tilespmem:s22+$0x12760] =	vst v6;
	v6 =	vld [tilespmem:$0x1F580]  }
0x47b: {  	[tilespmem:s22+$0x127E0] =	vst v5;
	v5 =	vld [tilespmem:$0x1F590]  }
0x47c: {  	v3 =	vadd.s32 s24, v52;
	[tilespmem:s22+$0x12670] =	vst v4;
	v4 =	vld [tilespmem:$0x1F5D0]  }
0x47d: {  	[tilespmem:s22+$0x125D0] =	vst v1;
	v1 =	vld [tilespmem:$0x1F550]  }
0x47e: {  	v2 =	vld.idx.msk [tilespmem:v2+s15+$0x0], $0xffff  }
0x47f: {  	[tilespmem:s22+$0x12860] =	vst v7;
	v7 =	vld [tilespmem:$0x1F5A0]  }
0x480: {  	[tilespmem:s22+$0x12D20] =	vst v0  }
0x481: {  	v0 =	vld.idx.msk [tilespmem:v3+s15+$0x0], $0xffff  }
0x482: {  	v6 =	vld.idx.msk [tilespmem:v6+s15+$0x0], $0xffff  }
0x483: {  	[tilespmem:s22+$0x125E0] =	vst v2;
	v2 =	vld [tilespmem:$0x1F5C0]  }
0x484: {  	v5 =	vld.idx.msk [tilespmem:v5+s15+$0x0], $0xffff  }
0x485: {  	v1 =	vld.idx.msk [tilespmem:v1+s15+$0x0], $0xffff  }
0x486: {  	v4 =	vld.idx.msk [tilespmem:v4+s15+$0x0], $0xffff  }
0x487: {  	v7 =	vld.idx.msk [tilespmem:v7+s15+$0x0], $0xffff  }
0x488: {  	[tilespmem:s22+$0x126F0] =	vst v6;
	v6 =	vld [tilespmem:$0x1F5E0]  }
0x489: {  	[tilespmem:s22+$0x12770] =	vst v5;
	v5 =	vld [tilespmem:$0x1F5F0]  }
0x48a: {  	v25 =	vadd.s32 s28, v61;
	v3 =	vadd.s32 s24, v55;
	[tilespmem:s22+$0x128E0] =	vst v1;
	v1 =	vld [tilespmem:$0x1F5B0]  }
0x48b: {  	[tilespmem:$0x1F600] =	vst v25;
	v2 =	vld.idx.msk [tilespmem:v2+s15+$0x0], $0xffff  }
0x48c: {  	[tilespmem:s22+$0x125F0] =	vst v4;
	v4 =	vld [tilespmem:$0x1F630]  }
0x48d: {  	[tilespmem:s22+$0x127F0] =	vst v7;
	v7 =	vld [tilespmem:$0x1F600]  }
0x48e: {  	[tilespmem:s22+$0x12D30] =	vst v0  }
0x48f: {  	v0 =	vld.idx.msk [tilespmem:v3+s15+$0x0], $0xffff  }
0x490: {  	[tilespmem:s22+$0x128F0] =	vst v2;
	v2 =	vld [tilespmem:$0x1F620]  }
0x491: {  	v6 =	vld.idx.msk [tilespmem:v6+s15+$0x0], $0xffff  }
0x492: {  	v1 =	vld.idx.msk [tilespmem:v1+s15+$0x0], $0xffff  }
0x493: {  	v5 =	vld.idx.msk [tilespmem:v5+s15+$0x0], $0xffff  }
0x494: {  	v4 =	vld.idx.msk [tilespmem:v4+s15+$0x0], $0xffff  }
0x495: {  	v7 =	vld.idx.msk [tilespmem:v7+s15+$0x0], $0xffff  }
0x496: {  	[tilespmem:s22+$0x12A00] =	vst v6;
	v6 =	vld [tilespmem:$0x1F640]  }
0x497: {  	[tilespmem:s22+$0x12870] =	vst v1;
	v1 =	vld [tilespmem:$0x1F610]  }
0x498: {  	v2 =	vld.idx.msk [tilespmem:v2+s15+$0x0], $0xffff  }
0x499: {  	v3 =	vadd.s32 s24, v51;
	[tilespmem:s22+$0x12A80] =	vst v5;
	v5 =	vld [tilespmem:$0x1F650]  }
0x49a: {  	[tilespmem:s22+$0x12C80] =	vst v4;
	v4 =	vld [tilespmem:$0x1F690]  }
0x49b: {  	[tilespmem:s22+$0x12B00] =	vst v7;
	v7 =	vld [tilespmem:$0x1F660]  }
0x49c: {  	v17 =	vld [tilespmem:$0x1FE90];
	[tilespmem:s22+$0x12D40] =	vst v0  }
0x49d: {  	[tilespmem:s22+$0x12C00] =	vst v2;
	v2 =	vld [tilespmem:$0x1F680]  }
0x49e: {  	v0 =	vld.idx.msk [tilespmem:v3+s15+$0x0], $0xffff  }
0x49f: {  	v1 =	vld.idx.msk [tilespmem:v1+s15+$0x0], $0xffff  }
0x4a0: {  	v6 =	vld.idx.msk [tilespmem:v6+s15+$0x0], $0xffff  }
0x4a1: {  	v5 =	vld.idx.msk [tilespmem:v5+s15+$0x0], $0xffff  }
0x4a2: {  	v13 =	vadd.s32 s2, v11;
	v4 =	vld.idx.msk [tilespmem:v4+s15+$0x0], $0xffff  }
0x4a3: {  	[tilespmem:$0x1F870] =	vst v13;
	v7 =	vld.idx.msk [tilespmem:v7+s15+$0x0], $0xffff  }
0x4a4: {  	v13 =	vadd.s32 s29, v51;
	[tilespmem:s22+$0x12B80] =	vst v1;
	v1 =	vld [tilespmem:$0x1F670]  }
0x4a5: {  	[tilespmem:$0x1F860] =	vst v13;
	v2 =	vld.idx.msk [tilespmem:v2+s15+$0x0], $0xffff  }
0x4a6: {  	v3 =	vadd.s32 s24, v11;
	[tilespmem:s22+$0x12A10] =	vst v5;
	v5 =	vld [tilespmem:$0x1F6A0]  }
0x4a7: {  	[tilespmem:s22+$0x12980] =	vst v6;
	v6 =	vld [tilespmem:$0x1F6B0]  }
0x4a8: {  	[tilespmem:s22+$0x12C10] =	vst v4;
	v4 =	vld [tilespmem:$0x1F6F0]  }
0x4a9: {  	v13 =	vld [tilespmem:$0x1FFC0];
	[tilespmem:s22+$0x12D50] =	vst v0  }
0x4aa: {  	[tilespmem:s22+$0x12B90] =	vst v2;
	v2 =	vld [tilespmem:$0x1F6E0]  }
0x4ab: {  	v0 =	vld.idx.msk [tilespmem:v3+s15+$0x0], $0xffff  }
0x4ac: {  	v1 =	vld.idx.msk [tilespmem:v1+s15+$0x0], $0xffff  }
0x4ad: {  	[tilespmem:s22+$0x12A90] =	vst v7;
	v7 =	vld [tilespmem:$0x1F6C0]  }
0x4ae: {  	v5 =	vld.idx.msk [tilespmem:v5+s15+$0x0], $0xffff  }
0x4af: {  	v6 =	vld.idx.msk [tilespmem:v6+s15+$0x0], $0xffff  }
0x4b0: {  	v4 =	vld.idx.msk [tilespmem:v4+s15+$0x0], $0xffff  }
0x4b1: {  	[tilespmem:s22+$0x12B10] =	vst v1;
	v1 =	vld [tilespmem:$0x1F6D0]  }
0x4b2: {  	v2 =	vld.idx.msk [tilespmem:v2+s15+$0x0], $0xffff  }
0x4b3: {  	v3 =	vadd.s32 s24, v13;
	[tilespmem:s22+$0x12C90] =	vst v5;
	v5 =	vld [tilespmem:$0x1F700]  }
0x4b4: {  	[tilespmem:s22+$0x12990] =	vst v6;
	v6 =	vld [tilespmem:$0x1F710]  }
0x4b5: {  	[tilespmem:s22+$0x12D60] =	vst v0;
	v7 =	vld.idx.msk [tilespmem:v7+s15+$0x0], $0xffff  }
0x4b6: {  	[tilespmem:s22+$0x12BA0] =	vst v4;
	v4 =	vld [tilespmem:$0x1F750]  }
0x4b7: {  	[tilespmem:s22+$0x12B20] =	vst v2;
	v2 =	vld [tilespmem:$0x1F740]  }
0x4b8: {  	v0 =	vld.idx.msk [tilespmem:v3+s15+$0x0], $0xffff  }
0x4b9: {  	v1 =	vld.idx.msk [tilespmem:v1+s15+$0x0], $0xffff  }
0x4ba: {  	[tilespmem:s22+$0x12A20] =	vst v7;
	v7 =	vld [tilespmem:$0x1F720]  }
0x4bb: {  	v5 =	vld.idx.msk [tilespmem:v5+s15+$0x0], $0xffff  }
0x4bc: {  	v6 =	vld.idx.msk [tilespmem:v6+s15+$0x0], $0xffff  }
0x4bd: {  	v3 =	vld [tilespmem:$0x1F7B0]  }
0x4be: {  	v4 =	vld.idx.msk [tilespmem:v4+s15+$0x0], $0xffff;
	[tilespmem:s22+$0x12AA0] =	vst v1  }
0x4bf: {  	v2 =	vld.idx.msk [tilespmem:v2+s15+$0x0], $0xffff  }
0x4c0: {  	[tilespmem:s22+$0x12C20] =	vst v5;
	v5 =	vld [tilespmem:$0x1F760]  }
0x4c1: {  	[tilespmem:s22+$0x12CA0] =	vst v6;
	v6 =	vld [tilespmem:$0x1F770]  }
0x4c2: {  	v7 =	vld.idx.msk [tilespmem:v7+s15+$0x0], $0xffff  }
0x4c3: {  	[tilespmem:s22+$0x12D70] =	vst v0;
	v0 =	vld [tilespmem:$0x1F7F0]  }
0x4c4: {  	v1 =	vld [tilespmem:$0x1F730];
	[tilespmem:s22+$0x12AB0] =	vst v2  }
0x4c5: {  	v3 =	vld.idx.msk [tilespmem:v3+s15+$0x0], $0xffff  }
0x4c6: {  	[tilespmem:s22+$0x12B30] =	vst v4;
	v4 =	vld [tilespmem:$0x1F7C0]  }
0x4c7: {  	[tilespmem:s22+$0x129A0] =	vst v7;
	v7 =	vld [tilespmem:$0x1F780]  }
0x4c8: {  	v5 =	vld.idx.msk [tilespmem:v5+s15+$0x0], $0xffff  }
0x4c9: {  	v6 =	vld.idx.msk [tilespmem:v6+s15+$0x0], $0xffff  }
0x4ca: {  	[tilespmem:s22+$0x12AC0] =	vst v3;
	v3 =	vld [tilespmem:$0x1F820]  }
0x4cb: {  	v2 =	vld [tilespmem:$0x1F7A0]  }
0x4cc: {  	v1 =	vld.idx.msk [tilespmem:v1+s15+$0x0], $0xffff  }
0x4cd: {  	[tilespmem:s22+$0x12BB0] =	vst v5;
	v5 =	vld [tilespmem:$0x1F7D0]  }
0x4ce: {  	v4 =	vld.idx.msk [tilespmem:v4+s15+$0x0], $0xffff  }
0x4cf: {  	v7 =	vld.idx.msk [tilespmem:v7+s15+$0x0], $0xffff  }
0x4d0: {  	[tilespmem:s22+$0x12C30] =	vst v6;
	v6 =	vld [tilespmem:$0x1F7E0]  }
0x4d1: {  	[tilespmem:s22+$0x12A30] =	vst v1;
	v1 =	vld [tilespmem:$0x1F790]  }
0x4d2: {  	v3 =	vld.idx.msk [tilespmem:v3+s15+$0x0], $0xffff  }
0x4d3: {  	v2 =	vld.idx.msk [tilespmem:v2+s15+$0x0], $0xffff  }
0x4d4: {  	[tilespmem:s22+$0x12B40] =	vst v4;
	v4 =	vld [tilespmem:$0x1F830]  }
0x4d5: {  	[tilespmem:s22+$0x12CB0] =	vst v7;
	v5 =	vld.idx.msk [tilespmem:v5+s15+$0x0], $0xffff  }
0x4d6: {  	v0 =	vld.idx.msk [tilespmem:v0+s15+$0x0], $0xffff  }
0x4d7: {  	[tilespmem:s22+$0x12AD0] =	vst v3;
	v3 =	vld [tilespmem:$0x1F880]  }
0x4d8: {  	[tilespmem:s22+$0x12A40] =	vst v2;
	v2 =	vld [tilespmem:$0x1F810]  }
0x4d9: {  	v1 =	vld.idx.msk [tilespmem:v1+s15+$0x0], $0xffff  }
0x4da: {  	[tilespmem:s22+$0x12BC0] =	vst v5;
	v5 =	vld [tilespmem:$0x1F840]  }
0x4db: {  	v6 =	vld.idx.msk [tilespmem:v6+s15+$0x0], $0xffff  }
0x4dc: {  	[tilespmem:s22+$0x12CC0] =	vst v0;
	v0 =	vld [tilespmem:$0x1F860]  }
0x4dd: {  	v4 =	vld.idx.msk [tilespmem:v4+s15+$0x0], $0xffff  }
0x4de: {  	[tilespmem:s22+$0x129B0] =	vst v1;
	v1 =	vld [tilespmem:$0x1F800]  }
0x4df: {  	v7 =	vld.idx.msk [tilespmem:v3+s15+$0x0], $0xffff  }
0x4e0: {  	v41 =	vadd.s32 s28, v11;
	v3 =	vld [tilespmem:$0x1F890]  }
0x4e1: {  	v2 =	vld.idx.msk [tilespmem:v2+s15+$0x0], $0xffff  }
0x4e2: {  	v5 =	vld.idx.msk [tilespmem:v5+s15+$0x0], $0xffff  }
0x4e3: {  	[tilespmem:s22+$0x12C40] =	vst v6;
	v6 =	vld [tilespmem:$0x1F850]  }
0x4e4: {  	v15 =	vld [tilespmem:$0x1FE80];
	[tilespmem:s22+$0x12B50] =	vst v4  }
0x4e5: {  	v62 =	vld.idx.msk [tilespmem:v41+s15+$0x0], $0xffff  }
0x4e6: {  	[tilespmem:s22+$0x12A50] =	vst v2;
	v2 =	vld [tilespmem:$0x1F870]  }
0x4e7: {  	v1 =	vld.idx.msk [tilespmem:v1+s15+$0x0], $0xffff;
	[tilespmem:s22+$0x12BD0] =	vst v5  }
0x4e8: {  	v29 =	vadd.s32 s22, v51;
	v63 =	vld.idx.msk [tilespmem:v3+s15+$0x0], $0xffff  }
0x4e9: {  	v3 =	vld [tilespmem:$0x1F8A0]  }
0x4ea: {  	v0 =	vld.idx.msk [tilespmem:v0+s15+$0x0], $0xffff  }
0x4eb: {  	v38 =	vadd.s32 s28, v13;
	v6 =	vld.idx.msk [tilespmem:v6+s15+$0x0], $0xffff  }
0x4ec: {  	v21 =	vld [tilespmem:$0x1FEA0];
	[tilespmem:s22+$0x129C0] =	vst v1  }
0x4ed: {  	v14 =	vadd.s32 s29, v11;
	v1 =	vld.idx.msk [tilespmem:v29+s15+$0x0], $0xffff  }
0x4ee: {  	v45 =	vadd.s32 s25, v13;
	[tilespmem:s22+$0x12B60] =	vst v62;
	v2 =	vld.idx.msk [tilespmem:v2+s15+$0x0], $0xffff  }
0x4ef: {  	v16 =	vadd.s32 s22, v11;
	v28 =	vld [tilespmem:$0x1FEB0];
	[tilespmem:s22+$0x12CD0] =	vst v0  }
0x4f0: {  	v18 =	vadd.s32 s26, v13;
	v0 =	vld.idx.msk [tilespmem:v38+s15+$0x0], $0xffff;
	[tilespmem:s22+$0x12C50] =	vst v6  }
0x4f1: {  	p0 =	slt.u32 s23, $0x38;
	v23 =	vadd.s32 s2, v13;
	[tilespmem:s22+$0x12AE0] =	vst v7;
	v6 =	vld.idx.msk [tilespmem:v3+s15+$0x0], $0xffff  }
.Ltmp6:
0x4f2: {  	v5 =	vld.idx.msk [tilespmem:v14+s15+$0x0], $0xffff;
	[tilespmem:s22+$0x129D0] =	vst v1;
	(pc) =	sbr.rel @p0 .LBB2_6-.Ltmp6, $4  }
0x4f3: {  	[tilespmem:s22+$0x12A60] =	vst v2;
	v2 =	vld.idx.msk [tilespmem:v45+s15+$0x0], $0xffff  }
0x4f4: {  	v4 =	vld.idx.msk [tilespmem:v16+s15+$0x0], $0xffff;
	[tilespmem:s22+$0x12BE0] =	vst v63  }
0x4f5: {  	v1 =	vld.idx.msk [tilespmem:v18+s15+$0x0], $0xffff  }
0x4f6: {  	s23 =	sadd.s32 $0x8, s23;
	v25 =	vadd.s32 s0, v13;
	v24 =	vadd.s32 s22, v13;
	v26 =	vadd.s32 s29, v13;
	v3 =	vld.idx.msk [tilespmem:v23+s15+$0x0], $0xffff;
	[tilespmem:s22+$0x12C60] =	vst v6  }
0x4f7: {  	_ =	sdelay $0x2  }
0x4f8: {  	[tilespmem:s22+$0x12CE0] =	vst v5  }
0x4f9: {  	v59 =	vld.idx.msk [tilespmem:v25+s15+$0x0], $0xffff;
	[tilespmem:s22+$0x12B70] =	vst v0  }
0x4fa: {  	v62 =	vld.idx.msk [tilespmem:v26+s15+$0x0], $0xffff;
	[tilespmem:s22+$0x129E0] =	vst v4  }
0x4fb: {  	[tilespmem:s22+$0x12AF0] =	vst v2;
	v63 =	vld.idx.msk [tilespmem:v24+s15+$0x0], $0xffff  }
0x4fc: {  	[tilespmem:s22+$0x12BF0] =	vst v1  }
.Ltmp7:
0x4fd: {  	[tilespmem:s22+$0x12A70] =	vst v3;
	(pc) =	sbr.rel .LBB2_8-.Ltmp7, $4  }
0x4fe: {  	[tilespmem:s22+$0x12C70] =	vst v59  }
0x4ff: {  	s0 =	sshrl.u32 s21, $0x3;
	[tilespmem:s22+$0x12CF0] =	vst v62  }
0x500: {  	s0 =	sadd.s32 s4, s0;
	[tilespmem:s22+$0x129F0] =	vst v63  }
0x501: {  	v11 =	vmov v52;
	v12 =	vmov v55;
	v13 =	vmov v51;
	[hbm4b:s0+s6] =	stream.linear.scatter [tilespmem:s16], [sflag:$0x4], $0x6000, $0x38;
	[tilespmem:$0x18180] =	vst v63  }
.LBB2_10:
0x502: {  	_ =	sfence.sel $0x180000  }
0x503: {  	[bflag:$0x0] =	sbarrier.arrive $0xFFFF  }
0x504: {  	_ =	strace $0x90000047  }
0x505: {  	s0 =	stileid.u32;
	[bflag:$0x2] =	sbarrier.arrive $0xFFFF  }
0x506: {  	p0 =	sne.s32 s0, $0x0;
	s0 =	rddreg [dreg:$0x3]  }
0x507: {  	s0 =	sadd.s32 @!p0 $0x100000, s0  }
0x508: {  	[sflag:s0] =	ssyncadd.tile.s32 @!p0 $0x1;
	_ =	shalt  }
.Lfunc_end2:
_tile_overlayer_lowered:
.L_overlay_start_2:
0x509: {  	(tag) =	ssettag $0x2  }
0x50a: {  	s0 =	rddreg [dreg:$0x0];
	s2 =	stileid.u32  }
0x50b: {  	s1 =	rddreg [dreg:$0x1];
	p0 =	sne.s32 s2, $0x0  }
0x50c: {  	s3 =	rddreg [dreg:$0x2];
	[bflag:$0x3] =	sbarrier.arrive $0xFFFF;
	s2 =	simm.s32 @!p0 $0x1C05  }
0x50d: {  	[timem:s3], [sflag:s2] =	dma.local @!p0 [hbm:s0], s1  }
0x50e: {  	s0 =	simm.s32 @!p0 $0x5  }
0x50f: {  	_ =	swait.ge @!p0 [sflag:s0], s1  }
0x510: {  	s1 =	ssub.s32 @!p0 $0x0, s1;
	[sflag:s0] =	ssyncset.done @!p0 $0x0  }
0x511: {  	[sflag:s0] =	ssyncadd.s32 @!p0 s1  }
0x512: {  	[bflag:$0x3] =	sbarrier.arrive $0xFFFF  }
0x513: {  	_ =	shalt  }

</sc_bundles>
